<compile_context>
chip_gen: v7x
topology: tpu7x:2x2x1
jax: 0.10.2.dev20260603
libtpu: 0.0.44.dev20260713+nightly
codegen_flags: <defaults>
</compile_context>

<pallas_src>
import functools

import jax
import jax.numpy as jnp
from jax import lax
from jax.experimental import pallas as pl
from jax.experimental.pallas import tpu as pltpu
from jax.experimental.pallas import tpu_sc as plsc

_NSIGMA = 3.0
_PATCH = 8
_CH = 2000

_NW = 32
_CD = 40
_NCHUNK = 100000 // _CD
_JFULL = _NCHUNK // _NW
_EXTRA = _NCHUNK - _JFULL * _NW


def _prep_body(c_ref, s_ref, ch_ref, h_ref, par_ref, off_ref):
    c = c_ref[0]
    s = s_ref[0]
    inv_sqrt2 = 0.7071067811865476
    ir3 = lax.broadcasted_iota(jnp.int32, (3, 1), 0)
    h = jnp.where(ir3 == 0, h_ref[0], jnp.where(ir3 == 1, h_ref[1], h_ref[2]))

    offf = jnp.floor((c - _NSIGMA * s) / h)
    invs = inv_sqrt2 / s
    b0 = (offf * h - c) * invs
    step = h * invs

    ch = ch_ref[0]
    cdf_prev = 0.5 * (1.0 + lax.erf(b0))
    q0r, q1r, q2r = [], [], []
    for t in range(1, _PATCH + 1):
        cdf = 0.5 * (1.0 + lax.erf(b0 + float(t) * step))
        d = cdf - cdf_prev
        q0r.append(d[0:1] * ch)
        q1r.append(d[1:2])
        q2r.append(d[2:3])
        cdf_prev = cdf
    zeros8 = jnp.zeros((8, c.shape[1]), jnp.float32)
    p_t = jnp.concatenate(q0r + q1r + q2r + [zeros8], axis=0)
    eye = (lax.broadcasted_iota(jnp.int32, (32, 32), 0)
           == lax.broadcasted_iota(jnp.int32, (32, 32), 1)).astype(jnp.float32)
    par_ref[...] = lax.dot_general(p_t, eye, (((0,), (0,)), ((), ())),
                                   preferred_element_type=jnp.float32)
    off_ref[0] = offf.astype(jnp.int32)


def _tc_prep(c_t, s_t, ch_t, grid_spacing, n, grid):
    return pl.pallas_call(
        _prep_body,
        grid=(grid,),
        in_specs=[
            pl.BlockSpec((1, 3, _CH), lambda i: (i, 0, 0)),
            pl.BlockSpec((1, 3, _CH), lambda i: (i, 0, 0)),
            pl.BlockSpec((1, 1, _CH), lambda i: (i, 0, 0)),
            pl.BlockSpec(memory_space=pltpu.SMEM),
        ],
        out_specs=[
            pl.BlockSpec((_CH, 32), lambda i: (i, 0)),
            pl.BlockSpec((1, 3, _CH), lambda i: (i, 0, 0)),
        ],
        out_shape=[
            jax.ShapeDtypeStruct((n, 32), jnp.float32),
            jax.ShapeDtypeStruct((grid, 3, _CH), jnp.int32),
        ],
    )(c_t, s_t, ch_t, grid_spacing)


def _vgather(vec, idx):
    return lax.gather(
        vec, idx[:, None],
        lax.GatherDimensionNumbers(offset_dims=(),
                                   collapsed_slice_dims=(0,),
                                   start_index_map=(0,)),
        (1,), mode=lax.GatherScatterMode.PROMISE_IN_BOUNDS)


def _sc_raster_body(par_hbm, out_hbm, pbuf0, pbuf1, obuf0, obuf1,
                    sem0, sem1, psem0, psem1):
    nc = 2
    wid = lax.axis_index("s") * nc + lax.axis_index("c")

    iot = lax.iota(jnp.int32, 16)
    idx_q2rep = iot & 7
    idx_qp = [8 + 2 * u + (iot >> 3) for u in range(4)]
    idx_p = [iot * 0 + i for i in range(8)]

    def fetch(j, pbuf, psem):
        g = j * _NW + wid
        pltpu.make_async_copy(
            par_hbm.at[pl.ds(g * _CD, _CD)], pbuf, psem).start()

    def do_chunk(j, pbuf, psem, obuf, sem):
        g = j * _NW + wid
        pltpu.make_async_copy(
            par_hbm.at[pl.ds(0, _CD)], pbuf, psem).wait()

        @plsc.parallel_loop(0, _CD, 1, unroll=8)
        def _depo(d):
            va = pbuf[d, pl.ds(0, 16)]
            vb = pbuf[d, pl.ds(16, 16)]
            q2rep = _vgather(vb, idx_q2rep)
            qp = [_vgather(va, idx_qp[u]) * q2rep for u in range(4)]
            for i in range(8):
                p = _vgather(va, idx_p[i])
                for u in range(4):
                    obuf[d, pl.ds(i * 64 + u * 16, 16)] = p * qp[u]
        pltpu.make_async_copy(
            obuf, out_hbm.at[pl.ds(g * _CD, _CD)], sem).start()

    fetch(0, pbuf0, psem0)
    fetch(1, pbuf1, psem1)

    def chunk_pair(p, carry):
        @pl.when(p >= 1)
        def _():
            pltpu.make_async_copy(
                obuf0, out_hbm.at[pl.ds(0, _CD)], sem0).wait()
            pltpu.make_async_copy(
                obuf1, out_hbm.at[pl.ds(0, _CD)], sem1).wait()
        do_chunk(p * 2, pbuf0, psem0, obuf0, sem0)

        @pl.when(p * 2 + 2 <= _JFULL - 1)
        def _():
            fetch(p * 2 + 2, pbuf0, psem0)

        @pl.when((p * 2 + 2 == _JFULL) & (wid < _EXTRA))
        def _():
            fetch(_JFULL, pbuf0, psem0)

        do_chunk(p * 2 + 1, pbuf1, psem1, obuf1, sem1)

        @pl.when(p * 2 + 3 <= _JFULL - 1)
        def _():
            fetch(p * 2 + 3, pbuf1, psem1)
        return carry

    lax.fori_loop(0, _JFULL // 2, chunk_pair, 0, unroll=1)

    @pl.when(wid < _EXTRA)
    def _():
        pltpu.make_async_copy(
            obuf0, out_hbm.at[pl.ds(0, _CD)], sem0).wait()
        do_chunk(_JFULL, pbuf0, psem0, obuf0, sem0)

    pltpu.make_async_copy(
        obuf0, out_hbm.at[pl.ds(0, _CD)], sem0).wait()
    pltpu.make_async_copy(
        obuf1, out_hbm.at[pl.ds(0, _CD)], sem1).wait()


def _sc_raster(params_flat, n):
    mesh = plsc.VectorSubcoreMesh(core_axis_name="c", subcore_axis_name="s")
    kern = functools.partial(
        pl.kernel,
        out_type=jax.ShapeDtypeStruct((n, 512), jnp.float32),
        mesh=mesh,
        scratch_types=[
            pltpu.VMEM((_CD, 32), jnp.float32),
            pltpu.VMEM((_CD, 32), jnp.float32),
            pltpu.VMEM((_CD, 512), jnp.float32),
            pltpu.VMEM((_CD, 512), jnp.float32),
            pltpu.SemaphoreType.DMA,
            pltpu.SemaphoreType.DMA,
            pltpu.SemaphoreType.DMA,
            pltpu.SemaphoreType.DMA,
        ],
    )(_sc_raster_body)
    return kern(params_flat)


def kernel(sigma, time, charge, tail, grid_spacing, velocity):
    n = sigma.shape[0]
    grid = n // _CH
    c_t = jnp.stack([tail[:, 1], tail[:, 0], time]).reshape(3, grid, _CH)
    c_t = c_t.transpose(1, 0, 2)
    s_t = sigma.T.reshape(3, grid, _CH).transpose(1, 0, 2)
    ch_t = charge.reshape(grid, 1, _CH)
    params, offsets_t = _tc_prep(c_t, s_t, ch_t, grid_spacing, n, grid)
    rasters = _sc_raster(params, n)
    offsets = offsets_t.transpose(1, 0, 2).reshape(3, n).T
    return rasters.reshape(n, _PATCH, _PATCH, _PATCH), offsets

# --- scband reference (transcript-rebuilt; emitter-appended) ---
"""Pipeline reference for scband-raster-12996571037982 (READ-ONLY COPY).

The authoritative reference and input builder live on the scoring server;
editing this copy changes nothing except your own understanding.
"""

import jax, jax.numpy as jnp
import numpy as np
from jax.scipy.special import erf

NSIGMA = 3.0
PATCH = 8  # fixed patch bins per dim: covers 2*nsigma*sigma_max/h = 6 spacings (sigma<=1, h=1) with margin
PDIMS = (1, 2)
TDIM = -1


def setup_inputs(seed: int = 0) -> dict:
    key = jax.random.key(seed)
    k1, k2, k3, k4 = jax.random.split(key, 4)
    N = 100000
    tail = jax.random.normal(k1, (N, 3), dtype=jnp.float32) * 20.0
    # sigma in [0.5, 1.0) grid units to keep the Gaussian support inside the fixed patch
    sigma = jax.random.uniform(k2, (N, 3), dtype=jnp.float32, minval=0.5, maxval=1.0)
    time = jax.random.uniform(k3, (N,), dtype=jnp.float32) * 10.0
    charge = jax.random.uniform(k4, (N,), dtype=jnp.float32) * 5000.0
    grid_spacing = jnp.ones((3,), dtype=jnp.float32)
    velocity = jnp.float32(1.6)
    return {"sigma": sigma, "time": time, "charge": charge, "tail": tail,
            "grid_spacing": grid_spacing, "velocity": velocity}


def _transform(point, time):
    # faithful to Raster._transform with pdims=(1,2), tdim=-1:
    # axes = [1,2]; axes.insert(-1, old_tdim=0) -> [1, 0, 2]; then point[:, -1] = time
    ndims = len(PDIMS) + 1
    old_tdim = (set(range(ndims)) - set(PDIMS)).pop()
    axes = list(PDIMS)
    axes.insert(TDIM, old_tdim)
    point = point[:, jnp.array(axes)]
    point = point.at[:, TDIM].set(time)
    return point


def raster_depos(grid_spacing, centers, sigma, charge, nsigma):
    # Bin the Gaussian charge cloud of each depo onto a local PATCH^3 grid patch.
    # Per-bin effective charge = integral of the normalized Gaussian over the bin
    # (difference of CDFs at bin edges), separable over the 3 axes.
    h = grid_spacing  # (3,)
    low = centers - nsigma * sigma
    offsets = jnp.floor(low / h)  # (N, 3) grid index of patch corner
    # bin edges: (N, 3, PATCH+1)
    edges = (offsets[:, :, None] + jnp.arange(PATCH + 1, dtype=centers.dtype)[None, None, :]) * h[None, :, None]
    z = (edges - centers[:, :, None]) / (jnp.sqrt(2.0).astype(centers.dtype) * sigma[:, :, None])
    cdf = 0.5 * (1.0 + erf(z))
    q = cdf[..., 1:] - cdf[..., :-1]  # (N, 3, PATCH) per-axis bin integrals
    rasters = (charge[:, None, None, None]
               * q[:, 0, :, None, None]
               * q[:, 1, None, :, None]
               * q[:, 2, None, None, :])  # (N, PATCH, PATCH, PATCH)
    return rasters, offsets.astype(jnp.int32)


def reference(sigma, time, charge, tail, grid_spacing, velocity):
    # head is None -> depo path: dt = None, transform tail, raster depos.
    tail_t = _transform(tail, time)
    rasters, offsets = raster_depos(grid_spacing, tail_t, sigma, charge, NSIGMA)
    # Block(location=offsets, data=rasters) -> return as tuple
    return rasters, offsets

if __name__ == "__main__":
    import jax
    _d = setup_inputs()
    print(jax.jit(kernel)(*tuple(_d.values())))

</pallas_src>

<mosaic_0001>
#map = affine_map<(d0, d1) -> (0, 0)>
module attributes {stable_mosaic.version = 14 : i64} {
  func.func @_sc_raster_body(%arg0: i32, %arg1: i32, %arg2: memref<100000x32xf32, #tpu.memory_space<hbm>>, %arg3: memref<100000x512xf32, #tpu.memory_space<hbm>>, %arg4: memref<40x32xf32, #tpu.memory_space<vmem>>, %arg5: memref<40x32xf32, #tpu.memory_space<vmem>>, %arg6: memref<40x512xf32, #tpu.memory_space<vmem>>, %arg7: memref<40x512xf32, #tpu.memory_space<vmem>>, %arg8: memref<!tpu.dma_semaphore, #tpu.memory_space<semaphore_mem>>, %arg9: memref<!tpu.dma_semaphore, #tpu.memory_space<semaphore_mem>>, %arg10: memref<!tpu.dma_semaphore, #tpu.memory_space<semaphore_mem>>, %arg11: memref<!tpu.dma_semaphore, #tpu.memory_space<semaphore_mem>>) attributes {dimension_semantics = [#tpu.dimension_semantics<core_parallel>, #tpu.dimension_semantics<subcore_parallel>], iteration_bounds = array<i64: 2, 16>, scalar_prefetch = 0 : i64, scratch_operands = 8 : i64, tpu.core_type = #tpu.core_type<sc_vector_subcore>, window_params = [{transform_indices = #map}, {transform_indices = #map}]} {
    %mul3A = arith.constant 2 : i32
    %mul3A_0 = arith.muli %arg1, %mul3A : i32
    %add3A = arith.addi %mul3A_0, %arg0 : i32
    %iota3A = tpu.iota {dimensions = array<i32: 0>} : vector<16xi32>
    %and3A = arith.constant 7 : i32
    %and3A_1 = vector.broadcast %and3A : i32 to vector<16xi32>
    %and3A_2 = arith.andi %iota3A, %and3A_1 : vector<16xi32>
    %shift_right_arithmetic3A = arith.constant 3 : i32
    %shift_right_arithmetic3A_3 = vector.broadcast %shift_right_arithmetic3A : i32 to vector<16xi32>
    %shift_right_arithmetic3A_4 = arith.shrsi %iota3A, %shift_right_arithmetic3A_3 : vector<16xi32>
    %add3A_5 = arith.constant 8 : i32
    %add3A_6 = vector.broadcast %add3A_5 : i32 to vector<16xi32>
    %add3A_7 = arith.addi %add3A_6, %shift_right_arithmetic3A_4 : vector<16xi32>
    %shift_right_arithmetic3A_8 = arith.constant 3 : i32
    %shift_right_arithmetic3A_9 = vector.broadcast %shift_right_arithmetic3A_8 : i32 to vector<16xi32>
    %shift_right_arithmetic3A_10 = arith.shrsi %iota3A, %shift_right_arithmetic3A_9 : vector<16xi32>
    %add3A_11 = arith.constant 10 : i32
    %add3A_12 = vector.broadcast %add3A_11 : i32 to vector<16xi32>
    %add3A_13 = arith.addi %add3A_12, %shift_right_arithmetic3A_10 : vector<16xi32>
    %shift_right_arithmetic3A_14 = arith.constant 3 : i32
    %shift_right_arithmetic3A_15 = vector.broadcast %shift_right_arithmetic3A_14 : i32 to vector<16xi32>
    %shift_right_arithmetic3A_16 = arith.shrsi %iota3A, %shift_right_arithmetic3A_15 : vector<16xi32>
    %add3A_17 = arith.constant 12 : i32
    %add3A_18 = vector.broadcast %add3A_17 : i32 to vector<16xi32>
    %add3A_19 = arith.addi %add3A_18, %shift_right_arithmetic3A_16 : vector<16xi32>
    %shift_right_arithmetic3A_20 = arith.constant 3 : i32
    %shift_right_arithmetic3A_21 = vector.broadcast %shift_right_arithmetic3A_20 : i32 to vector<16xi32>
    %shift_right_arithmetic3A_22 = arith.shrsi %iota3A, %shift_right_arithmetic3A_21 : vector<16xi32>
    %add3A_23 = arith.constant 14 : i32
    %add3A_24 = vector.broadcast %add3A_23 : i32 to vector<16xi32>
    %add3A_25 = arith.addi %add3A_24, %shift_right_arithmetic3A_22 : vector<16xi32>
    %mul3A_26 = arith.constant 0 : i32
    %mul3A_27 = vector.broadcast %mul3A_26 : i32 to vector<16xi32>
    %mul3A_28 = arith.muli %iota3A, %mul3A_27 : vector<16xi32>
    %add3A_29 = arith.constant 0 : i32
    %add3A_30 = vector.broadcast %add3A_29 : i32 to vector<16xi32>
    %add3A_31 = arith.addi %mul3A_28, %add3A_30 : vector<16xi32>
    %mul3A_32 = arith.constant 0 : i32
    %mul3A_33 = vector.broadcast %mul3A_32 : i32 to vector<16xi32>
    %mul3A_34 = arith.muli %iota3A, %mul3A_33 : vector<16xi32>
    %add3A_35 = arith.constant 1 : i32
    %add3A_36 = vector.broadcast %add3A_35 : i32 to vector<16xi32>
    %add3A_37 = arith.addi %mul3A_34, %add3A_36 : vector<16xi32>
    %mul3A_38 = arith.constant 0 : i32
    %mul3A_39 = vector.broadcast %mul3A_38 : i32 to vector<16xi32>
    %mul3A_40 = arith.muli %iota3A, %mul3A_39 : vector<16xi32>
    %add3A_41 = arith.constant 2 : i32
    %add3A_42 = vector.broadcast %add3A_41 : i32 to vector<16xi32>
    %add3A_43 = arith.addi %mul3A_40, %add3A_42 : vector<16xi32>
    %mul3A_44 = arith.constant 0 : i32
    %mul3A_45 = vector.broadcast %mul3A_44 : i32 to vector<16xi32>
    %mul3A_46 = arith.muli %iota3A, %mul3A_45 : vector<16xi32>
    %add3A_47 = arith.constant 3 : i32
    %add3A_48 = vector.broadcast %add3A_47 : i32 to vector<16xi32>
    %add3A_49 = arith.addi %mul3A_46, %add3A_48 : vector<16xi32>
    %mul3A_50 = arith.constant 0 : i32
    %mul3A_51 = vector.broadcast %mul3A_50 : i32 to vector<16xi32>
    %mul3A_52 = arith.muli %iota3A, %mul3A_51 : vector<16xi32>
    %add3A_53 = arith.constant 4 : i32
    %add3A_54 = vector.broadcast %add3A_53 : i32 to vector<16xi32>
    %add3A_55 = arith.addi %mul3A_52, %add3A_54 : vector<16xi32>
    %mul3A_56 = arith.constant 0 : i32
    %mul3A_57 = vector.broadcast %mul3A_56 : i32 to vector<16xi32>
    %mul3A_58 = arith.muli %iota3A, %mul3A_57 : vector<16xi32>
    %add3A_59 = arith.constant 5 : i32
    %add3A_60 = vector.broadcast %add3A_59 : i32 to vector<16xi32>
    %add3A_61 = arith.addi %mul3A_58, %add3A_60 : vector<16xi32>
    %mul3A_62 = arith.constant 0 : i32
    %mul3A_63 = vector.broadcast %mul3A_62 : i32 to vector<16xi32>
    %mul3A_64 = arith.muli %iota3A, %mul3A_63 : vector<16xi32>
    %add3A_65 = arith.constant 6 : i32
    %add3A_66 = vector.broadcast %add3A_65 : i32 to vector<16xi32>
    %add3A_67 = arith.addi %mul3A_64, %add3A_66 : vector<16xi32>
    %mul3A_68 = arith.constant 0 : i32
    %mul3A_69 = vector.broadcast %mul3A_68 : i32 to vector<16xi32>
    %mul3A_70 = arith.muli %iota3A, %mul3A_69 : vector<16xi32>
    %add3A_71 = arith.constant 7 : i32
    %add3A_72 = vector.broadcast %add3A_71 : i32 to vector<16xi32>
    %add3A_73 = arith.addi %mul3A_70, %add3A_72 : vector<16xi32>
    %add3A_74 = arith.constant 0 : i32
    %add3A_75 = arith.addi %add3A_74, %add3A : i32
    %mul3A_76 = arith.constant 40 : i32
    %mul3A_77 = arith.muli %add3A_75, %mul3A_76 : i32
    %dma_start3A = arith.constant 0 : i32
    %dma_start3A_78 = tpu.memref_slice %arg2[%mul3A_77, %dma_start3A] : memref<100000x32xf32, #tpu.memory_space<hbm>> -> memref<40x32xf32, #tpu.memory_space<hbm>>
    %dma_start3A_79 = arith.constant 0 : i32
    %dma_start3A_80 = tpu.memref_slice %arg2[%mul3A_77, %dma_start3A_79] : memref<100000x32xf32, #tpu.memory_space<hbm>> -> memref<40x32xf32, #tpu.memory_space<hbm>>
    tpu.enqueue_dma source(%dma_start3A_80 : memref<40x32xf32, #tpu.memory_space<hbm>>) target(%arg4 : memref<40x32xf32, #tpu.memory_space<vmem>>) target_semaphore(%arg10 : memref<!tpu.dma_semaphore, #tpu.memory_space<semaphore_mem>>)
    %add3A_81 = arith.constant 32 : i32
    %add3A_82 = arith.addi %add3A_81, %add3A : i32
    %mul3A_83 = arith.constant 40 : i32
    %mul3A_84 = arith.muli %add3A_82, %mul3A_83 : i32
    %dma_start3A_85 = arith.constant 0 : i32
    %dma_start3A_86 = tpu.memref_slice %arg2[%mul3A_84, %dma_start3A_85] : memref<100000x32xf32, #tpu.memory_space<hbm>> -> memref<40x32xf32, #tpu.memory_space<hbm>>
    %dma_start3A_87 = arith.constant 0 : i32
    %dma_start3A_88 = tpu.memref_slice %arg2[%mul3A_84, %dma_start3A_87] : memref<100000x32xf32, #tpu.memory_space<hbm>> -> memref<40x32xf32, #tpu.memory_space<hbm>>
    tpu.enqueue_dma source(%dma_start3A_88 : memref<40x32xf32, #tpu.memory_space<hbm>>) target(%arg5 : memref<40x32xf32, #tpu.memory_space<vmem>>) target_semaphore(%arg11 : memref<!tpu.dma_semaphore, #tpu.memory_space<semaphore_mem>>)
    %scan3A = arith.constant 0 : i32
    %scan3A_89 = arith.constant 0 : i32
    %scan3A_90 = arith.constant 39 : i32
    %scan3A_91 = arith.addi %scan3A_89, %scan3A_90 : i32
    %scan3A_92 = arith.constant 1 : i32
    scf.for %scan3A_107 = %scan3A_89 to %scan3A_91 step %scan3A_92  : i32 {
      %ge3A = arith.constant 1 : i32
      %ge3A_108 = arith.cmpi sge, %scan3A_107, %ge3A : i32
      %convert_element_type3A_109 = arith.extui %ge3A_108 : i1 to i32
      %cond3A_110 = arith.constant 0 : i32
      %cond3A_111 = arith.cmpi ne, %convert_element_type3A_109, %cond3A_110 : i32
      scf.if %cond3A_111 {
        %dma_wait3A_181 = arith.constant 0 : i32
        %dma_wait3A_182 = arith.constant 0 : i32
        %dma_wait3A_183 = tpu.memref_slice %arg3[%dma_wait3A_181, %dma_wait3A_182] : memref<100000x512xf32, #tpu.memory_space<hbm>> -> memref<40x512xf32, #tpu.memory_space<hbm>>
        %dma_wait3A_184 = arith.constant 0 : i32
        %dma_wait3A_185 = arith.constant 0 : i32
        %dma_wait3A_186 = tpu.memref_slice %arg3[%dma_wait3A_184, %dma_wait3A_185] : memref<100000x512xf32, #tpu.memory_space<hbm>> -> memref<40x512xf32, #tpu.memory_space<hbm>>
        tpu.wait_dma2 semaphore(%arg8 : memref<!tpu.dma_semaphore, #tpu.memory_space<semaphore_mem>>) src(%arg6 : memref<40x512xf32, #tpu.memory_space<vmem>>) dst(%dma_wait3A_186 : memref<40x512xf32, #tpu.memory_space<hbm>>)
        %dma_wait3A_187 = arith.constant 0 : i32
        %dma_wait3A_188 = arith.constant 0 : i32
        %dma_wait3A_189 = tpu.memref_slice %arg3[%dma_wait3A_187, %dma_wait3A_188] : memref<100000x512xf32, #tpu.memory_space<hbm>> -> memref<40x512xf32, #tpu.memory_space<hbm>>
        %dma_wait3A_190 = arith.constant 0 : i32
        %dma_wait3A_191 = arith.constant 0 : i32
        %dma_wait3A_192 = tpu.memref_slice %arg3[%dma_wait3A_190, %dma_wait3A_191] : memref<100000x512xf32, #tpu.memory_space<hbm>> -> memref<40x512xf32, #tpu.memory_space<hbm>>
        tpu.wait_dma2 semaphore(%arg9 : memref<!tpu.dma_semaphore, #tpu.memory_space<semaphore_mem>>) src(%arg7 : memref<40x512xf32, #tpu.memory_space<vmem>>) dst(%dma_wait3A_192 : memref<40x512xf32, #tpu.memory_space<hbm>>)
      } else {
      }
      %mul3A_112 = arith.constant 2 : i32
      %mul3A_113 = arith.muli %scan3A_107, %mul3A_112 : i32
      %mul3A_114 = arith.constant 32 : i32
      %mul3A_115 = arith.muli %mul3A_113, %mul3A_114 : i32
      %add3A_116 = arith.addi %mul3A_115, %add3A : i32
      %dma_wait3A_117 = arith.constant 0 : i32
      %dma_wait3A_118 = arith.constant 0 : i32
      %dma_wait3A_119 = tpu.memref_slice %arg2[%dma_wait3A_117, %dma_wait3A_118] : memref<100000x32xf32, #tpu.memory_space<hbm>> -> memref<40x32xf32, #tpu.memory_space<hbm>>
      %dma_wait3A_120 = arith.constant 0 : i32
      %dma_wait3A_121 = arith.constant 0 : i32
      %dma_wait3A_122 = tpu.memref_slice %arg2[%dma_wait3A_120, %dma_wait3A_121] : memref<100000x32xf32, #tpu.memory_space<hbm>> -> memref<40x32xf32, #tpu.memory_space<hbm>>
      tpu.wait_dma2 semaphore(%arg10 : memref<!tpu.dma_semaphore, #tpu.memory_space<semaphore_mem>>) src(%dma_wait3A_122 : memref<40x32xf32, #tpu.memory_space<hbm>>) dst(%arg4 : memref<40x32xf32, #tpu.memory_space<vmem>>)
      %parallel_loop3A = arith.constant 0 : i32
      %parallel_loop3A_123 = arith.constant 40 : i32
      %parallel_loop3A_124 = arith.constant 1 : i32
      scf.for %parallel_loop3A_181 = %parallel_loop3A to %parallel_loop3A_123 step %parallel_loop3A_124  : i32 {
        %parallel_loop3A_182 = arith.index_cast %parallel_loop3A_181 : i32 to index
        %parallel_loop3A_183 = arith.constant 0 : index
        %parallel_loop3A_184 = tpu.vector_load %arg4[%parallel_loop3A_182, %parallel_loop3A_183] {strides = array<i32>} : memref<40x32xf32, #tpu.memory_space<vmem>>, vector<1x16xf32>,
        %parallel_loop3A_185 = vector.shape_cast %parallel_loop3A_184 : vector<1x16xf32> to vector<16xf32>
        %parallel_loop3A_186 = arith.index_cast %parallel_loop3A_181 : i32 to index
        %parallel_loop3A_187 = arith.constant 16 : index
        %parallel_loop3A_188 = tpu.vector_load %arg4[%parallel_loop3A_186, %parallel_loop3A_187] {strides = array<i32>} : memref<40x32xf32, #tpu.memory_space<vmem>>, vector<1x16xf32>,
        %parallel_loop3A_189 = vector.shape_cast %parallel_loop3A_188 : vector<1x16xf32> to vector<16xf32>
        %parallel_loop3A_190 = vector.shape_cast %and3A_2 : vector<16xi32> to vector<16x1xi32>
        %parallel_loop3A_191 = vector.shape_cast %parallel_loop3A_190 : vector<16x1xi32> to vector<16xi32>
        %parallel_loop3A_192 = tpu.dynamic_gather %parallel_loop3A_189[%parallel_loop3A_191] in [0] : vector<16xf32>, vector<16xi32> -> vector<16xf32>
        %parallel_loop3A_193 = vector.shape_cast %add3A_7 : vector<16xi32> to vector<16x1xi32>
        %parallel_loop3A_194 = vector.shape_cast %parallel_loop3A_193 : vector<16x1xi32> to vector<16xi32>
        %parallel_loop3A_195 = tpu.dynamic_gather %parallel_loop3A_185[%parallel_loop3A_194] in [0] : vector<16xf32>, vector<16xi32> -> vector<16xf32>
        %parallel_loop3A_196 = arith.mulf %parallel_loop3A_195, %parallel_loop3A_192 : vector<16xf32>
        %parallel_loop3A_197 = vector.shape_cast %add3A_13 : vector<16xi32> to vector<16x1xi32>
        %parallel_loop3A_198 = vector.shape_cast %parallel_loop3A_197 : vector<16x1xi32> to vector<16xi32>
        %parallel_loop3A_199 = tpu.dynamic_gather %parallel_loop3A_185[%parallel_loop3A_198] in [0] : vector<16xf32>, vector<16xi32> -> vector<16xf32>
        %parallel_loop3A_200 = arith.mulf %parallel_loop3A_199, %parallel_loop3A_192 : vector<16xf32>
        %parallel_loop3A_201 = vector.shape_cast %add3A_19 : vector<16xi32> to vector<16x1xi32>
        %parallel_loop3A_202 = vector.shape_cast %parallel_loop3A_201 : vector<16x1xi32> to vector<16xi32>
        %parallel_loop3A_203 = tpu.dynamic_gather %parallel_loop3A_185[%parallel_loop3A_202] in [0] : vector<16xf32>, vector<16xi32> -> vector<16xf32>
        %parallel_loop3A_204 = arith.mulf %parallel_loop3A_203, %parallel_loop3A_192 : vector<16xf32>
        %parallel_loop3A_205 = vector.shape_cast %add3A_25 : vector<16xi32> to vector<16x1xi32>
        %parallel_loop3A_206 = vector.shape_cast %parallel_loop3A_205 : vector<16x1xi32> to vector<16xi32>
        %parallel_loop3A_207 = tpu.dynamic_gather %parallel_loop3A_185[%parallel_loop3A_206] in [0] : vector<16xf32>, vector<16xi32> -> vector<16xf32>
        %parallel_loop3A_208 = arith.mulf %parallel_loop3A_207, %parallel_loop3A_192 : vector<16xf32>
        %parallel_loop3A_209 = vector.shape_cast %add3A_31 : vector<16xi32> to vector<16x1xi32>
        %parallel_loop3A_210 = vector.shape_cast %parallel_loop3A_209 : vector<16x1xi32> to vector<16xi32>
        %parallel_loop3A_211 = tpu.dynamic_gather %parallel_loop3A_185[%parallel_loop3A_210] in [0] : vector<16xf32>, vector<16xi32> -> vector<16xf32>
        %parallel_loop3A_212 = arith.mulf %parallel_loop3A_211, %parallel_loop3A_196 : vector<16xf32>
        %parallel_loop3A_213 = arith.index_cast %parallel_loop3A_181 : i32 to index
        %parallel_loop3A_214 = arith.constant 0 : index
        %parallel_loop3A_215 = tpu.vector_load %arg6[%parallel_loop3A_213, %parallel_loop3A_214] {strides = array<i32>} : memref<40x512xf32, #tpu.memory_space<vmem>>, vector<1x16xf32>,
        %parallel_loop3A_216 = vector.shape_cast %parallel_loop3A_215 : vector<1x16xf32> to vector<16xf32>
        %parallel_loop3A_217 = vector.shape_cast %parallel_loop3A_212 : vector<16xf32> to vector<1x16xf32>
        tpu.vector_store %arg6[%parallel_loop3A_213, %parallel_loop3A_214], %parallel_loop3A_217 {strides = array<i32>} : memref<40x512xf32, #tpu.memory_space<vmem>>, vector<1x16xf32>,
        %parallel_loop3A_218 = arith.mulf %parallel_loop3A_211, %parallel_loop3A_200 : vector<16xf32>
        %parallel_loop3A_219 = arith.index_cast %parallel_loop3A_181 : i32 to index
        %parallel_loop3A_220 = arith.constant 16 : index
        %parallel_loop3A_221 = tpu.vector_load %arg6[%parallel_loop3A_219, %parallel_loop3A_220] {strides = array<i32>} : memref<40x512xf32, #tpu.memory_space<vmem>>, vector<1x16xf32>,
        %parallel_loop3A_222 = vector.shape_cast %parallel_loop3A_221 : vector<1x16xf32> to vector<16xf32>
        %parallel_loop3A_223 = vector.shape_cast %parallel_loop3A_218 : vector<16xf32> to vector<1x16xf32>
        tpu.vector_store %arg6[%parallel_loop3A_219, %parallel_loop3A_220], %parallel_loop3A_223 {strides = array<i32>} : memref<40x512xf32, #tpu.memory_space<vmem>>, vector<1x16xf32>,
        %parallel_loop3A_224 = arith.mulf %parallel_loop3A_211, %parallel_loop3A_204 : vector<16xf32>
        %parallel_loop3A_225 = arith.index_cast %parallel_loop3A_181 : i32 to index
        %parallel_loop3A_226 = arith.constant 32 : index
        %parallel_loop3A_227 = tpu.vector_load %arg6[%parallel_loop3A_225, %parallel_loop3A_226] {strides = array<i32>} : memref<40x512xf32, #tpu.memory_space<vmem>>, vector<1x16xf32>,
        %parallel_loop3A_228 = vector.shape_cast %parallel_loop3A_227 : vector<1x16xf32> to vector<16xf32>
        %parallel_loop3A_229 = vector.shape_cast %parallel_loop3A_224 : vector<16xf32> to vector<1x16xf32>
        tpu.vector_store %arg6[%parallel_loop3A_225, %parallel_loop3A_226], %parallel_loop3A_229 {strides = array<i32>} : memref<40x512xf32, #tpu.memory_space<vmem>>, vector<1x16xf32>,
        %parallel_loop3A_230 = arith.mulf %parallel_loop3A_211, %parallel_loop3A_208 : vector<16xf32>
        %parallel_loop3A_231 = arith.index_cast %parallel_loop3A_181 : i32 to index
        %parallel_loop3A_232 = arith.constant 48 : index
        %parallel_loop3A_233 = tpu.vector_load %arg6[%parallel_loop3A_231, %parallel_loop3A_232] {strides = array<i32>} : memref<40x512xf32, #tpu.memory_space<vmem>>, vector<1x16xf32>,
        %parallel_loop3A_234 = vector.shape_cast %parallel_loop3A_233 : vector<1x16xf32> to vector<16xf32>
        %parallel_loop3A_235 = vector.shape_cast %parallel_loop3A_230 : vector<16xf32> to vector<1x16xf32>
        tpu.vector_store %arg6[%parallel_loop3A_231, %parallel_loop3A_232], %parallel_loop3A_235 {strides = array<i32>} : memref<40x512xf32, #tpu.memory_space<vmem>>, vector<1x16xf32>,
        %parallel_loop3A_236 = vector.shape_cast %add3A_37 : vector<16xi32> to vector<16x1xi32>
        %parallel_loop3A_237 = vector.shape_cast %parallel_loop3A_236 : vector<16x1xi32> to vector<16xi32>
        %parallel_loop3A_238 = tpu.dynamic_gather %parallel_loop3A_185[%parallel_loop3A_237] in [0] : vector<16xf32>, vector<16xi32> -> vector<16xf32>
        %parallel_loop3A_239 = arith.mulf %parallel_loop3A_238, %parallel_loop3A_196 : vector<16xf32>
        %parallel_loop3A_240 = arith.index_cast %parallel_loop3A_181 : i32 to index
        %parallel_loop3A_241 = arith.constant 64 : index
        %parallel_loop3A_242 = tpu.vector_load %arg6[%parallel_loop3A_240, %parallel_loop3A_241] {strides = array<i32>} : memref<40x512xf32, #tpu.memory_space<vmem>>, vector<1x16xf32>,
        %parallel_loop3A_243 = vector.shape_cast %parallel_loop3A_242 : vector<1x16xf32> to vector<16xf32>
        %parallel_loop3A_244 = vector.shape_cast %parallel_loop3A_239 : vector<16xf32> to vector<1x16xf32>
        tpu.vector_store %arg6[%parallel_loop3A_240, %parallel_loop3A_241], %parallel_loop3A_244 {strides = array<i32>} : memref<40x512xf32, #tpu.memory_space<vmem>>, vector<1x16xf32>,
        %parallel_loop3A_245 = arith.mulf %parallel_loop3A_238, %parallel_loop3A_200 : vector<16xf32>
        %parallel_loop3A_246 = arith.index_cast %parallel_loop3A_181 : i32 to index
        %parallel_loop3A_247 = arith.constant 80 : index
        %parallel_loop3A_248 = tpu.vector_load %arg6[%parallel_loop3A_246, %parallel_loop3A_247] {strides = array<i32>} : memref<40x512xf32, #tpu.memory_space<vmem>>, vector<1x16xf32>,
        %parallel_loop3A_249 = vector.shape_cast %parallel_loop3A_248 : vector<1x16xf32> to vector<16xf32>
        %parallel_loop3A_250 = vector.shape_cast %parallel_loop3A_245 : vector<16xf32> to vector<1x16xf32>
        tpu.vector_store %arg6[%parallel_loop3A_246, %parallel_loop3A_247], %parallel_loop3A_250 {strides = array<i32>} : memref<40x512xf32, #tpu.memory_space<vmem>>, vector<1x16xf32>,
        %parallel_loop3A_251 = arith.mulf %parallel_loop3A_238, %parallel_loop3A_204 : vector<16xf32>
        %parallel_loop3A_252 = arith.index_cast %parallel_loop3A_181 : i32 to index
        %parallel_loop3A_253 = arith.constant 96 : index
        %parallel_loop3A_254 = tpu.vector_load %arg6[%parallel_loop3A_252, %parallel_loop3A_253] {strides = array<i32>} : memref<40x512xf32, #tpu.memory_space<vmem>>, vector<1x16xf32>,
        %parallel_loop3A_255 = vector.shape_cast %parallel_loop3A_254 : vector<1x16xf32> to vector<16xf32>
        %parallel_loop3A_256 = vector.shape_cast %parallel_loop3A_251 : vector<16xf32> to vector<1x16xf32>
        tpu.vector_store %arg6[%parallel_loop3A_252, %parallel_loop3A_253], %parallel_loop3A_256 {strides = array<i32>} : memref<40x512xf32, #tpu.memory_space<vmem>>, vector<1x16xf32>,
        %parallel_loop3A_257 = arith.mulf %parallel_loop3A_238, %parallel_loop3A_208 : vector<16xf32>
        %parallel_loop3A_258 = arith.index_cast %parallel_loop3A_181 : i32 to index
        %parallel_loop3A_259 = arith.constant 112 : index
        %parallel_loop3A_260 = tpu.vector_load %arg6[%parallel_loop3A_258, %parallel_loop3A_259] {strides = array<i32>} : memref<40x512xf32, #tpu.memory_space<vmem>>, vector<1x16xf32>,
        %parallel_loop3A_261 = vector.shape_cast %parallel_loop3A_260 : vector<1x16xf32> to vector<16xf32>
        %parallel_loop3A_262 = vector.shape_cast %parallel_loop3A_257 : vector<16xf32> to vector<1x16xf32>
        tpu.vector_store %arg6[%parallel_loop3A_258, %parallel_loop3A_259], %parallel_loop3A_262 {strides = array<i32>} : memref<40x512xf32, #tpu.memory_space<vmem>>, vector<1x16xf32>,
        %parallel_loop3A_263 = vector.shape_cast %add3A_43 : vector<16xi32> to vector<16x1xi32>
        %parallel_loop3A_264 = vector.shape_cast %parallel_loop3A_263 : vector<16x1xi32> to vector<16xi32>
        %parallel_loop3A_265 = tpu.dynamic_gather %parallel_loop3A_185[%parallel_loop3A_264] in [0] : vector<16xf32>, vector<16xi32> -> vector<16xf32>
        %parallel_loop3A_266 = arith.mulf %parallel_loop3A_265, %parallel_loop3A_196 : vector<16xf32>
        %parallel_loop3A_267 = arith.index_cast %parallel_loop3A_181 : i32 to index
        %parallel_loop3A_268 = arith.constant 128 : index
        %parallel_loop3A_269 = tpu.vector_load %arg6[%parallel_loop3A_267, %parallel_loop3A_268] {strides = array<i32>} : memref<40x512xf32, #tpu.memory_space<vmem>>, vector<1x16xf32>,
        %parallel_loop3A_270 = vector.shape_cast %parallel_loop3A_269 : vector<1x16xf32> to vector<16xf32>
        %parallel_loop3A_271 = vector.shape_cast %parallel_loop3A_266 : vector<16xf32> to vector<1x16xf32>
        tpu.vector_store %arg6[%parallel_loop3A_267, %parallel_loop3A_268], %parallel_loop3A_271 {strides = array<i32>} : memref<40x512xf32, #tpu.memory_space<vmem>>, vector<1x16xf32>,
        %parallel_loop3A_272 = arith.mulf %parallel_loop3A_265, %parallel_loop3A_200 : vector<16xf32>
        %parallel_loop3A_273 = arith.index_cast %parallel_loop3A_181 : i32 to index
        %parallel_loop3A_274 = arith.constant 144 : index
        %parallel_loop3A_275 = tpu.vector_load %arg6[%parallel_loop3A_273, %parallel_loop3A_274] {strides = array<i32>} : memref<40x512xf32, #tpu.memory_space<vmem>>, vector<1x16xf32>,
        %parallel_loop3A_276 = vector.shape_cast %parallel_loop3A_275 : vector<1x16xf32> to vector<16xf32>
        %parallel_loop3A_277 = vector.shape_cast %parallel_loop3A_272 : vector<16xf32> to vector<1x16xf32>
        tpu.vector_store %arg6[%parallel_loop3A_273, %parallel_loop3A_274], %parallel_loop3A_277 {strides = array<i32>} : memref<40x512xf32, #tpu.memory_space<vmem>>, vector<1x16xf32>,
        %parallel_loop3A_278 = arith.mulf %parallel_loop3A_265, %parallel_loop3A_204 : vector<16xf32>
        %parallel_loop3A_279 = arith.index_cast %parallel_loop3A_181 : i32 to index
        %parallel_loop3A_280 = arith.constant 160 : index
        %parallel_loop3A_281 = tpu.vector_load %arg6[%parallel_loop3A_279, %parallel_loop3A_280] {strides = array<i32>} : memref<40x512xf32, #tpu.memory_space<vmem>>, vector<1x16xf32>,
        %parallel_loop3A_282 = vector.shape_cast %parallel_loop3A_281 : vector<1x16xf32> to vector<16xf32>
        %parallel_loop3A_283 = vector.shape_cast %parallel_loop3A_278 : vector<16xf32> to vector<1x16xf32>
        tpu.vector_store %arg6[%parallel_loop3A_279, %parallel_loop3A_280], %parallel_loop3A_283 {strides = array<i32>} : memref<40x512xf32, #tpu.memory_space<vmem>>, vector<1x16xf32>,
        %parallel_loop3A_284 = arith.mulf %parallel_loop3A_265, %parallel_loop3A_208 : vector<16xf32>
        %parallel_loop3A_285 = arith.index_cast %parallel_loop3A_181 : i32 to index
        %parallel_loop3A_286 = arith.constant 176 : index
        %parallel_loop3A_287 = tpu.vector_load %arg6[%parallel_loop3A_285, %parallel_loop3A_286] {strides = array<i32>} : memref<40x512xf32, #tpu.memory_space<vmem>>, vector<1x16xf32>,
        %parallel_loop3A_288 = vector.shape_cast %parallel_loop3A_287 : vector<1x16xf32> to vector<16xf32>
        %parallel_loop3A_289 = vector.shape_cast %parallel_loop3A_284 : vector<16xf32> to vector<1x16xf32>
        tpu.vector_store %arg6[%parallel_loop3A_285, %parallel_loop3A_286], %parallel_loop3A_289 {strides = array<i32>} : memref<40x512xf32, #tpu.memory_space<vmem>>, vector<1x16xf32>,
        %parallel_loop3A_290 = vector.shape_cast %add3A_49 : vector<16xi32> to vector<16x1xi32>
        %parallel_loop3A_291 = vector.shape_cast %parallel_loop3A_290 : vector<16x1xi32> to vector<16xi32>
        %parallel_loop3A_292 = tpu.dynamic_gather %parallel_loop3A_185[%parallel_loop3A_291] in [0] : vector<16xf32>, vector<16xi32> -> vector<16xf32>
        %parallel_loop3A_293 = arith.mulf %parallel_loop3A_292, %parallel_loop3A_196 : vector<16xf32>
        %parallel_loop3A_294 = arith.index_cast %parallel_loop3A_181 : i32 to index
        %parallel_loop3A_295 = arith.constant 192 : index
        %parallel_loop3A_296 = tpu.vector_load %arg6[%parallel_loop3A_294, %parallel_loop3A_295] {strides = array<i32>} : memref<40x512xf32, #tpu.memory_space<vmem>>, vector<1x16xf32>,
        %parallel_loop3A_297 = vector.shape_cast %parallel_loop3A_296 : vector<1x16xf32> to vector<16xf32>
        %parallel_loop3A_298 = vector.shape_cast %parallel_loop3A_293 : vector<16xf32> to vector<1x16xf32>
        tpu.vector_store %arg6[%parallel_loop3A_294, %parallel_loop3A_295], %parallel_loop3A_298 {strides = array<i32>} : memref<40x512xf32, #tpu.memory_space<vmem>>, vector<1x16xf32>,
        %parallel_loop3A_299 = arith.mulf %parallel_loop3A_292, %parallel_loop3A_200 : vector<16xf32>
        %parallel_loop3A_300 = arith.index_cast %parallel_loop3A_181 : i32 to index
        %parallel_loop3A_301 = arith.constant 208 : index
        %parallel_loop3A_302 = tpu.vector_load %arg6[%parallel_loop3A_300, %parallel_loop3A_301] {strides = array<i32>} : memref<40x512xf32, #tpu.memory_space<vmem>>, vector<1x16xf32>,
        %parallel_loop3A_303 = vector.shape_cast %parallel_loop3A_302 : vector<1x16xf32> to vector<16xf32>
        %parallel_loop3A_304 = vector.shape_cast %parallel_loop3A_299 : vector<16xf32> to vector<1x16xf32>
        tpu.vector_store %arg6[%parallel_loop3A_300, %parallel_loop3A_301], %parallel_loop3A_304 {strides = array<i32>} : memref<40x512xf32, #tpu.memory_space<vmem>>, vector<1x16xf32>,
        %parallel_loop3A_305 = arith.mulf %parallel_loop3A_292, %parallel_loop3A_204 : vector<16xf32>
        %parallel_loop3A_306 = arith.index_cast %parallel_loop3A_181 : i32 to index
        %parallel_loop3A_307 = arith.constant 224 : index
        %parallel_loop3A_308 = tpu.vector_load %arg6[%parallel_loop3A_306, %parallel_loop3A_307] {strides = array<i32>} : memref<40x512xf32, #tpu.memory_space<vmem>>, vector<1x16xf32>,
        %parallel_loop3A_309 = vector.shape_cast %parallel_loop3A_308 : vector<1x16xf32> to vector<16xf32>
        %parallel_loop3A_310 = vector.shape_cast %parallel_loop3A_305 : vector<16xf32> to vector<1x16xf32>
        tpu.vector_store %arg6[%parallel_loop3A_306, %parallel_loop3A_307], %parallel_loop3A_310 {strides = array<i32>} : memref<40x512xf32, #tpu.memory_space<vmem>>, vector<1x16xf32>,
        %parallel_loop3A_311 = arith.mulf %parallel_loop3A_292, %parallel_loop3A_208 : vector<16xf32>
        %parallel_loop3A_312 = arith.index_cast %parallel_loop3A_181 : i32 to index
        %parallel_loop3A_313 = arith.constant 240 : index
        %parallel_loop3A_314 = tpu.vector_load %arg6[%parallel_loop3A_312, %parallel_loop3A_313] {strides = array<i32>} : memref<40x512xf32, #tpu.memory_space<vmem>>, vector<1x16xf32>,
        %parallel_loop3A_315 = vector.shape_cast %parallel_loop3A_314 : vector<1x16xf32> to vector<16xf32>
        %parallel_loop3A_316 = vector.shape_cast %parallel_loop3A_311 : vector<16xf32> to vector<1x16xf32>
        tpu.vector_store %arg6[%parallel_loop3A_312, %parallel_loop3A_313], %parallel_loop3A_316 {strides = array<i32>} : memref<40x512xf32, #tpu.memory_space<vmem>>, vector<1x16xf32>,
        %parallel_loop3A_317 = vector.shape_cast %add3A_55 : vector<16xi32> to vector<16x1xi32>
        %parallel_loop3A_318 = vector.shape_cast %parallel_loop3A_317 : vector<16x1xi32> to vector<16xi32>
        %parallel_loop3A_319 = tpu.dynamic_gather %parallel_loop3A_185[%parallel_loop3A_318] in [0] : vector<16xf32>, vector<16xi32> -> vector<16xf32>
        %parallel_loop3A_320 = arith.mulf %parallel_loop3A_319, %parallel_loop3A_196 : vector<16xf32>
        %parallel_loop3A_321 = arith.index_cast %parallel_loop3A_181 : i32 to index
        %parallel_loop3A_322 = arith.constant 256 : index
        %parallel_loop3A_323 = tpu.vector_load %arg6[%parallel_loop3A_321, %parallel_loop3A_322] {strides = array<i32>} : memref<40x512xf32, #tpu.memory_space<vmem>>, vector<1x16xf32>,
        %parallel_loop3A_324 = vector.shape_cast %parallel_loop3A_323 : vector<1x16xf32> to vector<16xf32>
        %parallel_loop3A_325 = vector.shape_cast %parallel_loop3A_320 : vector<16xf32> to vector<1x16xf32>
        tpu.vector_store %arg6[%parallel_loop3A_321, %parallel_loop3A_322], %parallel_loop3A_325 {strides = array<i32>} : memref<40x512xf32, #tpu.memory_space<vmem>>, vector<1x16xf32>,
        %parallel_loop3A_326 = arith.mulf %parallel_loop3A_319, %parallel_loop3A_200 : vector<16xf32>
        %parallel_loop3A_327 = arith.index_cast %parallel_loop3A_181 : i32 to index
        %parallel_loop3A_328 = arith.constant 272 : index
        %parallel_loop3A_329 = tpu.vector_load %arg6[%parallel_loop3A_327, %parallel_loop3A_328] {strides = array<i32>} : memref<40x512xf32, #tpu.memory_space<vmem>>, vector<1x16xf32>,
        %parallel_loop3A_330 = vector.shape_cast %parallel_loop3A_329 : vector<1x16xf32> to vector<16xf32>
        %parallel_loop3A_331 = vector.shape_cast %parallel_loop3A_326 : vector<16xf32> to vector<1x16xf32>
        tpu.vector_store %arg6[%parallel_loop3A_327, %parallel_loop3A_328], %parallel_loop3A_331 {strides = array<i32>} : memref<40x512xf32, #tpu.memory_space<vmem>>, vector<1x16xf32>,
        %parallel_loop3A_332 = arith.mulf %parallel_loop3A_319, %parallel_loop3A_204 : vector<16xf32>
        %parallel_loop3A_333 = arith.index_cast %parallel_loop3A_181 : i32 to index
        %parallel_loop3A_334 = arith.constant 288 : index
        %parallel_loop3A_335 = tpu.vector_load %arg6[%parallel_loop3A_333, %parallel_loop3A_334] {strides = array<i32>} : memref<40x512xf32, #tpu.memory_space<vmem>>, vector<1x16xf32>,
        %parallel_loop3A_336 = vector.shape_cast %parallel_loop3A_335 : vector<1x16xf32> to vector<16xf32>
        %parallel_loop3A_337 = vector.shape_cast %parallel_loop3A_332 : vector<16xf32> to vector<1x16xf32>
        tpu.vector_store %arg6[%parallel_loop3A_333, %parallel_loop3A_334], %parallel_loop3A_337 {strides = array<i32>} : memref<40x512xf32, #tpu.memory_space<vmem>>, vector<1x16xf32>,
        %parallel_loop3A_338 = arith.mulf %parallel_loop3A_319, %parallel_loop3A_208 : vector<16xf32>
        %parallel_loop3A_339 = arith.index_cast %parallel_loop3A_181 : i32 to index
        %parallel_loop3A_340 = arith.constant 304 : index
        %parallel_loop3A_341 = tpu.vector_load %arg6[%parallel_loop3A_339, %parallel_loop3A_340] {strides = array<i32>} : memref<40x512xf32, #tpu.memory_space<vmem>>, vector<1x16xf32>,
        %parallel_loop3A_342 = vector.shape_cast %parallel_loop3A_341 : vector<1x16xf32> to vector<16xf32>
        %parallel_loop3A_343 = vector.shape_cast %parallel_loop3A_338 : vector<16xf32> to vector<1x16xf32>
        tpu.vector_store %arg6[%parallel_loop3A_339, %parallel_loop3A_340], %parallel_loop3A_343 {strides = array<i32>} : memref<40x512xf32, #tpu.memory_space<vmem>>, vector<1x16xf32>,
        %parallel_loop3A_344 = vector.shape_cast %add3A_61 : vector<16xi32> to vector<16x1xi32>
        %parallel_loop3A_345 = vector.shape_cast %parallel_loop3A_344 : vector<16x1xi32> to vector<16xi32>
        %parallel_loop3A_346 = tpu.dynamic_gather %parallel_loop3A_185[%parallel_loop3A_345] in [0] : vector<16xf32>, vector<16xi32> -> vector<16xf32>
        %parallel_loop3A_347 = arith.mulf %parallel_loop3A_346, %parallel_loop3A_196 : vector<16xf32>
        %parallel_loop3A_348 = arith.index_cast %parallel_loop3A_181 : i32 to index
        %parallel_loop3A_349 = arith.constant 320 : index
        %parallel_loop3A_350 = tpu.vector_load %arg6[%parallel_loop3A_348, %parallel_loop3A_349] {strides = array<i32>} : memref<40x512xf32, #tpu.memory_space<vmem>>, vector<1x16xf32>,
        %parallel_loop3A_351 = vector.shape_cast %parallel_loop3A_350 : vector<1x16xf32> to vector<16xf32>
        %parallel_loop3A_352 = vector.shape_cast %parallel_loop3A_347 : vector<16xf32> to vector<1x16xf32>
        tpu.vector_store %arg6[%parallel_loop3A_348, %parallel_loop3A_349], %parallel_loop3A_352 {strides = array<i32>} : memref<40x512xf32, #tpu.memory_space<vmem>>, vector<1x16xf32>,
        %parallel_loop3A_353 = arith.mulf %parallel_loop3A_346, %parallel_loop3A_200 : vector<16xf32>
        %parallel_loop3A_354 = arith.index_cast %parallel_loop3A_181 : i32 to index
        %parallel_loop3A_355 = arith.constant 336 : index
        %parallel_loop3A_356 = tpu.vector_load %arg6[%parallel_loop3A_354, %parallel_loop3A_355] {strides = array<i32>} : memref<40x512xf32, #tpu.memory_space<vmem>>, vector<1x16xf32>,
        %parallel_loop3A_357 = vector.shape_cast %parallel_loop3A_356 : vector<1x16xf32> to vector<16xf32>
        %parallel_loop3A_358 = vector.shape_cast %parallel_loop3A_353 : vector<16xf32> to vector<1x16xf32>
        tpu.vector_store %arg6[%parallel_loop3A_354, %parallel_loop3A_355], %parallel_loop3A_358 {strides = array<i32>} : memref<40x512xf32, #tpu.memory_space<vmem>>, vector<1x16xf32>,
        %parallel_loop3A_359 = arith.mulf %parallel_loop3A_346, %parallel_loop3A_204 : vector<16xf32>
        %parallel_loop3A_360 = arith.index_cast %parallel_loop3A_181 : i32 to index
        %parallel_loop3A_361 = arith.constant 352 : index
        %parallel_loop3A_362 = tpu.vector_load %arg6[%parallel_loop3A_360, %parallel_loop3A_361] {strides = array<i32>} : memref<40x512xf32, #tpu.memory_space<vmem>>, vector<1x16xf32>,
        %parallel_loop3A_363 = vector.shape_cast %parallel_loop3A_362 : vector<1x16xf32> to vector<16xf32>
        %parallel_loop3A_364 = vector.shape_cast %parallel_loop3A_359 : vector<16xf32> to vector<1x16xf32>
        tpu.vector_store %arg6[%parallel_loop3A_360, %parallel_loop3A_361], %parallel_loop3A_364 {strides = array<i32>} : memref<40x512xf32, #tpu.memory_space<vmem>>, vector<1x16xf32>,
        %parallel_loop3A_365 = arith.mulf %parallel_loop3A_346, %parallel_loop3A_208 : vector<16xf32>
        %parallel_loop3A_366 = arith.index_cast %parallel_loop3A_181 : i32 to index
        %parallel_loop3A_367 = arith.constant 368 : index
        %parallel_loop3A_368 = tpu.vector_load %arg6[%parallel_loop3A_366, %parallel_loop3A_367] {strides = array<i32>} : memref<40x512xf32, #tpu.memory_space<vmem>>, vector<1x16xf32>,
        %parallel_loop3A_369 = vector.shape_cast %parallel_loop3A_368 : vector<1x16xf32> to vector<16xf32>
        %parallel_loop3A_370 = vector.shape_cast %parallel_loop3A_365 : vector<16xf32> to vector<1x16xf32>
        tpu.vector_store %arg6[%parallel_loop3A_366, %parallel_loop3A_367], %parallel_loop3A_370 {strides = array<i32>} : memref<40x512xf32, #tpu.memory_space<vmem>>, vector<1x16xf32>,
        %parallel_loop3A_371 = vector.shape_cast %add3A_67 : vector<16xi32> to vector<16x1xi32>
        %parallel_loop3A_372 = vector.shape_cast %parallel_loop3A_371 : vector<16x1xi32> to vector<16xi32>
        %parallel_loop3A_373 = tpu.dynamic_gather %parallel_loop3A_185[%parallel_loop3A_372] in [0] : vector<16xf32>, vector<16xi32> -> vector<16xf32>
        %parallel_loop3A_374 = arith.mulf %parallel_loop3A_373, %parallel_loop3A_196 : vector<16xf32>
        %parallel_loop3A_375 = arith.index_cast %parallel_loop3A_181 : i32 to index
        %parallel_loop3A_376 = arith.constant 384 : index
        %parallel_loop3A_377 = tpu.vector_load %arg6[%parallel_loop3A_375, %parallel_loop3A_376] {strides = array<i32>} : memref<40x512xf32, #tpu.memory_space<vmem>>, vector<1x16xf32>,
        %parallel_loop3A_378 = vector.shape_cast %parallel_loop3A_377 : vector<1x16xf32> to vector<16xf32>
        %parallel_loop3A_379 = vector.shape_cast %parallel_loop3A_374 : vector<16xf32> to vector<1x16xf32>
        tpu.vector_store %arg6[%parallel_loop3A_375, %parallel_loop3A_376], %parallel_loop3A_379 {strides = array<i32>} : memref<40x512xf32, #tpu.memory_space<vmem>>, vector<1x16xf32>,
        %parallel_loop3A_380 = arith.mulf %parallel_loop3A_373, %parallel_loop3A_200 : vector<16xf32>
        %parallel_loop3A_381 = arith.index_cast %parallel_loop3A_181 : i32 to index
        %parallel_loop3A_382 = arith.constant 400 : index
        %parallel_loop3A_383 = tpu.vector_load %arg6[%parallel_loop3A_381, %parallel_loop3A_382] {strides = array<i32>} : memref<40x512xf32, #tpu.memory_space<vmem>>, vector<1x16xf32>,
        %parallel_loop3A_384 = vector.shape_cast %parallel_loop3A_383 : vector<1x16xf32> to vector<16xf32>
        %parallel_loop3A_385 = vector.shape_cast %parallel_loop3A_380 : vector<16xf32> to vector<1x16xf32>
        tpu.vector_store %arg6[%parallel_loop3A_381, %parallel_loop3A_382], %parallel_loop3A_385 {strides = array<i32>} : memref<40x512xf32, #tpu.memory_space<vmem>>, vector<1x16xf32>,
        %parallel_loop3A_386 = arith.mulf %parallel_loop3A_373, %parallel_loop3A_204 : vector<16xf32>
        %parallel_loop3A_387 = arith.index_cast %parallel_loop3A_181 : i32 to index
        %parallel_loop3A_388 = arith.constant 416 : index
        %parallel_loop3A_389 = tpu.vector_load %arg6[%parallel_loop3A_387, %parallel_loop3A_388] {strides = array<i32>} : memref<40x512xf32, #tpu.memory_space<vmem>>, vector<1x16xf32>,
        %parallel_loop3A_390 = vector.shape_cast %parallel_loop3A_389 : vector<1x16xf32> to vector<16xf32>
        %parallel_loop3A_391 = vector.shape_cast %parallel_loop3A_386 : vector<16xf32> to vector<1x16xf32>
        tpu.vector_store %arg6[%parallel_loop3A_387, %parallel_loop3A_388], %parallel_loop3A_391 {strides = array<i32>} : memref<40x512xf32, #tpu.memory_space<vmem>>, vector<1x16xf32>,
        %parallel_loop3A_392 = arith.mulf %parallel_loop3A_373, %parallel_loop3A_208 : vector<16xf32>
        %parallel_loop3A_393 = arith.index_cast %parallel_loop3A_181 : i32 to index
        %parallel_loop3A_394 = arith.constant 432 : index
        %parallel_loop3A_395 = tpu.vector_load %arg6[%parallel_loop3A_393, %parallel_loop3A_394] {strides = array<i32>} : memref<40x512xf32, #tpu.memory_space<vmem>>, vector<1x16xf32>,
        %parallel_loop3A_396 = vector.shape_cast %parallel_loop3A_395 : vector<1x16xf32> to vector<16xf32>
        %parallel_loop3A_397 = vector.shape_cast %parallel_loop3A_392 : vector<16xf32> to vector<1x16xf32>
        tpu.vector_store %arg6[%parallel_loop3A_393, %parallel_loop3A_394], %parallel_loop3A_397 {strides = array<i32>} : memref<40x512xf32, #tpu.memory_space<vmem>>, vector<1x16xf32>,
        %parallel_loop3A_398 = vector.shape_cast %add3A_73 : vector<16xi32> to vector<16x1xi32>
        %parallel_loop3A_399 = vector.shape_cast %parallel_loop3A_398 : vector<16x1xi32> to vector<16xi32>
        %parallel_loop3A_400 = tpu.dynamic_gather %parallel_loop3A_185[%parallel_loop3A_399] in [0] : vector<16xf32>, vector<16xi32> -> vector<16xf32>
        %parallel_loop3A_401 = arith.mulf %parallel_loop3A_400, %parallel_loop3A_196 : vector<16xf32>
        %parallel_loop3A_402 = arith.index_cast %parallel_loop3A_181 : i32 to index
        %parallel_loop3A_403 = arith.constant 448 : index
        %parallel_loop3A_404 = tpu.vector_load %arg6[%parallel_loop3A_402, %parallel_loop3A_403] {strides = array<i32>} : memref<40x512xf32, #tpu.memory_space<vmem>>, vector<1x16xf32>,
        %parallel_loop3A_405 = vector.shape_cast %parallel_loop3A_404 : vector<1x16xf32> to vector<16xf32>
        %parallel_loop3A_406 = vector.shape_cast %parallel_loop3A_401 : vector<16xf32> to vector<1x16xf32>
        tpu.vector_store %arg6[%parallel_loop3A_402, %parallel_loop3A_403], %parallel_loop3A_406 {strides = array<i32>} : memref<40x512xf32, #tpu.memory_space<vmem>>, vector<1x16xf32>,
        %parallel_loop3A_407 = arith.mulf %parallel_loop3A_400, %parallel_loop3A_200 : vector<16xf32>
        %parallel_loop3A_408 = arith.index_cast %parallel_loop3A_181 : i32 to index
        %parallel_loop3A_409 = arith.constant 464 : index
        %parallel_loop3A_410 = tpu.vector_load %arg6[%parallel_loop3A_408, %parallel_loop3A_409] {strides = array<i32>} : memref<40x512xf32, #tpu.memory_space<vmem>>, vector<1x16xf32>,
        %parallel_loop3A_411 = vector.shape_cast %parallel_loop3A_410 : vector<1x16xf32> to vector<16xf32>
        %parallel_loop3A_412 = vector.shape_cast %parallel_loop3A_407 : vector<16xf32> to vector<1x16xf32>
        tpu.vector_store %arg6[%parallel_loop3A_408, %parallel_loop3A_409], %parallel_loop3A_412 {strides = array<i32>} : memref<40x512xf32, #tpu.memory_space<vmem>>, vector<1x16xf32>,
        %parallel_loop3A_413 = arith.mulf %parallel_loop3A_400, %parallel_loop3A_204 : vector<16xf32>
        %parallel_loop3A_414 = arith.index_cast %parallel_loop3A_181 : i32 to index
        %parallel_loop3A_415 = arith.constant 480 : index
        %parallel_loop3A_416 = tpu.vector_load %arg6[%parallel_loop3A_414, %parallel_loop3A_415] {strides = array<i32>} : memref<40x512xf32, #tpu.memory_space<vmem>>, vector<1x16xf32>,
        %parallel_loop3A_417 = vector.shape_cast %parallel_loop3A_416 : vector<1x16xf32> to vector<16xf32>
        %parallel_loop3A_418 = vector.shape_cast %parallel_loop3A_413 : vector<16xf32> to vector<1x16xf32>
        tpu.vector_store %arg6[%parallel_loop3A_414, %parallel_loop3A_415], %parallel_loop3A_418 {strides = array<i32>} : memref<40x512xf32, #tpu.memory_space<vmem>>, vector<1x16xf32>,
        %parallel_loop3A_419 = arith.mulf %parallel_loop3A_400, %parallel_loop3A_208 : vector<16xf32>
        %parallel_loop3A_420 = arith.index_cast %parallel_loop3A_181 : i32 to index
        %parallel_loop3A_421 = arith.constant 496 : index
        %parallel_loop3A_422 = tpu.vector_load %arg6[%parallel_loop3A_420, %parallel_loop3A_421] {strides = array<i32>} : memref<40x512xf32, #tpu.memory_space<vmem>>, vector<1x16xf32>,
        %parallel_loop3A_423 = vector.shape_cast %parallel_loop3A_422 : vector<1x16xf32> to vector<16xf32>
        %parallel_loop3A_424 = vector.shape_cast %parallel_loop3A_419 : vector<16xf32> to vector<1x16xf32>
        tpu.vector_store %arg6[%parallel_loop3A_420, %parallel_loop3A_421], %parallel_loop3A_424 {strides = array<i32>} : memref<40x512xf32, #tpu.memory_space<vmem>>, vector<1x16xf32>,
      } {sc.loop_unroll_factor = 8 : i64, sc.parallel_access}
      %mul3A_125 = arith.constant 40 : i32
      %mul3A_126 = arith.muli %add3A_116, %mul3A_125 : i32
      %dma_start3A_127 = arith.constant 0 : i32
      %dma_start3A_128 = tpu.memref_slice %arg3[%mul3A_126, %dma_start3A_127] : memref<100000x512xf32, #tpu.memory_space<hbm>> -> memref<40x512xf32, #tpu.memory_space<hbm>>
      %dma_start3A_129 = arith.constant 0 : i32
      %dma_start3A_130 = tpu.memref_slice %arg3[%mul3A_126, %dma_start3A_129] : memref<100000x512xf32, #tpu.memory_space<hbm>> -> memref<40x512xf32, #tpu.memory_space<hbm>>
      tpu.enqueue_dma source(%arg6 : memref<40x512xf32, #tpu.memory_space<vmem>>) target(%dma_start3A_130 : memref<40x512xf32, #tpu.memory_space<hbm>>) target_semaphore(%arg8 : memref<!tpu.dma_semaphore, #tpu.memory_space<semaphore_mem>>)
      %mul3A_131 = arith.constant 2 : i32
      %mul3A_132 = arith.muli %scan3A_107, %mul3A_131 : i32
      %add3A_133 = arith.constant 2 : i32
      %add3A_134 = arith.addi %mul3A_132, %add3A_133 : i32
      %le3A = arith.constant 77 : i32
      %le3A_135 = arith.cmpi sle, %add3A_134, %le3A : i32
      %convert_element_type3A_136 = arith.extui %le3A_135 : i1 to i32
      %cond3A_137 = arith.constant 0 : i32
      %cond3A_138 = arith.cmpi ne, %convert_element_type3A_136, %cond3A_137 : i32
      scf.if %cond3A_138 {
        %mul3A_181 = arith.constant 2 : i32
        %mul3A_182 = arith.muli %scan3A_107, %mul3A_181 : i32
        %add3A_183 = arith.constant 2 : i32
        %add3A_184 = arith.addi %mul3A_182, %add3A_183 : i32
        %mul3A_185 = arith.constant 32 : i32
        %mul3A_186 = arith.muli %add3A_184, %mul3A_185 : i32
        %add3A_187 = arith.addi %mul3A_186, %add3A : i32
        %mul3A_188 = arith.constant 40 : i32
        %mul3A_189 = arith.muli %add3A_187, %mul3A_188 : i32
        %dma_start3A_190 = arith.constant 0 : i32
        %dma_start3A_191 = tpu.memref_slice %arg2[%mul3A_189, %dma_start3A_190] : memref<100000x32xf32, #tpu.memory_space<hbm>> -> memref<40x32xf32, #tpu.memory_space<hbm>>
        %dma_start3A_192 = arith.constant 0 : i32
        %dma_start3A_193 = tpu.memref_slice %arg2[%mul3A_189, %dma_start3A_192] : memref<100000x32xf32, #tpu.memory_space<hbm>> -> memref<40x32xf32, #tpu.memory_space<hbm>>
        tpu.enqueue_dma source(%dma_start3A_193 : memref<40x32xf32, #tpu.memory_space<hbm>>) target(%arg4 : memref<40x32xf32, #tpu.memory_space<vmem>>) target_semaphore(%arg10 : memref<!tpu.dma_semaphore, #tpu.memory_space<semaphore_mem>>)
      } else {
      }
      %mul3A_139 = arith.constant 2 : i32
      %mul3A_140 = arith.muli %scan3A_107, %mul3A_139 : i32
      %add3A_141 = arith.constant 2 : i32
      %add3A_142 = arith.addi %mul3A_140, %add3A_141 : i32
      %eq3A = arith.constant 78 : i32
      %eq3A_143 = arith.cmpi eq, %add3A_142, %eq3A : i32
      %lt3A_144 = arith.constant 4 : i32
      %lt3A_145 = arith.cmpi slt, %add3A, %lt3A_144 : i32
      %and3A_146 = arith.andi %eq3A_143, %lt3A_145 : i1
      %convert_element_type3A_147 = arith.extui %and3A_146 : i1 to i32
      %cond3A_148 = arith.constant 0 : i32
      %cond3A_149 = arith.cmpi ne, %convert_element_type3A_147, %cond3A_148 : i32
      scf.if %cond3A_149 {
        %add3A_181 = arith.constant 2496 : i32
        %add3A_182 = arith.addi %add3A_181, %add3A : i32
        %mul3A_183 = arith.constant 40 : i32
        %mul3A_184 = arith.muli %add3A_182, %mul3A_183 : i32
        %dma_start3A_185 = arith.constant 0 : i32
        %dma_start3A_186 = tpu.memref_slice %arg2[%mul3A_184, %dma_start3A_185] : memref<100000x32xf32, #tpu.memory_space<hbm>> -> memref<40x32xf32, #tpu.memory_space<hbm>>
        %dma_start3A_187 = arith.constant 0 : i32
        %dma_start3A_188 = tpu.memref_slice %arg2[%mul3A_184, %dma_start3A_187] : memref<100000x32xf32, #tpu.memory_space<hbm>> -> memref<40x32xf32, #tpu.memory_space<hbm>>
        tpu.enqueue_dma source(%dma_start3A_188 : memref<40x32xf32, #tpu.memory_space<hbm>>) target(%arg4 : memref<40x32xf32, #tpu.memory_space<vmem>>) target_semaphore(%arg10 : memref<!tpu.dma_semaphore, #tpu.memory_space<semaphore_mem>>)
      } else {
      }
      %mul3A_150 = arith.constant 2 : i32
      %mul3A_151 = arith.muli %scan3A_107, %mul3A_150 : i32
      %add3A_152 = arith.constant 1 : i32
      %add3A_153 = arith.addi %mul3A_151, %add3A_152 : i32
      %mul3A_154 = arith.constant 32 : i32
      %mul3A_155 = arith.muli %add3A_153, %mul3A_154 : i32
      %add3A_156 = arith.addi %mul3A_155, %add3A : i32
      %dma_wait3A_157 = arith.constant 0 : i32
      %dma_wait3A_158 = arith.constant 0 : i32
      %dma_wait3A_159 = tpu.memref_slice %arg2[%dma_wait3A_157, %dma_wait3A_158] : memref<100000x32xf32, #tpu.memory_space<hbm>> -> memref<40x32xf32, #tpu.memory_space<hbm>>
      %dma_wait3A_160 = arith.constant 0 : i32
      %dma_wait3A_161 = arith.constant 0 : i32
      %dma_wait3A_162 = tpu.memref_slice %arg2[%dma_wait3A_160, %dma_wait3A_161] : memref<100000x32xf32, #tpu.memory_space<hbm>> -> memref<40x32xf32, #tpu.memory_space<hbm>>
      tpu.wait_dma2 semaphore(%arg11 : memref<!tpu.dma_semaphore, #tpu.memory_space<semaphore_mem>>) src(%dma_wait3A_162 : memref<40x32xf32, #tpu.memory_space<hbm>>) dst(%arg5 : memref<40x32xf32, #tpu.memory_space<vmem>>)
      %parallel_loop3A_163 = arith.constant 0 : i32
      %parallel_loop3A_164 = arith.constant 40 : i32
      %parallel_loop3A_165 = arith.constant 1 : i32
      scf.for %parallel_loop3A_181 = %parallel_loop3A_163 to %parallel_loop3A_164 step %parallel_loop3A_165  : i32 {
        %parallel_loop3A_182 = arith.index_cast %parallel_loop3A_181 : i32 to index
        %parallel_loop3A_183 = arith.constant 0 : index
        %parallel_loop3A_184 = tpu.vector_load %arg5[%parallel_loop3A_182, %parallel_loop3A_183] {strides = array<i32>} : memref<40x32xf32, #tpu.memory_space<vmem>>, vector<1x16xf32>,
        %parallel_loop3A_185 = vector.shape_cast %parallel_loop3A_184 : vector<1x16xf32> to vector<16xf32>
        %parallel_loop3A_186 = arith.index_cast %parallel_loop3A_181 : i32 to index
        %parallel_loop3A_187 = arith.constant 16 : index
        %parallel_loop3A_188 = tpu.vector_load %arg5[%parallel_loop3A_186, %parallel_loop3A_187] {strides = array<i32>} : memref<40x32xf32, #tpu.memory_space<vmem>>, vector<1x16xf32>,
        %parallel_loop3A_189 = vector.shape_cast %parallel_loop3A_188 : vector<1x16xf32> to vector<16xf32>
        %parallel_loop3A_190 = vector.shape_cast %and3A_2 : vector<16xi32> to vector<16x1xi32>
        %parallel_loop3A_191 = vector.shape_cast %parallel_loop3A_190 : vector<16x1xi32> to vector<16xi32>
        %parallel_loop3A_192 = tpu.dynamic_gather %parallel_loop3A_189[%parallel_loop3A_191] in [0] : vector<16xf32>, vector<16xi32> -> vector<16xf32>
        %parallel_loop3A_193 = vector.shape_cast %add3A_7 : vector<16xi32> to vector<16x1xi32>
        %parallel_loop3A_194 = vector.shape_cast %parallel_loop3A_193 : vector<16x1xi32> to vector<16xi32>
        %parallel_loop3A_195 = tpu.dynamic_gather %parallel_loop3A_185[%parallel_loop3A_194] in [0] : vector<16xf32>, vector<16xi32> -> vector<16xf32>
        %parallel_loop3A_196 = arith.mulf %parallel_loop3A_195, %parallel_loop3A_192 : vector<16xf32>
        %parallel_loop3A_197 = vector.shape_cast %add3A_13 : vector<16xi32> to vector<16x1xi32>
        %parallel_loop3A_198 = vector.shape_cast %parallel_loop3A_197 : vector<16x1xi32> to vector<16xi32>
        %parallel_loop3A_199 = tpu.dynamic_gather %parallel_loop3A_185[%parallel_loop3A_198] in [0] : vector<16xf32>, vector<16xi32> -> vector<16xf32>
        %parallel_loop3A_200 = arith.mulf %parallel_loop3A_199, %parallel_loop3A_192 : vector<16xf32>
        %parallel_loop3A_201 = vector.shape_cast %add3A_19 : vector<16xi32> to vector<16x1xi32>
        %parallel_loop3A_202 = vector.shape_cast %parallel_loop3A_201 : vector<16x1xi32> to vector<16xi32>
        %parallel_loop3A_203 = tpu.dynamic_gather %parallel_loop3A_185[%parallel_loop3A_202] in [0] : vector<16xf32>, vector<16xi32> -> vector<16xf32>
        %parallel_loop3A_204 = arith.mulf %parallel_loop3A_203, %parallel_loop3A_192 : vector<16xf32>
        %parallel_loop3A_205 = vector.shape_cast %add3A_25 : vector<16xi32> to vector<16x1xi32>
        %parallel_loop3A_206 = vector.shape_cast %parallel_loop3A_205 : vector<16x1xi32> to vector<16xi32>
        %parallel_loop3A_207 = tpu.dynamic_gather %parallel_loop3A_185[%parallel_loop3A_206] in [0] : vector<16xf32>, vector<16xi32> -> vector<16xf32>
        %parallel_loop3A_208 = arith.mulf %parallel_loop3A_207, %parallel_loop3A_192 : vector<16xf32>
        %parallel_loop3A_209 = vector.shape_cast %add3A_31 : vector<16xi32> to vector<16x1xi32>
        %parallel_loop3A_210 = vector.shape_cast %parallel_loop3A_209 : vector<16x1xi32> to vector<16xi32>
        %parallel_loop3A_211 = tpu.dynamic_gather %parallel_loop3A_185[%parallel_loop3A_210] in [0] : vector<16xf32>, vector<16xi32> -> vector<16xf32>
        %parallel_loop3A_212 = arith.mulf %parallel_loop3A_211, %parallel_loop3A_196 : vector<16xf32>
        %parallel_loop3A_213 = arith.index_cast %parallel_loop3A_181 : i32 to index
        %parallel_loop3A_214 = arith.constant 0 : index
        %parallel_loop3A_215 = tpu.vector_load %arg7[%parallel_loop3A_213, %parallel_loop3A_214] {strides = array<i32>} : memref<40x512xf32, #tpu.memory_space<vmem>>, vector<1x16xf32>,
        %parallel_loop3A_216 = vector.shape_cast %parallel_loop3A_215 : vector<1x16xf32> to vector<16xf32>
        %parallel_loop3A_217 = vector.shape_cast %parallel_loop3A_212 : vector<16xf32> to vector<1x16xf32>
        tpu.vector_store %arg7[%parallel_loop3A_213, %parallel_loop3A_214], %parallel_loop3A_217 {strides = array<i32>} : memref<40x512xf32, #tpu.memory_space<vmem>>, vector<1x16xf32>,
        %parallel_loop3A_218 = arith.mulf %parallel_loop3A_211, %parallel_loop3A_200 : vector<16xf32>
        %parallel_loop3A_219 = arith.index_cast %parallel_loop3A_181 : i32 to index
        %parallel_loop3A_220 = arith.constant 16 : index
        %parallel_loop3A_221 = tpu.vector_load %arg7[%parallel_loop3A_219, %parallel_loop3A_220] {strides = array<i32>} : memref<40x512xf32, #tpu.memory_space<vmem>>, vector<1x16xf32>,
        %parallel_loop3A_222 = vector.shape_cast %parallel_loop3A_221 : vector<1x16xf32> to vector<16xf32>
        %parallel_loop3A_223 = vector.shape_cast %parallel_loop3A_218 : vector<16xf32> to vector<1x16xf32>
        tpu.vector_store %arg7[%parallel_loop3A_219, %parallel_loop3A_220], %parallel_loop3A_223 {strides = array<i32>} : memref<40x512xf32, #tpu.memory_space<vmem>>, vector<1x16xf32>,
        %parallel_loop3A_224 = arith.mulf %parallel_loop3A_211, %parallel_loop3A_204 : vector<16xf32>
        %parallel_loop3A_225 = arith.index_cast %parallel_loop3A_181 : i32 to index
        %parallel_loop3A_226 = arith.constant 32 : index
        %parallel_loop3A_227 = tpu.vector_load %arg7[%parallel_loop3A_225, %parallel_loop3A_226] {strides = array<i32>} : memref<40x512xf32, #tpu.memory_space<vmem>>, vector<1x16xf32>,
        %parallel_loop3A_228 = vector.shape_cast %parallel_loop3A_227 : vector<1x16xf32> to vector<16xf32>
        %parallel_loop3A_229 = vector.shape_cast %parallel_loop3A_224 : vector<16xf32> to vector<1x16xf32>
        tpu.vector_store %arg7[%parallel_loop3A_225, %parallel_loop3A_226], %parallel_loop3A_229 {strides = array<i32>} : memref<40x512xf32, #tpu.memory_space<vmem>>, vector<1x16xf32>,
        %parallel_loop3A_230 = arith.mulf %parallel_loop3A_211, %parallel_loop3A_208 : vector<16xf32>
        %parallel_loop3A_231 = arith.index_cast %parallel_loop3A_181 : i32 to index
        %parallel_loop3A_232 = arith.constant 48 : index
        %parallel_loop3A_233 = tpu.vector_load %arg7[%parallel_loop3A_231, %parallel_loop3A_232] {strides = array<i32>} : memref<40x512xf32, #tpu.memory_space<vmem>>, vector<1x16xf32>,
        %parallel_loop3A_234 = vector.shape_cast %parallel_loop3A_233 : vector<1x16xf32> to vector<16xf32>
        %parallel_loop3A_235 = vector.shape_cast %parallel_loop3A_230 : vector<16xf32> to vector<1x16xf32>
        tpu.vector_store %arg7[%parallel_loop3A_231, %parallel_loop3A_232], %parallel_loop3A_235 {strides = array<i32>} : memref<40x512xf32, #tpu.memory_space<vmem>>, vector<1x16xf32>,
        %parallel_loop3A_236 = vector.shape_cast %add3A_37 : vector<16xi32> to vector<16x1xi32>
        %parallel_loop3A_237 = vector.shape_cast %parallel_loop3A_236 : vector<16x1xi32> to vector<16xi32>
        %parallel_loop3A_238 = tpu.dynamic_gather %parallel_loop3A_185[%parallel_loop3A_237] in [0] : vector<16xf32>, vector<16xi32> -> vector<16xf32>
        %parallel_loop3A_239 = arith.mulf %parallel_loop3A_238, %parallel_loop3A_196 : vector<16xf32>
        %parallel_loop3A_240 = arith.index_cast %parallel_loop3A_181 : i32 to index
        %parallel_loop3A_241 = arith.constant 64 : index
        %parallel_loop3A_242 = tpu.vector_load %arg7[%parallel_loop3A_240, %parallel_loop3A_241] {strides = array<i32>} : memref<40x512xf32, #tpu.memory_space<vmem>>, vector<1x16xf32>,
        %parallel_loop3A_243 = vector.shape_cast %parallel_loop3A_242 : vector<1x16xf32> to vector<16xf32>
        %parallel_loop3A_244 = vector.shape_cast %parallel_loop3A_239 : vector<16xf32> to vector<1x16xf32>
        tpu.vector_store %arg7[%parallel_loop3A_240, %parallel_loop3A_241], %parallel_loop3A_244 {strides = array<i32>} : memref<40x512xf32, #tpu.memory_space<vmem>>, vector<1x16xf32>,
        %parallel_loop3A_245 = arith.mulf %parallel_loop3A_238, %parallel_loop3A_200 : vector<16xf32>
        %parallel_loop3A_246 = arith.index_cast %parallel_loop3A_181 : i32 to index
        %parallel_loop3A_247 = arith.constant 80 : index
        %parallel_loop3A_248 = tpu.vector_load %arg7[%parallel_loop3A_246, %parallel_loop3A_247] {strides = array<i32>} : memref<40x512xf32, #tpu.memory_space<vmem>>, vector<1x16xf32>,
        %parallel_loop3A_249 = vector.shape_cast %parallel_loop3A_248 : vector<1x16xf32> to vector<16xf32>
        %parallel_loop3A_250 = vector.shape_cast %parallel_loop3A_245 : vector<16xf32> to vector<1x16xf32>
        tpu.vector_store %arg7[%parallel_loop3A_246, %parallel_loop3A_247], %parallel_loop3A_250 {strides = array<i32>} : memref<40x512xf32, #tpu.memory_space<vmem>>, vector<1x16xf32>,
        %parallel_loop3A_251 = arith.mulf %parallel_loop3A_238, %parallel_loop3A_204 : vector<16xf32>
        %parallel_loop3A_252 = arith.index_cast %parallel_loop3A_181 : i32 to index
        %parallel_loop3A_253 = arith.constant 96 : index
        %parallel_loop3A_254 = tpu.vector_load %arg7[%parallel_loop3A_252, %parallel_loop3A_253] {strides = array<i32>} : memref<40x512xf32, #tpu.memory_space<vmem>>, vector<1x16xf32>,
        %parallel_loop3A_255 = vector.shape_cast %parallel_loop3A_254 : vector<1x16xf32> to vector<16xf32>
        %parallel_loop3A_256 = vector.shape_cast %parallel_loop3A_251 : vector<16xf32> to vector<1x16xf32>
        tpu.vector_store %arg7[%parallel_loop3A_252, %parallel_loop3A_253], %parallel_loop3A_256 {strides = array<i32>} : memref<40x512xf32, #tpu.memory_space<vmem>>, vector<1x16xf32>,
        %parallel_loop3A_257 = arith.mulf %parallel_loop3A_238, %parallel_loop3A_208 : vector<16xf32>
        %parallel_loop3A_258 = arith.index_cast %parallel_loop3A_181 : i32 to index
        %parallel_loop3A_259 = arith.constant 112 : index
        %parallel_loop3A_260 = tpu.vector_load %arg7[%parallel_loop3A_258, %parallel_loop3A_259] {strides = array<i32>} : memref<40x512xf32, #tpu.memory_space<vmem>>, vector<1x16xf32>,
        %parallel_loop3A_261 = vector.shape_cast %parallel_loop3A_260 : vector<1x16xf32> to vector<16xf32>
        %parallel_loop3A_262 = vector.shape_cast %parallel_loop3A_257 : vector<16xf32> to vector<1x16xf32>
        tpu.vector_store %arg7[%parallel_loop3A_258, %parallel_loop3A_259], %parallel_loop3A_262 {strides = array<i32>} : memref<40x512xf32, #tpu.memory_space<vmem>>, vector<1x16xf32>,
        %parallel_loop3A_263 = vector.shape_cast %add3A_43 : vector<16xi32> to vector<16x1xi32>
        %parallel_loop3A_264 = vector.shape_cast %parallel_loop3A_263 : vector<16x1xi32> to vector<16xi32>
        %parallel_loop3A_265 = tpu.dynamic_gather %parallel_loop3A_185[%parallel_loop3A_264] in [0] : vector<16xf32>, vector<16xi32> -> vector<16xf32>
        %parallel_loop3A_266 = arith.mulf %parallel_loop3A_265, %parallel_loop3A_196 : vector<16xf32>
        %parallel_loop3A_267 = arith.index_cast %parallel_loop3A_181 : i32 to index
        %parallel_loop3A_268 = arith.constant 128 : index
        %parallel_loop3A_269 = tpu.vector_load %arg7[%parallel_loop3A_267, %parallel_loop3A_268] {strides = array<i32>} : memref<40x512xf32, #tpu.memory_space<vmem>>, vector<1x16xf32>,
        %parallel_loop3A_270 = vector.shape_cast %parallel_loop3A_269 : vector<1x16xf32> to vector<16xf32>
        %parallel_loop3A_271 = vector.shape_cast %parallel_loop3A_266 : vector<16xf32> to vector<1x16xf32>
        tpu.vector_store %arg7[%parallel_loop3A_267, %parallel_loop3A_268], %parallel_loop3A_271 {strides = array<i32>} : memref<40x512xf32, #tpu.memory_space<vmem>>, vector<1x16xf32>,
        %parallel_loop3A_272 = arith.mulf %parallel_loop3A_265, %parallel_loop3A_200 : vector<16xf32>
        %parallel_loop3A_273 = arith.index_cast %parallel_loop3A_181 : i32 to index
        %parallel_loop3A_274 = arith.constant 144 : index
        %parallel_loop3A_275 = tpu.vector_load %arg7[%parallel_loop3A_273, %parallel_loop3A_274] {strides = array<i32>} : memref<40x512xf32, #tpu.memory_space<vmem>>, vector<1x16xf32>,
        %parallel_loop3A_276 = vector.shape_cast %parallel_loop3A_275 : vector<1x16xf32> to vector<16xf32>
        %parallel_loop3A_277 = vector.shape_cast %parallel_loop3A_272 : vector<16xf32> to vector<1x16xf32>
        tpu.vector_store %arg7[%parallel_loop3A_273, %parallel_loop3A_274], %parallel_loop3A_277 {strides = array<i32>} : memref<40x512xf32, #tpu.memory_space<vmem>>, vector<1x16xf32>,
        %parallel_loop3A_278 = arith.mulf %parallel_loop3A_265, %parallel_loop3A_204 : vector<16xf32>
        %parallel_loop3A_279 = arith.index_cast %parallel_loop3A_181 : i32 to index
        %parallel_loop3A_280 = arith.constant 160 : index
        %parallel_loop3A_281 = tpu.vector_load %arg7[%parallel_loop3A_279, %parallel_loop3A_280] {strides = array<i32>} : memref<40x512xf32, #tpu.memory_space<vmem>>, vector<1x16xf32>,
        %parallel_loop3A_282 = vector.shape_cast %parallel_loop3A_281 : vector<1x16xf32> to vector<16xf32>
        %parallel_loop3A_283 = vector.shape_cast %parallel_loop3A_278 : vector<16xf32> to vector<1x16xf32>
        tpu.vector_store %arg7[%parallel_loop3A_279, %parallel_loop3A_280], %parallel_loop3A_283 {strides = array<i32>} : memref<40x512xf32, #tpu.memory_space<vmem>>, vector<1x16xf32>,
        %parallel_loop3A_284 = arith.mulf %parallel_loop3A_265, %parallel_loop3A_208 : vector<16xf32>
        %parallel_loop3A_285 = arith.index_cast %parallel_loop3A_181 : i32 to index
        %parallel_loop3A_286 = arith.constant 176 : index
        %parallel_loop3A_287 = tpu.vector_load %arg7[%parallel_loop3A_285, %parallel_loop3A_286] {strides = array<i32>} : memref<40x512xf32, #tpu.memory_space<vmem>>, vector<1x16xf32>,
        %parallel_loop3A_288 = vector.shape_cast %parallel_loop3A_287 : vector<1x16xf32> to vector<16xf32>
        %parallel_loop3A_289 = vector.shape_cast %parallel_loop3A_284 : vector<16xf32> to vector<1x16xf32>
        tpu.vector_store %arg7[%parallel_loop3A_285, %parallel_loop3A_286], %parallel_loop3A_289 {strides = array<i32>} : memref<40x512xf32, #tpu.memory_space<vmem>>, vector<1x16xf32>,
        %parallel_loop3A_290 = vector.shape_cast %add3A_49 : vector<16xi32> to vector<16x1xi32>
        %parallel_loop3A_291 = vector.shape_cast %parallel_loop3A_290 : vector<16x1xi32> to vector<16xi32>
        %parallel_loop3A_292 = tpu.dynamic_gather %parallel_loop3A_185[%parallel_loop3A_291] in [0] : vector<16xf32>, vector<16xi32> -> vector<16xf32>
        %parallel_loop3A_293 = arith.mulf %parallel_loop3A_292, %parallel_loop3A_196 : vector<16xf32>
        %parallel_loop3A_294 = arith.index_cast %parallel_loop3A_181 : i32 to index
        %parallel_loop3A_295 = arith.constant 192 : index
        %parallel_loop3A_296 = tpu.vector_load %arg7[%parallel_loop3A_294, %parallel_loop3A_295] {strides = array<i32>} : memref<40x512xf32, #tpu.memory_space<vmem>>, vector<1x16xf32>,
        %parallel_loop3A_297 = vector.shape_cast %parallel_loop3A_296 : vector<1x16xf32> to vector<16xf32>
        %parallel_loop3A_298 = vector.shape_cast %parallel_loop3A_293 : vector<16xf32> to vector<1x16xf32>
        tpu.vector_store %arg7[%parallel_loop3A_294, %parallel_loop3A_295], %parallel_loop3A_298 {strides = array<i32>} : memref<40x512xf32, #tpu.memory_space<vmem>>, vector<1x16xf32>,
        %parallel_loop3A_299 = arith.mulf %parallel_loop3A_292, %parallel_loop3A_200 : vector<16xf32>
        %parallel_loop3A_300 = arith.index_cast %parallel_loop3A_181 : i32 to index
        %parallel_loop3A_301 = arith.constant 208 : index
        %parallel_loop3A_302 = tpu.vector_load %arg7[%parallel_loop3A_300, %parallel_loop3A_301] {strides = array<i32>} : memref<40x512xf32, #tpu.memory_space<vmem>>, vector<1x16xf32>,
        %parallel_loop3A_303 = vector.shape_cast %parallel_loop3A_302 : vector<1x16xf32> to vector<16xf32>
        %parallel_loop3A_304 = vector.shape_cast %parallel_loop3A_299 : vector<16xf32> to vector<1x16xf32>
        tpu.vector_store %arg7[%parallel_loop3A_300, %parallel_loop3A_301], %parallel_loop3A_304 {strides = array<i32>} : memref<40x512xf32, #tpu.memory_space<vmem>>, vector<1x16xf32>,
        %parallel_loop3A_305 = arith.mulf %parallel_loop3A_292, %parallel_loop3A_204 : vector<16xf32>
        %parallel_loop3A_306 = arith.index_cast %parallel_loop3A_181 : i32 to index
        %parallel_loop3A_307 = arith.constant 224 : index
        %parallel_loop3A_308 = tpu.vector_load %arg7[%parallel_loop3A_306, %parallel_loop3A_307] {strides = array<i32>} : memref<40x512xf32, #tpu.memory_space<vmem>>, vector<1x16xf32>,
        %parallel_loop3A_309 = vector.shape_cast %parallel_loop3A_308 : vector<1x16xf32> to vector<16xf32>
        %parallel_loop3A_310 = vector.shape_cast %parallel_loop3A_305 : vector<16xf32> to vector<1x16xf32>
        tpu.vector_store %arg7[%parallel_loop3A_306, %parallel_loop3A_307], %parallel_loop3A_310 {strides = array<i32>} : memref<40x512xf32, #tpu.memory_space<vmem>>, vector<1x16xf32>,
        %parallel_loop3A_311 = arith.mulf %parallel_loop3A_292, %parallel_loop3A_208 : vector<16xf32>
        %parallel_loop3A_312 = arith.index_cast %parallel_loop3A_181 : i32 to index
        %parallel_loop3A_313 = arith.constant 240 : index
        %parallel_loop3A_314 = tpu.vector_load %arg7[%parallel_loop3A_312, %parallel_loop3A_313] {strides = array<i32>} : memref<40x512xf32, #tpu.memory_space<vmem>>, vector<1x16xf32>,
        %parallel_loop3A_315 = vector.shape_cast %parallel_loop3A_314 : vector<1x16xf32> to vector<16xf32>
        %parallel_loop3A_316 = vector.shape_cast %parallel_loop3A_311 : vector<16xf32> to vector<1x16xf32>
        tpu.vector_store %arg7[%parallel_loop3A_312, %parallel_loop3A_313], %parallel_loop3A_316 {strides = array<i32>} : memref<40x512xf32, #tpu.memory_space<vmem>>, vector<1x16xf32>,
        %parallel_loop3A_317 = vector.shape_cast %add3A_55 : vector<16xi32> to vector<16x1xi32>
        %parallel_loop3A_318 = vector.shape_cast %parallel_loop3A_317 : vector<16x1xi32> to vector<16xi32>
        %parallel_loop3A_319 = tpu.dynamic_gather %parallel_loop3A_185[%parallel_loop3A_318] in [0] : vector<16xf32>, vector<16xi32> -> vector<16xf32>
        %parallel_loop3A_320 = arith.mulf %parallel_loop3A_319, %parallel_loop3A_196 : vector<16xf32>
        %parallel_loop3A_321 = arith.index_cast %parallel_loop3A_181 : i32 to index
        %parallel_loop3A_322 = arith.constant 256 : index
        %parallel_loop3A_323 = tpu.vector_load %arg7[%parallel_loop3A_321, %parallel_loop3A_322] {strides = array<i32>} : memref<40x512xf32, #tpu.memory_space<vmem>>, vector<1x16xf32>,
        %parallel_loop3A_324 = vector.shape_cast %parallel_loop3A_323 : vector<1x16xf32> to vector<16xf32>
        %parallel_loop3A_325 = vector.shape_cast %parallel_loop3A_320 : vector<16xf32> to vector<1x16xf32>
        tpu.vector_store %arg7[%parallel_loop3A_321, %parallel_loop3A_322], %parallel_loop3A_325 {strides = array<i32>} : memref<40x512xf32, #tpu.memory_space<vmem>>, vector<1x16xf32>,
        %parallel_loop3A_326 = arith.mulf %parallel_loop3A_319, %parallel_loop3A_200 : vector<16xf32>
        %parallel_loop3A_327 = arith.index_cast %parallel_loop3A_181 : i32 to index
        %parallel_loop3A_328 = arith.constant 272 : index
        %parallel_loop3A_329 = tpu.vector_load %arg7[%parallel_loop3A_327, %parallel_loop3A_328] {strides = array<i32>} : memref<40x512xf32, #tpu.memory_space<vmem>>, vector<1x16xf32>,
        %parallel_loop3A_330 = vector.shape_cast %parallel_loop3A_329 : vector<1x16xf32> to vector<16xf32>
        %parallel_loop3A_331 = vector.shape_cast %parallel_loop3A_326 : vector<16xf32> to vector<1x16xf32>
        tpu.vector_store %arg7[%parallel_loop3A_327, %parallel_loop3A_328], %parallel_loop3A_331 {strides = array<i32>} : memref<40x512xf32, #tpu.memory_space<vmem>>, vector<1x16xf32>,
        %parallel_loop3A_332 = arith.mulf %parallel_loop3A_319, %parallel_loop3A_204 : vector<16xf32>
        %parallel_loop3A_333 = arith.index_cast %parallel_loop3A_181 : i32 to index
        %parallel_loop3A_334 = arith.constant 288 : index
        %parallel_loop3A_335 = tpu.vector_load %arg7[%parallel_loop3A_333, %parallel_loop3A_334] {strides = array<i32>} : memref<40x512xf32, #tpu.memory_space<vmem>>, vector<1x16xf32>,
        %parallel_loop3A_336 = vector.shape_cast %parallel_loop3A_335 : vector<1x16xf32> to vector<16xf32>
        %parallel_loop3A_337 = vector.shape_cast %parallel_loop3A_332 : vector<16xf32> to vector<1x16xf32>
        tpu.vector_store %arg7[%parallel_loop3A_333, %parallel_loop3A_334], %parallel_loop3A_337 {strides = array<i32>} : memref<40x512xf32, #tpu.memory_space<vmem>>, vector<1x16xf32>,
        %parallel_loop3A_338 = arith.mulf %parallel_loop3A_319, %parallel_loop3A_208 : vector<16xf32>
        %parallel_loop3A_339 = arith.index_cast %parallel_loop3A_181 : i32 to index
        %parallel_loop3A_340 = arith.constant 304 : index
        %parallel_loop3A_341 = tpu.vector_load %arg7[%parallel_loop3A_339, %parallel_loop3A_340] {strides = array<i32>} : memref<40x512xf32, #tpu.memory_space<vmem>>, vector<1x16xf32>,
        %parallel_loop3A_342 = vector.shape_cast %parallel_loop3A_341 : vector<1x16xf32> to vector<16xf32>
        %parallel_loop3A_343 = vector.shape_cast %parallel_loop3A_338 : vector<16xf32> to vector<1x16xf32>
        tpu.vector_store %arg7[%parallel_loop3A_339, %parallel_loop3A_340], %parallel_loop3A_343 {strides = array<i32>} : memref<40x512xf32, #tpu.memory_space<vmem>>, vector<1x16xf32>,
        %parallel_loop3A_344 = vector.shape_cast %add3A_61 : vector<16xi32> to vector<16x1xi32>
        %parallel_loop3A_345 = vector.shape_cast %parallel_loop3A_344 : vector<16x1xi32> to vector<16xi32>
        %parallel_loop3A_346 = tpu.dynamic_gather %parallel_loop3A_185[%parallel_loop3A_345] in [0] : vector<16xf32>, vector<16xi32> -> vector<16xf32>
        %parallel_loop3A_347 = arith.mulf %parallel_loop3A_346, %parallel_loop3A_196 : vector<16xf32>
        %parallel_loop3A_348 = arith.index_cast %parallel_loop3A_181 : i32 to index
        %parallel_loop3A_349 = arith.constant 320 : index
        %parallel_loop3A_350 = tpu.vector_load %arg7[%parallel_loop3A_348, %parallel_loop3A_349] {strides = array<i32>} : memref<40x512xf32, #tpu.memory_space<vmem>>, vector<1x16xf32>,
        %parallel_loop3A_351 = vector.shape_cast %parallel_loop3A_350 : vector<1x16xf32> to vector<16xf32>
        %parallel_loop3A_352 = vector.shape_cast %parallel_loop3A_347 : vector<16xf32> to vector<1x16xf32>
        tpu.vector_store %arg7[%parallel_loop3A_348, %parallel_loop3A_349], %parallel_loop3A_352 {strides = array<i32>} : memref<40x512xf32, #tpu.memory_space<vmem>>, vector<1x16xf32>,
        %parallel_loop3A_353 = arith.mulf %parallel_loop3A_346, %parallel_loop3A_200 : vector<16xf32>
        %parallel_loop3A_354 = arith.index_cast %parallel_loop3A_181 : i32 to index
        %parallel_loop3A_355 = arith.constant 336 : index
        %parallel_loop3A_356 = tpu.vector_load %arg7[%parallel_loop3A_354, %parallel_loop3A_355] {strides = array<i32>} : memref<40x512xf32, #tpu.memory_space<vmem>>, vector<1x16xf32>,
        %parallel_loop3A_357 = vector.shape_cast %parallel_loop3A_356 : vector<1x16xf32> to vector<16xf32>
        %parallel_loop3A_358 = vector.shape_cast %parallel_loop3A_353 : vector<16xf32> to vector<1x16xf32>
        tpu.vector_store %arg7[%parallel_loop3A_354, %parallel_loop3A_355], %parallel_loop3A_358 {strides = array<i32>} : memref<40x512xf32, #tpu.memory_space<vmem>>, vector<1x16xf32>,
        %parallel_loop3A_359 = arith.mulf %parallel_loop3A_346, %parallel_loop3A_204 : vector<16xf32>
        %parallel_loop3A_360 = arith.index_cast %parallel_loop3A_181 : i32 to index
        %parallel_loop3A_361 = arith.constant 352 : index
        %parallel_loop3A_362 = tpu.vector_load %arg7[%parallel_loop3A_360, %parallel_loop3A_361] {strides = array<i32>} : memref<40x512xf32, #tpu.memory_space<vmem>>, vector<1x16xf32>,
        %parallel_loop3A_363 = vector.shape_cast %parallel_loop3A_362 : vector<1x16xf32> to vector<16xf32>
        %parallel_loop3A_364 = vector.shape_cast %parallel_loop3A_359 : vector<16xf32> to vector<1x16xf32>
        tpu.vector_store %arg7[%parallel_loop3A_360, %parallel_loop3A_361], %parallel_loop3A_364 {strides = array<i32>} : memref<40x512xf32, #tpu.memory_space<vmem>>, vector<1x16xf32>,
        %parallel_loop3A_365 = arith.mulf %parallel_loop3A_346, %parallel_loop3A_208 : vector<16xf32>
        %parallel_loop3A_366 = arith.index_cast %parallel_loop3A_181 : i32 to index
        %parallel_loop3A_367 = arith.constant 368 : index
        %parallel_loop3A_368 = tpu.vector_load %arg7[%parallel_loop3A_366, %parallel_loop3A_367] {strides = array<i32>} : memref<40x512xf32, #tpu.memory_space<vmem>>, vector<1x16xf32>,
        %parallel_loop3A_369 = vector.shape_cast %parallel_loop3A_368 : vector<1x16xf32> to vector<16xf32>
        %parallel_loop3A_370 = vector.shape_cast %parallel_loop3A_365 : vector<16xf32> to vector<1x16xf32>
        tpu.vector_store %arg7[%parallel_loop3A_366, %parallel_loop3A_367], %parallel_loop3A_370 {strides = array<i32>} : memref<40x512xf32, #tpu.memory_space<vmem>>, vector<1x16xf32>,
        %parallel_loop3A_371 = vector.shape_cast %add3A_67 : vector<16xi32> to vector<16x1xi32>
        %parallel_loop3A_372 = vector.shape_cast %parallel_loop3A_371 : vector<16x1xi32> to vector<16xi32>
        %parallel_loop3A_373 = tpu.dynamic_gather %parallel_loop3A_185[%parallel_loop3A_372] in [0] : vector<16xf32>, vector<16xi32> -> vector<16xf32>
        %parallel_loop3A_374 = arith.mulf %parallel_loop3A_373, %parallel_loop3A_196 : vector<16xf32>
        %parallel_loop3A_375 = arith.index_cast %parallel_loop3A_181 : i32 to index
        %parallel_loop3A_376 = arith.constant 384 : index
        %parallel_loop3A_377 = tpu.vector_load %arg7[%parallel_loop3A_375, %parallel_loop3A_376] {strides = array<i32>} : memref<40x512xf32, #tpu.memory_space<vmem>>, vector<1x16xf32>,
        %parallel_loop3A_378 = vector.shape_cast %parallel_loop3A_377 : vector<1x16xf32> to vector<16xf32>
        %parallel_loop3A_379 = vector.shape_cast %parallel_loop3A_374 : vector<16xf32> to vector<1x16xf32>
        tpu.vector_store %arg7[%parallel_loop3A_375, %parallel_loop3A_376], %parallel_loop3A_379 {strides = array<i32>} : memref<40x512xf32, #tpu.memory_space<vmem>>, vector<1x16xf32>,
        %parallel_loop3A_380 = arith.mulf %parallel_loop3A_373, %parallel_loop3A_200 : vector<16xf32>
        %parallel_loop3A_381 = arith.index_cast %parallel_loop3A_181 : i32 to index
        %parallel_loop3A_382 = arith.constant 400 : index
        %parallel_loop3A_383 = tpu.vector_load %arg7[%parallel_loop3A_381, %parallel_loop3A_382] {strides = array<i32>} : memref<40x512xf32, #tpu.memory_space<vmem>>, vector<1x16xf32>,
        %parallel_loop3A_384 = vector.shape_cast %parallel_loop3A_383 : vector<1x16xf32> to vector<16xf32>
        %parallel_loop3A_385 = vector.shape_cast %parallel_loop3A_380 : vector<16xf32> to vector<1x16xf32>
        tpu.vector_store %arg7[%parallel_loop3A_381, %parallel_loop3A_382], %parallel_loop3A_385 {strides = array<i32>} : memref<40x512xf32, #tpu.memory_space<vmem>>, vector<1x16xf32>,
        %parallel_loop3A_386 = arith.mulf %parallel_loop3A_373, %parallel_loop3A_204 : vector<16xf32>
        %parallel_loop3A_387 = arith.index_cast %parallel_loop3A_181 : i32 to index
        %parallel_loop3A_388 = arith.constant 416 : index
        %parallel_loop3A_389 = tpu.vector_load %arg7[%parallel_loop3A_387, %parallel_loop3A_388] {strides = array<i32>} : memref<40x512xf32, #tpu.memory_space<vmem>>, vector<1x16xf32>,
        %parallel_loop3A_390 = vector.shape_cast %parallel_loop3A_389 : vector<1x16xf32> to vector<16xf32>
        %parallel_loop3A_391 = vector.shape_cast %parallel_loop3A_386 : vector<16xf32> to vector<1x16xf32>
        tpu.vector_store %arg7[%parallel_loop3A_387, %parallel_loop3A_388], %parallel_loop3A_391 {strides = array<i32>} : memref<40x512xf32, #tpu.memory_space<vmem>>, vector<1x16xf32>,
        %parallel_loop3A_392 = arith.mulf %parallel_loop3A_373, %parallel_loop3A_208 : vector<16xf32>
        %parallel_loop3A_393 = arith.index_cast %parallel_loop3A_181 : i32 to index
        %parallel_loop3A_394 = arith.constant 432 : index
        %parallel_loop3A_395 = tpu.vector_load %arg7[%parallel_loop3A_393, %parallel_loop3A_394] {strides = array<i32>} : memref<40x512xf32, #tpu.memory_space<vmem>>, vector<1x16xf32>,
        %parallel_loop3A_396 = vector.shape_cast %parallel_loop3A_395 : vector<1x16xf32> to vector<16xf32>
        %parallel_loop3A_397 = vector.shape_cast %parallel_loop3A_392 : vector<16xf32> to vector<1x16xf32>
        tpu.vector_store %arg7[%parallel_loop3A_393, %parallel_loop3A_394], %parallel_loop3A_397 {strides = array<i32>} : memref<40x512xf32, #tpu.memory_space<vmem>>, vector<1x16xf32>,
        %parallel_loop3A_398 = vector.shape_cast %add3A_73 : vector<16xi32> to vector<16x1xi32>
        %parallel_loop3A_399 = vector.shape_cast %parallel_loop3A_398 : vector<16x1xi32> to vector<16xi32>
        %parallel_loop3A_400 = tpu.dynamic_gather %parallel_loop3A_185[%parallel_loop3A_399] in [0] : vector<16xf32>, vector<16xi32> -> vector<16xf32>
        %parallel_loop3A_401 = arith.mulf %parallel_loop3A_400, %parallel_loop3A_196 : vector<16xf32>
        %parallel_loop3A_402 = arith.index_cast %parallel_loop3A_181 : i32 to index
        %parallel_loop3A_403 = arith.constant 448 : index
        %parallel_loop3A_404 = tpu.vector_load %arg7[%parallel_loop3A_402, %parallel_loop3A_403] {strides = array<i32>} : memref<40x512xf32, #tpu.memory_space<vmem>>, vector<1x16xf32>,
        %parallel_loop3A_405 = vector.shape_cast %parallel_loop3A_404 : vector<1x16xf32> to vector<16xf32>
        %parallel_loop3A_406 = vector.shape_cast %parallel_loop3A_401 : vector<16xf32> to vector<1x16xf32>
        tpu.vector_store %arg7[%parallel_loop3A_402, %parallel_loop3A_403], %parallel_loop3A_406 {strides = array<i32>} : memref<40x512xf32, #tpu.memory_space<vmem>>, vector<1x16xf32>,
        %parallel_loop3A_407 = arith.mulf %parallel_loop3A_400, %parallel_loop3A_200 : vector<16xf32>
        %parallel_loop3A_408 = arith.index_cast %parallel_loop3A_181 : i32 to index
        %parallel_loop3A_409 = arith.constant 464 : index
        %parallel_loop3A_410 = tpu.vector_load %arg7[%parallel_loop3A_408, %parallel_loop3A_409] {strides = array<i32>} : memref<40x512xf32, #tpu.memory_space<vmem>>, vector<1x16xf32>,
        %parallel_loop3A_411 = vector.shape_cast %parallel_loop3A_410 : vector<1x16xf32> to vector<16xf32>
        %parallel_loop3A_412 = vector.shape_cast %parallel_loop3A_407 : vector<16xf32> to vector<1x16xf32>
        tpu.vector_store %arg7[%parallel_loop3A_408, %parallel_loop3A_409], %parallel_loop3A_412 {strides = array<i32>} : memref<40x512xf32, #tpu.memory_space<vmem>>, vector<1x16xf32>,
        %parallel_loop3A_413 = arith.mulf %parallel_loop3A_400, %parallel_loop3A_204 : vector<16xf32>
        %parallel_loop3A_414 = arith.index_cast %parallel_loop3A_181 : i32 to index
        %parallel_loop3A_415 = arith.constant 480 : index
        %parallel_loop3A_416 = tpu.vector_load %arg7[%parallel_loop3A_414, %parallel_loop3A_415] {strides = array<i32>} : memref<40x512xf32, #tpu.memory_space<vmem>>, vector<1x16xf32>,
        %parallel_loop3A_417 = vector.shape_cast %parallel_loop3A_416 : vector<1x16xf32> to vector<16xf32>
        %parallel_loop3A_418 = vector.shape_cast %parallel_loop3A_413 : vector<16xf32> to vector<1x16xf32>
        tpu.vector_store %arg7[%parallel_loop3A_414, %parallel_loop3A_415], %parallel_loop3A_418 {strides = array<i32>} : memref<40x512xf32, #tpu.memory_space<vmem>>, vector<1x16xf32>,
        %parallel_loop3A_419 = arith.mulf %parallel_loop3A_400, %parallel_loop3A_208 : vector<16xf32>
        %parallel_loop3A_420 = arith.index_cast %parallel_loop3A_181 : i32 to index
        %parallel_loop3A_421 = arith.constant 496 : index
        %parallel_loop3A_422 = tpu.vector_load %arg7[%parallel_loop3A_420, %parallel_loop3A_421] {strides = array<i32>} : memref<40x512xf32, #tpu.memory_space<vmem>>, vector<1x16xf32>,
        %parallel_loop3A_423 = vector.shape_cast %parallel_loop3A_422 : vector<1x16xf32> to vector<16xf32>
        %parallel_loop3A_424 = vector.shape_cast %parallel_loop3A_419 : vector<16xf32> to vector<1x16xf32>
        tpu.vector_store %arg7[%parallel_loop3A_420, %parallel_loop3A_421], %parallel_loop3A_424 {strides = array<i32>} : memref<40x512xf32, #tpu.memory_space<vmem>>, vector<1x16xf32>,
      } {sc.loop_unroll_factor = 8 : i64, sc.parallel_access}
      %mul3A_166 = arith.constant 40 : i32
      %mul3A_167 = arith.muli %add3A_156, %mul3A_166 : i32
      %dma_start3A_168 = arith.constant 0 : i32
      %dma_start3A_169 = tpu.memref_slice %arg3[%mul3A_167, %dma_start3A_168] : memref<100000x512xf32, #tpu.memory_space<hbm>> -> memref<40x512xf32, #tpu.memory_space<hbm>>
      %dma_start3A_170 = arith.constant 0 : i32
      %dma_start3A_171 = tpu.memref_slice %arg3[%mul3A_167, %dma_start3A_170] : memref<100000x512xf32, #tpu.memory_space<hbm>> -> memref<40x512xf32, #tpu.memory_space<hbm>>
      tpu.enqueue_dma source(%arg7 : memref<40x512xf32, #tpu.memory_space<vmem>>) target(%dma_start3A_171 : memref<40x512xf32, #tpu.memory_space<hbm>>) target_semaphore(%arg9 : memref<!tpu.dma_semaphore, #tpu.memory_space<semaphore_mem>>)
      %mul3A_172 = arith.constant 2 : i32
      %mul3A_173 = arith.muli %scan3A_107, %mul3A_172 : i32
      %add3A_174 = arith.constant 3 : i32
      %add3A_175 = arith.addi %mul3A_173, %add3A_174 : i32
      %le3A_176 = arith.constant 77 : i32
      %le3A_177 = arith.cmpi sle, %add3A_175, %le3A_176 : i32
      %convert_element_type3A_178 = arith.extui %le3A_177 : i1 to i32
      %cond3A_179 = arith.constant 0 : i32
      %cond3A_180 = arith.cmpi ne, %convert_element_type3A_178, %cond3A_179 : i32
      scf.if %cond3A_180 {
        %mul3A_181 = arith.constant 2 : i32
        %mul3A_182 = arith.muli %scan3A_107, %mul3A_181 : i32
        %add3A_183 = arith.constant 3 : i32
        %add3A_184 = arith.addi %mul3A_182, %add3A_183 : i32
        %mul3A_185 = arith.constant 32 : i32
        %mul3A_186 = arith.muli %add3A_184, %mul3A_185 : i32
        %add3A_187 = arith.addi %mul3A_186, %add3A : i32
        %mul3A_188 = arith.constant 40 : i32
        %mul3A_189 = arith.muli %add3A_187, %mul3A_188 : i32
        %dma_start3A_190 = arith.constant 0 : i32
        %dma_start3A_191 = tpu.memref_slice %arg2[%mul3A_189, %dma_start3A_190] : memref<100000x32xf32, #tpu.memory_space<hbm>> -> memref<40x32xf32, #tpu.memory_space<hbm>>
        %dma_start3A_192 = arith.constant 0 : i32
        %dma_start3A_193 = tpu.memref_slice %arg2[%mul3A_189, %dma_start3A_192] : memref<100000x32xf32, #tpu.memory_space<hbm>> -> memref<40x32xf32, #tpu.memory_space<hbm>>
        tpu.enqueue_dma source(%dma_start3A_193 : memref<40x32xf32, #tpu.memory_space<hbm>>) target(%arg5 : memref<40x32xf32, #tpu.memory_space<vmem>>) target_semaphore(%arg11 : memref<!tpu.dma_semaphore, #tpu.memory_space<semaphore_mem>>)
      } else {
      }
    }
    %scan3A_93 = arith.constant 39 : i32
    %lt3A = arith.constant 4 : i32
    %lt3A_94 = arith.cmpi slt, %add3A, %lt3A : i32
    %convert_element_type3A = arith.extui %lt3A_94 : i1 to i32
    %cond3A = arith.constant 0 : i32
    %cond3A_95 = arith.cmpi ne, %convert_element_type3A, %cond3A : i32
    scf.if %cond3A_95 {
      %dma_wait3A_107 = arith.constant 0 : i32
      %dma_wait3A_108 = arith.constant 0 : i32
      %dma_wait3A_109 = tpu.memref_slice %arg3[%dma_wait3A_107, %dma_wait3A_108] : memref<100000x512xf32, #tpu.memory_space<hbm>> -> memref<40x512xf32, #tpu.memory_space<hbm>>
      %dma_wait3A_110 = arith.constant 0 : i32
      %dma_wait3A_111 = arith.constant 0 : i32
      %dma_wait3A_112 = tpu.memref_slice %arg3[%dma_wait3A_110, %dma_wait3A_111] : memref<100000x512xf32, #tpu.memory_space<hbm>> -> memref<40x512xf32, #tpu.memory_space<hbm>>
      tpu.wait_dma2 semaphore(%arg8 : memref<!tpu.dma_semaphore, #tpu.memory_space<semaphore_mem>>) src(%arg6 : memref<40x512xf32, #tpu.memory_space<vmem>>) dst(%dma_wait3A_112 : memref<40x512xf32, #tpu.memory_space<hbm>>)
      %add3A_113 = arith.constant 2496 : i32
      %add3A_114 = arith.addi %add3A_113, %add3A : i32
      %dma_wait3A_115 = arith.constant 0 : i32
      %dma_wait3A_116 = arith.constant 0 : i32
      %dma_wait3A_117 = tpu.memref_slice %arg2[%dma_wait3A_115, %dma_wait3A_116] : memref<100000x32xf32, #tpu.memory_space<hbm>> -> memref<40x32xf32, #tpu.memory_space<hbm>>
      %dma_wait3A_118 = arith.constant 0 : i32
      %dma_wait3A_119 = arith.constant 0 : i32
      %dma_wait3A_120 = tpu.memref_slice %arg2[%dma_wait3A_118, %dma_wait3A_119] : memref<100000x32xf32, #tpu.memory_space<hbm>> -> memref<40x32xf32, #tpu.memory_space<hbm>>
      tpu.wait_dma2 semaphore(%arg10 : memref<!tpu.dma_semaphore, #tpu.memory_space<semaphore_mem>>) src(%dma_wait3A_120 : memref<40x32xf32, #tpu.memory_space<hbm>>) dst(%arg4 : memref<40x32xf32, #tpu.memory_space<vmem>>)
      %parallel_loop3A = arith.constant 0 : i32
      %parallel_loop3A_121 = arith.constant 40 : i32
      %parallel_loop3A_122 = arith.constant 1 : i32
      scf.for %parallel_loop3A_129 = %parallel_loop3A to %parallel_loop3A_121 step %parallel_loop3A_122  : i32 {
        %parallel_loop3A_130 = arith.index_cast %parallel_loop3A_129 : i32 to index
        %parallel_loop3A_131 = arith.constant 0 : index
        %parallel_loop3A_132 = tpu.vector_load %arg4[%parallel_loop3A_130, %parallel_loop3A_131] {strides = array<i32>} : memref<40x32xf32, #tpu.memory_space<vmem>>, vector<1x16xf32>,
        %parallel_loop3A_133 = vector.shape_cast %parallel_loop3A_132 : vector<1x16xf32> to vector<16xf32>
        %parallel_loop3A_134 = arith.index_cast %parallel_loop3A_129 : i32 to index
        %parallel_loop3A_135 = arith.constant 16 : index
        %parallel_loop3A_136 = tpu.vector_load %arg4[%parallel_loop3A_134, %parallel_loop3A_135] {strides = array<i32>} : memref<40x32xf32, #tpu.memory_space<vmem>>, vector<1x16xf32>,
        %parallel_loop3A_137 = vector.shape_cast %parallel_loop3A_136 : vector<1x16xf32> to vector<16xf32>
        %parallel_loop3A_138 = vector.shape_cast %and3A_2 : vector<16xi32> to vector<16x1xi32>
        %parallel_loop3A_139 = vector.shape_cast %parallel_loop3A_138 : vector<16x1xi32> to vector<16xi32>
        %parallel_loop3A_140 = tpu.dynamic_gather %parallel_loop3A_137[%parallel_loop3A_139] in [0] : vector<16xf32>, vector<16xi32> -> vector<16xf32>
        %parallel_loop3A_141 = vector.shape_cast %add3A_7 : vector<16xi32> to vector<16x1xi32>
        %parallel_loop3A_142 = vector.shape_cast %parallel_loop3A_141 : vector<16x1xi32> to vector<16xi32>
        %parallel_loop3A_143 = tpu.dynamic_gather %parallel_loop3A_133[%parallel_loop3A_142] in [0] : vector<16xf32>, vector<16xi32> -> vector<16xf32>
        %parallel_loop3A_144 = arith.mulf %parallel_loop3A_143, %parallel_loop3A_140 : vector<16xf32>
        %parallel_loop3A_145 = vector.shape_cast %add3A_13 : vector<16xi32> to vector<16x1xi32>
        %parallel_loop3A_146 = vector.shape_cast %parallel_loop3A_145 : vector<16x1xi32> to vector<16xi32>
        %parallel_loop3A_147 = tpu.dynamic_gather %parallel_loop3A_133[%parallel_loop3A_146] in [0] : vector<16xf32>, vector<16xi32> -> vector<16xf32>
        %parallel_loop3A_148 = arith.mulf %parallel_loop3A_147, %parallel_loop3A_140 : vector<16xf32>
        %parallel_loop3A_149 = vector.shape_cast %add3A_19 : vector<16xi32> to vector<16x1xi32>
        %parallel_loop3A_150 = vector.shape_cast %parallel_loop3A_149 : vector<16x1xi32> to vector<16xi32>
        %parallel_loop3A_151 = tpu.dynamic_gather %parallel_loop3A_133[%parallel_loop3A_150] in [0] : vector<16xf32>, vector<16xi32> -> vector<16xf32>
        %parallel_loop3A_152 = arith.mulf %parallel_loop3A_151, %parallel_loop3A_140 : vector<16xf32>
        %parallel_loop3A_153 = vector.shape_cast %add3A_25 : vector<16xi32> to vector<16x1xi32>
        %parallel_loop3A_154 = vector.shape_cast %parallel_loop3A_153 : vector<16x1xi32> to vector<16xi32>
        %parallel_loop3A_155 = tpu.dynamic_gather %parallel_loop3A_133[%parallel_loop3A_154] in [0] : vector<16xf32>, vector<16xi32> -> vector<16xf32>
        %parallel_loop3A_156 = arith.mulf %parallel_loop3A_155, %parallel_loop3A_140 : vector<16xf32>
        %parallel_loop3A_157 = vector.shape_cast %add3A_31 : vector<16xi32> to vector<16x1xi32>
        %parallel_loop3A_158 = vector.shape_cast %parallel_loop3A_157 : vector<16x1xi32> to vector<16xi32>
        %parallel_loop3A_159 = tpu.dynamic_gather %parallel_loop3A_133[%parallel_loop3A_158] in [0] : vector<16xf32>, vector<16xi32> -> vector<16xf32>
        %parallel_loop3A_160 = arith.mulf %parallel_loop3A_159, %parallel_loop3A_144 : vector<16xf32>
        %parallel_loop3A_161 = arith.index_cast %parallel_loop3A_129 : i32 to index
        %parallel_loop3A_162 = arith.constant 0 : index
        %parallel_loop3A_163 = tpu.vector_load %arg6[%parallel_loop3A_161, %parallel_loop3A_162] {strides = array<i32>} : memref<40x512xf32, #tpu.memory_space<vmem>>, vector<1x16xf32>,
        %parallel_loop3A_164 = vector.shape_cast %parallel_loop3A_163 : vector<1x16xf32> to vector<16xf32>
        %parallel_loop3A_165 = vector.shape_cast %parallel_loop3A_160 : vector<16xf32> to vector<1x16xf32>
        tpu.vector_store %arg6[%parallel_loop3A_161, %parallel_loop3A_162], %parallel_loop3A_165 {strides = array<i32>} : memref<40x512xf32, #tpu.memory_space<vmem>>, vector<1x16xf32>,
        %parallel_loop3A_166 = arith.mulf %parallel_loop3A_159, %parallel_loop3A_148 : vector<16xf32>
        %parallel_loop3A_167 = arith.index_cast %parallel_loop3A_129 : i32 to index
        %parallel_loop3A_168 = arith.constant 16 : index
        %parallel_loop3A_169 = tpu.vector_load %arg6[%parallel_loop3A_167, %parallel_loop3A_168] {strides = array<i32>} : memref<40x512xf32, #tpu.memory_space<vmem>>, vector<1x16xf32>,
        %parallel_loop3A_170 = vector.shape_cast %parallel_loop3A_169 : vector<1x16xf32> to vector<16xf32>
        %parallel_loop3A_171 = vector.shape_cast %parallel_loop3A_166 : vector<16xf32> to vector<1x16xf32>
        tpu.vector_store %arg6[%parallel_loop3A_167, %parallel_loop3A_168], %parallel_loop3A_171 {strides = array<i32>} : memref<40x512xf32, #tpu.memory_space<vmem>>, vector<1x16xf32>,
        %parallel_loop3A_172 = arith.mulf %parallel_loop3A_159, %parallel_loop3A_152 : vector<16xf32>
        %parallel_loop3A_173 = arith.index_cast %parallel_loop3A_129 : i32 to index
        %parallel_loop3A_174 = arith.constant 32 : index
        %parallel_loop3A_175 = tpu.vector_load %arg6[%parallel_loop3A_173, %parallel_loop3A_174] {strides = array<i32>} : memref<40x512xf32, #tpu.memory_space<vmem>>, vector<1x16xf32>,
        %parallel_loop3A_176 = vector.shape_cast %parallel_loop3A_175 : vector<1x16xf32> to vector<16xf32>
        %parallel_loop3A_177 = vector.shape_cast %parallel_loop3A_172 : vector<16xf32> to vector<1x16xf32>
        tpu.vector_store %arg6[%parallel_loop3A_173, %parallel_loop3A_174], %parallel_loop3A_177 {strides = array<i32>} : memref<40x512xf32, #tpu.memory_space<vmem>>, vector<1x16xf32>,
        %parallel_loop3A_178 = arith.mulf %parallel_loop3A_159, %parallel_loop3A_156 : vector<16xf32>
        %parallel_loop3A_179 = arith.index_cast %parallel_loop3A_129 : i32 to index
        %parallel_loop3A_180 = arith.constant 48 : index
        %parallel_loop3A_181 = tpu.vector_load %arg6[%parallel_loop3A_179, %parallel_loop3A_180] {strides = array<i32>} : memref<40x512xf32, #tpu.memory_space<vmem>>, vector<1x16xf32>,
        %parallel_loop3A_182 = vector.shape_cast %parallel_loop3A_181 : vector<1x16xf32> to vector<16xf32>
        %parallel_loop3A_183 = vector.shape_cast %parallel_loop3A_178 : vector<16xf32> to vector<1x16xf32>
        tpu.vector_store %arg6[%parallel_loop3A_179, %parallel_loop3A_180], %parallel_loop3A_183 {strides = array<i32>} : memref<40x512xf32, #tpu.memory_space<vmem>>, vector<1x16xf32>,
        %parallel_loop3A_184 = vector.shape_cast %add3A_37 : vector<16xi32> to vector<16x1xi32>
        %parallel_loop3A_185 = vector.shape_cast %parallel_loop3A_184 : vector<16x1xi32> to vector<16xi32>
        %parallel_loop3A_186 = tpu.dynamic_gather %parallel_loop3A_133[%parallel_loop3A_185] in [0] : vector<16xf32>, vector<16xi32> -> vector<16xf32>
        %parallel_loop3A_187 = arith.mulf %parallel_loop3A_186, %parallel_loop3A_144 : vector<16xf32>
        %parallel_loop3A_188 = arith.index_cast %parallel_loop3A_129 : i32 to index
        %parallel_loop3A_189 = arith.constant 64 : index
        %parallel_loop3A_190 = tpu.vector_load %arg6[%parallel_loop3A_188, %parallel_loop3A_189] {strides = array<i32>} : memref<40x512xf32, #tpu.memory_space<vmem>>, vector<1x16xf32>,
        %parallel_loop3A_191 = vector.shape_cast %parallel_loop3A_190 : vector<1x16xf32> to vector<16xf32>
        %parallel_loop3A_192 = vector.shape_cast %parallel_loop3A_187 : vector<16xf32> to vector<1x16xf32>
        tpu.vector_store %arg6[%parallel_loop3A_188, %parallel_loop3A_189], %parallel_loop3A_192 {strides = array<i32>} : memref<40x512xf32, #tpu.memory_space<vmem>>, vector<1x16xf32>,
        %parallel_loop3A_193 = arith.mulf %parallel_loop3A_186, %parallel_loop3A_148 : vector<16xf32>
        %parallel_loop3A_194 = arith.index_cast %parallel_loop3A_129 : i32 to index
        %parallel_loop3A_195 = arith.constant 80 : index
        %parallel_loop3A_196 = tpu.vector_load %arg6[%parallel_loop3A_194, %parallel_loop3A_195] {strides = array<i32>} : memref<40x512xf32, #tpu.memory_space<vmem>>, vector<1x16xf32>,
        %parallel_loop3A_197 = vector.shape_cast %parallel_loop3A_196 : vector<1x16xf32> to vector<16xf32>
        %parallel_loop3A_198 = vector.shape_cast %parallel_loop3A_193 : vector<16xf32> to vector<1x16xf32>
        tpu.vector_store %arg6[%parallel_loop3A_194, %parallel_loop3A_195], %parallel_loop3A_198 {strides = array<i32>} : memref<40x512xf32, #tpu.memory_space<vmem>>, vector<1x16xf32>,
        %parallel_loop3A_199 = arith.mulf %parallel_loop3A_186, %parallel_loop3A_152 : vector<16xf32>
        %parallel_loop3A_200 = arith.index_cast %parallel_loop3A_129 : i32 to index
        %parallel_loop3A_201 = arith.constant 96 : index
        %parallel_loop3A_202 = tpu.vector_load %arg6[%parallel_loop3A_200, %parallel_loop3A_201] {strides = array<i32>} : memref<40x512xf32, #tpu.memory_space<vmem>>, vector<1x16xf32>,
        %parallel_loop3A_203 = vector.shape_cast %parallel_loop3A_202 : vector<1x16xf32> to vector<16xf32>
        %parallel_loop3A_204 = vector.shape_cast %parallel_loop3A_199 : vector<16xf32> to vector<1x16xf32>
        tpu.vector_store %arg6[%parallel_loop3A_200, %parallel_loop3A_201], %parallel_loop3A_204 {strides = array<i32>} : memref<40x512xf32, #tpu.memory_space<vmem>>, vector<1x16xf32>,
        %parallel_loop3A_205 = arith.mulf %parallel_loop3A_186, %parallel_loop3A_156 : vector<16xf32>
        %parallel_loop3A_206 = arith.index_cast %parallel_loop3A_129 : i32 to index
        %parallel_loop3A_207 = arith.constant 112 : index
        %parallel_loop3A_208 = tpu.vector_load %arg6[%parallel_loop3A_206, %parallel_loop3A_207] {strides = array<i32>} : memref<40x512xf32, #tpu.memory_space<vmem>>, vector<1x16xf32>,
        %parallel_loop3A_209 = vector.shape_cast %parallel_loop3A_208 : vector<1x16xf32> to vector<16xf32>
        %parallel_loop3A_210 = vector.shape_cast %parallel_loop3A_205 : vector<16xf32> to vector<1x16xf32>
        tpu.vector_store %arg6[%parallel_loop3A_206, %parallel_loop3A_207], %parallel_loop3A_210 {strides = array<i32>} : memref<40x512xf32, #tpu.memory_space<vmem>>, vector<1x16xf32>,
        %parallel_loop3A_211 = vector.shape_cast %add3A_43 : vector<16xi32> to vector<16x1xi32>
        %parallel_loop3A_212 = vector.shape_cast %parallel_loop3A_211 : vector<16x1xi32> to vector<16xi32>
        %parallel_loop3A_213 = tpu.dynamic_gather %parallel_loop3A_133[%parallel_loop3A_212] in [0] : vector<16xf32>, vector<16xi32> -> vector<16xf32>
        %parallel_loop3A_214 = arith.mulf %parallel_loop3A_213, %parallel_loop3A_144 : vector<16xf32>
        %parallel_loop3A_215 = arith.index_cast %parallel_loop3A_129 : i32 to index
        %parallel_loop3A_216 = arith.constant 128 : index
        %parallel_loop3A_217 = tpu.vector_load %arg6[%parallel_loop3A_215, %parallel_loop3A_216] {strides = array<i32>} : memref<40x512xf32, #tpu.memory_space<vmem>>, vector<1x16xf32>,
        %parallel_loop3A_218 = vector.shape_cast %parallel_loop3A_217 : vector<1x16xf32> to vector<16xf32>
        %parallel_loop3A_219 = vector.shape_cast %parallel_loop3A_214 : vector<16xf32> to vector<1x16xf32>
        tpu.vector_store %arg6[%parallel_loop3A_215, %parallel_loop3A_216], %parallel_loop3A_219 {strides = array<i32>} : memref<40x512xf32, #tpu.memory_space<vmem>>, vector<1x16xf32>,
        %parallel_loop3A_220 = arith.mulf %parallel_loop3A_213, %parallel_loop3A_148 : vector<16xf32>
        %parallel_loop3A_221 = arith.index_cast %parallel_loop3A_129 : i32 to index
        %parallel_loop3A_222 = arith.constant 144 : index
        %parallel_loop3A_223 = tpu.vector_load %arg6[%parallel_loop3A_221, %parallel_loop3A_222] {strides = array<i32>} : memref<40x512xf32, #tpu.memory_space<vmem>>, vector<1x16xf32>,
        %parallel_loop3A_224 = vector.shape_cast %parallel_loop3A_223 : vector<1x16xf32> to vector<16xf32>
        %parallel_loop3A_225 = vector.shape_cast %parallel_loop3A_220 : vector<16xf32> to vector<1x16xf32>
        tpu.vector_store %arg6[%parallel_loop3A_221, %parallel_loop3A_222], %parallel_loop3A_225 {strides = array<i32>} : memref<40x512xf32, #tpu.memory_space<vmem>>, vector<1x16xf32>,
        %parallel_loop3A_226 = arith.mulf %parallel_loop3A_213, %parallel_loop3A_152 : vector<16xf32>
        %parallel_loop3A_227 = arith.index_cast %parallel_loop3A_129 : i32 to index
        %parallel_loop3A_228 = arith.constant 160 : index
        %parallel_loop3A_229 = tpu.vector_load %arg6[%parallel_loop3A_227, %parallel_loop3A_228] {strides = array<i32>} : memref<40x512xf32, #tpu.memory_space<vmem>>, vector<1x16xf32>,
        %parallel_loop3A_230 = vector.shape_cast %parallel_loop3A_229 : vector<1x16xf32> to vector<16xf32>
        %parallel_loop3A_231 = vector.shape_cast %parallel_loop3A_226 : vector<16xf32> to vector<1x16xf32>
        tpu.vector_store %arg6[%parallel_loop3A_227, %parallel_loop3A_228], %parallel_loop3A_231 {strides = array<i32>} : memref<40x512xf32, #tpu.memory_space<vmem>>, vector<1x16xf32>,
        %parallel_loop3A_232 = arith.mulf %parallel_loop3A_213, %parallel_loop3A_156 : vector<16xf32>
        %parallel_loop3A_233 = arith.index_cast %parallel_loop3A_129 : i32 to index
        %parallel_loop3A_234 = arith.constant 176 : index
        %parallel_loop3A_235 = tpu.vector_load %arg6[%parallel_loop3A_233, %parallel_loop3A_234] {strides = array<i32>} : memref<40x512xf32, #tpu.memory_space<vmem>>, vector<1x16xf32>,
        %parallel_loop3A_236 = vector.shape_cast %parallel_loop3A_235 : vector<1x16xf32> to vector<16xf32>
        %parallel_loop3A_237 = vector.shape_cast %parallel_loop3A_232 : vector<16xf32> to vector<1x16xf32>
        tpu.vector_store %arg6[%parallel_loop3A_233, %parallel_loop3A_234], %parallel_loop3A_237 {strides = array<i32>} : memref<40x512xf32, #tpu.memory_space<vmem>>, vector<1x16xf32>,
        %parallel_loop3A_238 = vector.shape_cast %add3A_49 : vector<16xi32> to vector<16x1xi32>
        %parallel_loop3A_239 = vector.shape_cast %parallel_loop3A_238 : vector<16x1xi32> to vector<16xi32>
        %parallel_loop3A_240 = tpu.dynamic_gather %parallel_loop3A_133[%parallel_loop3A_239] in [0] : vector<16xf32>, vector<16xi32> -> vector<16xf32>
        %parallel_loop3A_241 = arith.mulf %parallel_loop3A_240, %parallel_loop3A_144 : vector<16xf32>
        %parallel_loop3A_242 = arith.index_cast %parallel_loop3A_129 : i32 to index
        %parallel_loop3A_243 = arith.constant 192 : index
        %parallel_loop3A_244 = tpu.vector_load %arg6[%parallel_loop3A_242, %parallel_loop3A_243] {strides = array<i32>} : memref<40x512xf32, #tpu.memory_space<vmem>>, vector<1x16xf32>,
        %parallel_loop3A_245 = vector.shape_cast %parallel_loop3A_244 : vector<1x16xf32> to vector<16xf32>
        %parallel_loop3A_246 = vector.shape_cast %parallel_loop3A_241 : vector<16xf32> to vector<1x16xf32>
        tpu.vector_store %arg6[%parallel_loop3A_242, %parallel_loop3A_243], %parallel_loop3A_246 {strides = array<i32>} : memref<40x512xf32, #tpu.memory_space<vmem>>, vector<1x16xf32>,
        %parallel_loop3A_247 = arith.mulf %parallel_loop3A_240, %parallel_loop3A_148 : vector<16xf32>
        %parallel_loop3A_248 = arith.index_cast %parallel_loop3A_129 : i32 to index
        %parallel_loop3A_249 = arith.constant 208 : index
        %parallel_loop3A_250 = tpu.vector_load %arg6[%parallel_loop3A_248, %parallel_loop3A_249] {strides = array<i32>} : memref<40x512xf32, #tpu.memory_space<vmem>>, vector<1x16xf32>,
        %parallel_loop3A_251 = vector.shape_cast %parallel_loop3A_250 : vector<1x16xf32> to vector<16xf32>
        %parallel_loop3A_252 = vector.shape_cast %parallel_loop3A_247 : vector<16xf32> to vector<1x16xf32>
        tpu.vector_store %arg6[%parallel_loop3A_248, %parallel_loop3A_249], %parallel_loop3A_252 {strides = array<i32>} : memref<40x512xf32, #tpu.memory_space<vmem>>, vector<1x16xf32>,
        %parallel_loop3A_253 = arith.mulf %parallel_loop3A_240, %parallel_loop3A_152 : vector<16xf32>
        %parallel_loop3A_254 = arith.index_cast %parallel_loop3A_129 : i32 to index
        %parallel_loop3A_255 = arith.constant 224 : index
        %parallel_loop3A_256 = tpu.vector_load %arg6[%parallel_loop3A_254, %parallel_loop3A_255] {strides = array<i32>} : memref<40x512xf32, #tpu.memory_space<vmem>>, vector<1x16xf32>,
        %parallel_loop3A_257 = vector.shape_cast %parallel_loop3A_256 : vector<1x16xf32> to vector<16xf32>
        %parallel_loop3A_258 = vector.shape_cast %parallel_loop3A_253 : vector<16xf32> to vector<1x16xf32>
        tpu.vector_store %arg6[%parallel_loop3A_254, %parallel_loop3A_255], %parallel_loop3A_258 {strides = array<i32>} : memref<40x512xf32, #tpu.memory_space<vmem>>, vector<1x16xf32>,
        %parallel_loop3A_259 = arith.mulf %parallel_loop3A_240, %parallel_loop3A_156 : vector<16xf32>
        %parallel_loop3A_260 = arith.index_cast %parallel_loop3A_129 : i32 to index
        %parallel_loop3A_261 = arith.constant 240 : index
        %parallel_loop3A_262 = tpu.vector_load %arg6[%parallel_loop3A_260, %parallel_loop3A_261] {strides = array<i32>} : memref<40x512xf32, #tpu.memory_space<vmem>>, vector<1x16xf32>,
        %parallel_loop3A_263 = vector.shape_cast %parallel_loop3A_262 : vector<1x16xf32> to vector<16xf32>
        %parallel_loop3A_264 = vector.shape_cast %parallel_loop3A_259 : vector<16xf32> to vector<1x16xf32>
        tpu.vector_store %arg6[%parallel_loop3A_260, %parallel_loop3A_261], %parallel_loop3A_264 {strides = array<i32>} : memref<40x512xf32, #tpu.memory_space<vmem>>, vector<1x16xf32>,
        %parallel_loop3A_265 = vector.shape_cast %add3A_55 : vector<16xi32> to vector<16x1xi32>
        %parallel_loop3A_266 = vector.shape_cast %parallel_loop3A_265 : vector<16x1xi32> to vector<16xi32>
        %parallel_loop3A_267 = tpu.dynamic_gather %parallel_loop3A_133[%parallel_loop3A_266] in [0] : vector<16xf32>, vector<16xi32> -> vector<16xf32>
        %parallel_loop3A_268 = arith.mulf %parallel_loop3A_267, %parallel_loop3A_144 : vector<16xf32>
        %parallel_loop3A_269 = arith.index_cast %parallel_loop3A_129 : i32 to index
        %parallel_loop3A_270 = arith.constant 256 : index
        %parallel_loop3A_271 = tpu.vector_load %arg6[%parallel_loop3A_269, %parallel_loop3A_270] {strides = array<i32>} : memref<40x512xf32, #tpu.memory_space<vmem>>, vector<1x16xf32>,
        %parallel_loop3A_272 = vector.shape_cast %parallel_loop3A_271 : vector<1x16xf32> to vector<16xf32>
        %parallel_loop3A_273 = vector.shape_cast %parallel_loop3A_268 : vector<16xf32> to vector<1x16xf32>
        tpu.vector_store %arg6[%parallel_loop3A_269, %parallel_loop3A_270], %parallel_loop3A_273 {strides = array<i32>} : memref<40x512xf32, #tpu.memory_space<vmem>>, vector<1x16xf32>,
        %parallel_loop3A_274 = arith.mulf %parallel_loop3A_267, %parallel_loop3A_148 : vector<16xf32>
        %parallel_loop3A_275 = arith.index_cast %parallel_loop3A_129 : i32 to index
        %parallel_loop3A_276 = arith.constant 272 : index
        %parallel_loop3A_277 = tpu.vector_load %arg6[%parallel_loop3A_275, %parallel_loop3A_276] {strides = array<i32>} : memref<40x512xf32, #tpu.memory_space<vmem>>, vector<1x16xf32>,
        %parallel_loop3A_278 = vector.shape_cast %parallel_loop3A_277 : vector<1x16xf32> to vector<16xf32>
        %parallel_loop3A_279 = vector.shape_cast %parallel_loop3A_274 : vector<16xf32> to vector<1x16xf32>
        tpu.vector_store %arg6[%parallel_loop3A_275, %parallel_loop3A_276], %parallel_loop3A_279 {strides = array<i32>} : memref<40x512xf32, #tpu.memory_space<vmem>>, vector<1x16xf32>,
        %parallel_loop3A_280 = arith.mulf %parallel_loop3A_267, %parallel_loop3A_152 : vector<16xf32>
        %parallel_loop3A_281 = arith.index_cast %parallel_loop3A_129 : i32 to index
        %parallel_loop3A_282 = arith.constant 288 : index
        %parallel_loop3A_283 = tpu.vector_load %arg6[%parallel_loop3A_281, %parallel_loop3A_282] {strides = array<i32>} : memref<40x512xf32, #tpu.memory_space<vmem>>, vector<1x16xf32>,
        %parallel_loop3A_284 = vector.shape_cast %parallel_loop3A_283 : vector<1x16xf32> to vector<16xf32>
        %parallel_loop3A_285 = vector.shape_cast %parallel_loop3A_280 : vector<16xf32> to vector<1x16xf32>
        tpu.vector_store %arg6[%parallel_loop3A_281, %parallel_loop3A_282], %parallel_loop3A_285 {strides = array<i32>} : memref<40x512xf32, #tpu.memory_space<vmem>>, vector<1x16xf32>,
        %parallel_loop3A_286 = arith.mulf %parallel_loop3A_267, %parallel_loop3A_156 : vector<16xf32>
        %parallel_loop3A_287 = arith.index_cast %parallel_loop3A_129 : i32 to index
        %parallel_loop3A_288 = arith.constant 304 : index
        %parallel_loop3A_289 = tpu.vector_load %arg6[%parallel_loop3A_287, %parallel_loop3A_288] {strides = array<i32>} : memref<40x512xf32, #tpu.memory_space<vmem>>, vector<1x16xf32>,
        %parallel_loop3A_290 = vector.shape_cast %parallel_loop3A_289 : vector<1x16xf32> to vector<16xf32>
        %parallel_loop3A_291 = vector.shape_cast %parallel_loop3A_286 : vector<16xf32> to vector<1x16xf32>
        tpu.vector_store %arg6[%parallel_loop3A_287, %parallel_loop3A_288], %parallel_loop3A_291 {strides = array<i32>} : memref<40x512xf32, #tpu.memory_space<vmem>>, vector<1x16xf32>,
        %parallel_loop3A_292 = vector.shape_cast %add3A_61 : vector<16xi32> to vector<16x1xi32>
        %parallel_loop3A_293 = vector.shape_cast %parallel_loop3A_292 : vector<16x1xi32> to vector<16xi32>
        %parallel_loop3A_294 = tpu.dynamic_gather %parallel_loop3A_133[%parallel_loop3A_293] in [0] : vector<16xf32>, vector<16xi32> -> vector<16xf32>
        %parallel_loop3A_295 = arith.mulf %parallel_loop3A_294, %parallel_loop3A_144 : vector<16xf32>
        %parallel_loop3A_296 = arith.index_cast %parallel_loop3A_129 : i32 to index
        %parallel_loop3A_297 = arith.constant 320 : index
        %parallel_loop3A_298 = tpu.vector_load %arg6[%parallel_loop3A_296, %parallel_loop3A_297] {strides = array<i32>} : memref<40x512xf32, #tpu.memory_space<vmem>>, vector<1x16xf32>,
        %parallel_loop3A_299 = vector.shape_cast %parallel_loop3A_298 : vector<1x16xf32> to vector<16xf32>
        %parallel_loop3A_300 = vector.shape_cast %parallel_loop3A_295 : vector<16xf32> to vector<1x16xf32>
        tpu.vector_store %arg6[%parallel_loop3A_296, %parallel_loop3A_297], %parallel_loop3A_300 {strides = array<i32>} : memref<40x512xf32, #tpu.memory_space<vmem>>, vector<1x16xf32>,
        %parallel_loop3A_301 = arith.mulf %parallel_loop3A_294, %parallel_loop3A_148 : vector<16xf32>
        %parallel_loop3A_302 = arith.index_cast %parallel_loop3A_129 : i32 to index
        %parallel_loop3A_303 = arith.constant 336 : index
        %parallel_loop3A_304 = tpu.vector_load %arg6[%parallel_loop3A_302, %parallel_loop3A_303] {strides = array<i32>} : memref<40x512xf32, #tpu.memory_space<vmem>>, vector<1x16xf32>,
        %parallel_loop3A_305 = vector.shape_cast %parallel_loop3A_304 : vector<1x16xf32> to vector<16xf32>
        %parallel_loop3A_306 = vector.shape_cast %parallel_loop3A_301 : vector<16xf32> to vector<1x16xf32>
        tpu.vector_store %arg6[%parallel_loop3A_302, %parallel_loop3A_303], %parallel_loop3A_306 {strides = array<i32>} : memref<40x512xf32, #tpu.memory_space<vmem>>, vector<1x16xf32>,
        %parallel_loop3A_307 = arith.mulf %parallel_loop3A_294, %parallel_loop3A_152 : vector<16xf32>
        %parallel_loop3A_308 = arith.index_cast %parallel_loop3A_129 : i32 to index
        %parallel_loop3A_309 = arith.constant 352 : index
        %parallel_loop3A_310 = tpu.vector_load %arg6[%parallel_loop3A_308, %parallel_loop3A_309] {strides = array<i32>} : memref<40x512xf32, #tpu.memory_space<vmem>>, vector<1x16xf32>,
        %parallel_loop3A_311 = vector.shape_cast %parallel_loop3A_310 : vector<1x16xf32> to vector<16xf32>
        %parallel_loop3A_312 = vector.shape_cast %parallel_loop3A_307 : vector<16xf32> to vector<1x16xf32>
        tpu.vector_store %arg6[%parallel_loop3A_308, %parallel_loop3A_309], %parallel_loop3A_312 {strides = array<i32>} : memref<40x512xf32, #tpu.memory_space<vmem>>, vector<1x16xf32>,
        %parallel_loop3A_313 = arith.mulf %parallel_loop3A_294, %parallel_loop3A_156 : vector<16xf32>
        %parallel_loop3A_314 = arith.index_cast %parallel_loop3A_129 : i32 to index
        %parallel_loop3A_315 = arith.constant 368 : index
        %parallel_loop3A_316 = tpu.vector_load %arg6[%parallel_loop3A_314, %parallel_loop3A_315] {strides = array<i32>} : memref<40x512xf32, #tpu.memory_space<vmem>>, vector<1x16xf32>,
        %parallel_loop3A_317 = vector.shape_cast %parallel_loop3A_316 : vector<1x16xf32> to vector<16xf32>
        %parallel_loop3A_318 = vector.shape_cast %parallel_loop3A_313 : vector<16xf32> to vector<1x16xf32>
        tpu.vector_store %arg6[%parallel_loop3A_314, %parallel_loop3A_315], %parallel_loop3A_318 {strides = array<i32>} : memref<40x512xf32, #tpu.memory_space<vmem>>, vector<1x16xf32>,
        %parallel_loop3A_319 = vector.shape_cast %add3A_67 : vector<16xi32> to vector<16x1xi32>
        %parallel_loop3A_320 = vector.shape_cast %parallel_loop3A_319 : vector<16x1xi32> to vector<16xi32>
        %parallel_loop3A_321 = tpu.dynamic_gather %parallel_loop3A_133[%parallel_loop3A_320] in [0] : vector<16xf32>, vector<16xi32> -> vector<16xf32>
        %parallel_loop3A_322 = arith.mulf %parallel_loop3A_321, %parallel_loop3A_144 : vector<16xf32>
        %parallel_loop3A_323 = arith.index_cast %parallel_loop3A_129 : i32 to index
        %parallel_loop3A_324 = arith.constant 384 : index
        %parallel_loop3A_325 = tpu.vector_load %arg6[%parallel_loop3A_323, %parallel_loop3A_324] {strides = array<i32>} : memref<40x512xf32, #tpu.memory_space<vmem>>, vector<1x16xf32>,
        %parallel_loop3A_326 = vector.shape_cast %parallel_loop3A_325 : vector<1x16xf32> to vector<16xf32>
        %parallel_loop3A_327 = vector.shape_cast %parallel_loop3A_322 : vector<16xf32> to vector<1x16xf32>
        tpu.vector_store %arg6[%parallel_loop3A_323, %parallel_loop3A_324], %parallel_loop3A_327 {strides = array<i32>} : memref<40x512xf32, #tpu.memory_space<vmem>>, vector<1x16xf32>,
        %parallel_loop3A_328 = arith.mulf %parallel_loop3A_321, %parallel_loop3A_148 : vector<16xf32>
        %parallel_loop3A_329 = arith.index_cast %parallel_loop3A_129 : i32 to index
        %parallel_loop3A_330 = arith.constant 400 : index
        %parallel_loop3A_331 = tpu.vector_load %arg6[%parallel_loop3A_329, %parallel_loop3A_330] {strides = array<i32>} : memref<40x512xf32, #tpu.memory_space<vmem>>, vector<1x16xf32>,
        %parallel_loop3A_332 = vector.shape_cast %parallel_loop3A_331 : vector<1x16xf32> to vector<16xf32>
        %parallel_loop3A_333 = vector.shape_cast %parallel_loop3A_328 : vector<16xf32> to vector<1x16xf32>
        tpu.vector_store %arg6[%parallel_loop3A_329, %parallel_loop3A_330], %parallel_loop3A_333 {strides = array<i32>} : memref<40x512xf32, #tpu.memory_space<vmem>>, vector<1x16xf32>,
        %parallel_loop3A_334 = arith.mulf %parallel_loop3A_321, %parallel_loop3A_152 : vector<16xf32>
        %parallel_loop3A_335 = arith.index_cast %parallel_loop3A_129 : i32 to index
        %parallel_loop3A_336 = arith.constant 416 : index
        %parallel_loop3A_337 = tpu.vector_load %arg6[%parallel_loop3A_335, %parallel_loop3A_336] {strides = array<i32>} : memref<40x512xf32, #tpu.memory_space<vmem>>, vector<1x16xf32>,
        %parallel_loop3A_338 = vector.shape_cast %parallel_loop3A_337 : vector<1x16xf32> to vector<16xf32>
        %parallel_loop3A_339 = vector.shape_cast %parallel_loop3A_334 : vector<16xf32> to vector<1x16xf32>
        tpu.vector_store %arg6[%parallel_loop3A_335, %parallel_loop3A_336], %parallel_loop3A_339 {strides = array<i32>} : memref<40x512xf32, #tpu.memory_space<vmem>>, vector<1x16xf32>,
        %parallel_loop3A_340 = arith.mulf %parallel_loop3A_321, %parallel_loop3A_156 : vector<16xf32>
        %parallel_loop3A_341 = arith.index_cast %parallel_loop3A_129 : i32 to index
        %parallel_loop3A_342 = arith.constant 432 : index
        %parallel_loop3A_343 = tpu.vector_load %arg6[%parallel_loop3A_341, %parallel_loop3A_342] {strides = array<i32>} : memref<40x512xf32, #tpu.memory_space<vmem>>, vector<1x16xf32>,
        %parallel_loop3A_344 = vector.shape_cast %parallel_loop3A_343 : vector<1x16xf32> to vector<16xf32>
        %parallel_loop3A_345 = vector.shape_cast %parallel_loop3A_340 : vector<16xf32> to vector<1x16xf32>
        tpu.vector_store %arg6[%parallel_loop3A_341, %parallel_loop3A_342], %parallel_loop3A_345 {strides = array<i32>} : memref<40x512xf32, #tpu.memory_space<vmem>>, vector<1x16xf32>,
        %parallel_loop3A_346 = vector.shape_cast %add3A_73 : vector<16xi32> to vector<16x1xi32>
        %parallel_loop3A_347 = vector.shape_cast %parallel_loop3A_346 : vector<16x1xi32> to vector<16xi32>
        %parallel_loop3A_348 = tpu.dynamic_gather %parallel_loop3A_133[%parallel_loop3A_347] in [0] : vector<16xf32>, vector<16xi32> -> vector<16xf32>
        %parallel_loop3A_349 = arith.mulf %parallel_loop3A_348, %parallel_loop3A_144 : vector<16xf32>
        %parallel_loop3A_350 = arith.index_cast %parallel_loop3A_129 : i32 to index
        %parallel_loop3A_351 = arith.constant 448 : index
        %parallel_loop3A_352 = tpu.vector_load %arg6[%parallel_loop3A_350, %parallel_loop3A_351] {strides = array<i32>} : memref<40x512xf32, #tpu.memory_space<vmem>>, vector<1x16xf32>,
        %parallel_loop3A_353 = vector.shape_cast %parallel_loop3A_352 : vector<1x16xf32> to vector<16xf32>
        %parallel_loop3A_354 = vector.shape_cast %parallel_loop3A_349 : vector<16xf32> to vector<1x16xf32>
        tpu.vector_store %arg6[%parallel_loop3A_350, %parallel_loop3A_351], %parallel_loop3A_354 {strides = array<i32>} : memref<40x512xf32, #tpu.memory_space<vmem>>, vector<1x16xf32>,
        %parallel_loop3A_355 = arith.mulf %parallel_loop3A_348, %parallel_loop3A_148 : vector<16xf32>
        %parallel_loop3A_356 = arith.index_cast %parallel_loop3A_129 : i32 to index
        %parallel_loop3A_357 = arith.constant 464 : index
        %parallel_loop3A_358 = tpu.vector_load %arg6[%parallel_loop3A_356, %parallel_loop3A_357] {strides = array<i32>} : memref<40x512xf32, #tpu.memory_space<vmem>>, vector<1x16xf32>,
        %parallel_loop3A_359 = vector.shape_cast %parallel_loop3A_358 : vector<1x16xf32> to vector<16xf32>
        %parallel_loop3A_360 = vector.shape_cast %parallel_loop3A_355 : vector<16xf32> to vector<1x16xf32>
        tpu.vector_store %arg6[%parallel_loop3A_356, %parallel_loop3A_357], %parallel_loop3A_360 {strides = array<i32>} : memref<40x512xf32, #tpu.memory_space<vmem>>, vector<1x16xf32>,
        %parallel_loop3A_361 = arith.mulf %parallel_loop3A_348, %parallel_loop3A_152 : vector<16xf32>
        %parallel_loop3A_362 = arith.index_cast %parallel_loop3A_129 : i32 to index
        %parallel_loop3A_363 = arith.constant 480 : index
        %parallel_loop3A_364 = tpu.vector_load %arg6[%parallel_loop3A_362, %parallel_loop3A_363] {strides = array<i32>} : memref<40x512xf32, #tpu.memory_space<vmem>>, vector<1x16xf32>,
        %parallel_loop3A_365 = vector.shape_cast %parallel_loop3A_364 : vector<1x16xf32> to vector<16xf32>
        %parallel_loop3A_366 = vector.shape_cast %parallel_loop3A_361 : vector<16xf32> to vector<1x16xf32>
        tpu.vector_store %arg6[%parallel_loop3A_362, %parallel_loop3A_363], %parallel_loop3A_366 {strides = array<i32>} : memref<40x512xf32, #tpu.memory_space<vmem>>, vector<1x16xf32>,
        %parallel_loop3A_367 = arith.mulf %parallel_loop3A_348, %parallel_loop3A_156 : vector<16xf32>
        %parallel_loop3A_368 = arith.index_cast %parallel_loop3A_129 : i32 to index
        %parallel_loop3A_369 = arith.constant 496 : index
        %parallel_loop3A_370 = tpu.vector_load %arg6[%parallel_loop3A_368, %parallel_loop3A_369] {strides = array<i32>} : memref<40x512xf32, #tpu.memory_space<vmem>>, vector<1x16xf32>,
        %parallel_loop3A_371 = vector.shape_cast %parallel_loop3A_370 : vector<1x16xf32> to vector<16xf32>
        %parallel_loop3A_372 = vector.shape_cast %parallel_loop3A_367 : vector<16xf32> to vector<1x16xf32>
        tpu.vector_store %arg6[%parallel_loop3A_368, %parallel_loop3A_369], %parallel_loop3A_372 {strides = array<i32>} : memref<40x512xf32, #tpu.memory_space<vmem>>, vector<1x16xf32>,
      } {sc.loop_unroll_factor = 8 : i64, sc.parallel_access}
      %mul3A_123 = arith.constant 40 : i32
      %mul3A_124 = arith.muli %add3A_114, %mul3A_123 : i32
      %dma_start3A_125 = arith.constant 0 : i32
      %dma_start3A_126 = tpu.memref_slice %arg3[%mul3A_124, %dma_start3A_125] : memref<100000x512xf32, #tpu.memory_space<hbm>> -> memref<40x512xf32, #tpu.memory_space<hbm>>
      %dma_start3A_127 = arith.constant 0 : i32
      %dma_start3A_128 = tpu.memref_slice %arg3[%mul3A_124, %dma_start3A_127] : memref<100000x512xf32, #tpu.memory_space<hbm>> -> memref<40x512xf32, #tpu.memory_space<hbm>>
      tpu.enqueue_dma source(%arg6 : memref<40x512xf32, #tpu.memory_space<vmem>>) target(%dma_start3A_128 : memref<40x512xf32, #tpu.memory_space<hbm>>) target_semaphore(%arg8 : memref<!tpu.dma_semaphore, #tpu.memory_space<semaphore_mem>>)
    } else {
    }
    %dma_wait3A = arith.constant 0 : i32
    %dma_wait3A_96 = arith.constant 0 : i32
    %dma_wait3A_97 = tpu.memref_slice %arg3[%dma_wait3A, %dma_wait3A_96] : memref<100000x512xf32, #tpu.memory_space<hbm>> -> memref<40x512xf32, #tpu.memory_space<hbm>>
    %dma_wait3A_98 = arith.constant 0 : i32
    %dma_wait3A_99 = arith.constant 0 : i32
    %dma_wait3A_100 = tpu.memref_slice %arg3[%dma_wait3A_98, %dma_wait3A_99] : memref<100000x512xf32, #tpu.memory_space<hbm>> -> memref<40x512xf32, #tpu.memory_space<hbm>>
    tpu.wait_dma2 semaphore(%arg8 : memref<!tpu.dma_semaphore, #tpu.memory_space<semaphore_mem>>) src(%arg6 : memref<40x512xf32, #tpu.memory_space<vmem>>) dst(%dma_wait3A_100 : memref<40x512xf32, #tpu.memory_space<hbm>>)
    %dma_wait3A_101 = arith.constant 0 : i32
    %dma_wait3A_102 = arith.constant 0 : i32
    %dma_wait3A_103 = tpu.memref_slice %arg3[%dma_wait3A_101, %dma_wait3A_102] : memref<100000x512xf32, #tpu.memory_space<hbm>> -> memref<40x512xf32, #tpu.memory_space<hbm>>
    %dma_wait3A_104 = arith.constant 0 : i32
    %dma_wait3A_105 = arith.constant 0 : i32
    %dma_wait3A_106 = tpu.memref_slice %arg3[%dma_wait3A_104, %dma_wait3A_105] : memref<100000x512xf32, #tpu.memory_space<hbm>> -> memref<40x512xf32, #tpu.memory_space<hbm>>
    tpu.wait_dma2 semaphore(%arg9 : memref<!tpu.dma_semaphore, #tpu.memory_space<semaphore_mem>>) src(%arg7 : memref<40x512xf32, #tpu.memory_space<vmem>>) dst(%dma_wait3A_106 : memref<40x512xf32, #tpu.memory_space<hbm>>)
    return
  }
}

module attributes {stable_mosaic.version = 14 : i64} {
  func.func @_prep_body(%arg0: i32, %arg1: memref<1x3x2000xf32, #tpu.memory_space<vmem>>, %arg2: memref<1x3x2000xf32, #tpu.memory_space<vmem>>, %arg3: memref<1x1x2000xf32, #tpu.memory_space<vmem>>, %arg4: memref<3xf32, #tpu.memory_space<smem>>, %arg5: memref<2000x32xf32, #tpu.memory_space<vmem>>, %arg6: memref<1x3x2000xi32, #tpu.memory_space<vmem>>) attributes {dimension_semantics = [#tpu.dimension_semantics<arbitrary>], iteration_bounds = array<i64: 50>, scalar_prefetch = 0 : i64, scratch_operands = 0 : i64, tpu.core_type = #tpu.core_type<tc>, window_params = [{transform_indices = @transform_0, window_bounds = array<i64: 1, 3, 2000>}, {transform_indices = @transform_1, window_bounds = array<i64: 1, 3, 2000>}, {transform_indices = @transform_2, window_bounds = array<i64: 1, 1, 2000>}, {transform_indices = @transform_3, window_bounds = array<i64: 3>}, {transform_indices = @transform_4, window_bounds = array<i64: 2000, 32>}, {transform_indices = @transform_5, window_bounds = array<i64: 1, 3, 2000>}]} {
    %get3A = arith.constant 0 : index
    %get3A_0 = arith.constant 0 : index
    %get3A_1 = arith.constant 0 : index
    %get3A_2 = vector.load %arg1[%get3A, %get3A_0, %get3A_1] : memref<1x3x2000xf32, #tpu.memory_space<vmem>>, vector<1x3x2000xf32>
    %get3A_3 = vector.shape_cast %get3A_2 : vector<1x3x2000xf32> to vector<3x2000xf32>
    %get3A_4 = arith.constant 0 : index
    %get3A_5 = arith.constant 0 : index
    %get3A_6 = arith.constant 0 : index
    %get3A_7 = vector.load %arg2[%get3A_4, %get3A_5, %get3A_6] : memref<1x3x2000xf32, #tpu.memory_space<vmem>>, vector<1x3x2000xf32>
    %get3A_8 = vector.shape_cast %get3A_7 : vector<1x3x2000xf32> to vector<3x2000xf32>
    %iota3A = tpu.iota {dimensions = array<i32: 0>} : vector<3x1xi32>
    %eq3A = arith.constant 0 : i32
    %eq3A_9 = vector.broadcast %eq3A : i32 to vector<3x1xi32>
    %eq3A_10 = arith.cmpi eq, %iota3A, %eq3A_9 : vector<3x1xi32>
    %get3A_11 = arith.constant 0 : index
    %get3A_12 = memref.load %arg4[%get3A_11] : memref<3xf32, #tpu.memory_space<smem>>
    %eq3A_13 = arith.constant 1 : i32
    %eq3A_14 = vector.broadcast %eq3A_13 : i32 to vector<3x1xi32>
    %eq3A_15 = arith.cmpi eq, %iota3A, %eq3A_14 : vector<3x1xi32>
    %get3A_16 = arith.constant 1 : index
    %get3A_17 = memref.load %arg4[%get3A_16] : memref<3xf32, #tpu.memory_space<smem>>
    %get3A_18 = arith.constant 2 : index
    %get3A_19 = memref.load %arg4[%get3A_18] : memref<3xf32, #tpu.memory_space<smem>>
    %broadcast_in_dim3A = vector.broadcast %get3A_17 : f32 to vector<3x1xf32>
    %broadcast_in_dim3A_20 = vector.broadcast %get3A_19 : f32 to vector<3x1xf32>
    %select_n3A = arith.select %eq3A_15, %broadcast_in_dim3A, %broadcast_in_dim3A_20 : vector<3x1xi1>, vector<3x1xf32>
    %broadcast_in_dim3A_21 = vector.broadcast %get3A_12 : f32 to vector<3x1xf32>
    %select_n3A_22 = arith.select %eq3A_10, %broadcast_in_dim3A_21, %select_n3A : vector<3x1xi1>, vector<3x1xf32>
    %mul3A = arith.constant 3.000000e+00 : f32
    %mul3A_23 = vector.broadcast %mul3A : f32 to vector<3x2000xf32>
    %mul3A_24 = arith.mulf %mul3A_23, %get3A_8 : vector<3x2000xf32>
    %sub3A = arith.subf %get3A_3, %mul3A_24 : vector<3x2000xf32>
    %div3A = vector.broadcast %select_n3A_22 : vector<3x1xf32> to vector<3x2000xf32>
    %div3A_25 = arith.divf %sub3A, %div3A : vector<3x2000xf32>
    %floor3A = math.floor %div3A_25 : vector<3x2000xf32>
    %div3A_26 = arith.constant 0.707106769 : f32
    %div3A_27 = vector.broadcast %div3A_26 : f32 to vector<3x2000xf32>
    %div3A_28 = arith.divf %div3A_27, %get3A_8 : vector<3x2000xf32>
    %mul3A_29 = vector.broadcast %select_n3A_22 : vector<3x1xf32> to vector<3x2000xf32>
    %mul3A_30 = arith.mulf %floor3A, %mul3A_29 : vector<3x2000xf32>
    %sub3A_31 = arith.subf %mul3A_30, %get3A_3 : vector<3x2000xf32>
    %mul3A_32 = arith.mulf %sub3A_31, %div3A_28 : vector<3x2000xf32>
    %mul3A_33 = vector.broadcast %select_n3A_22 : vector<3x1xf32> to vector<3x2000xf32>
    %mul3A_34 = arith.mulf %mul3A_33, %div3A_28 : vector<3x2000xf32>
    %get3A_35 = arith.constant 0 : index
    %get3A_36 = arith.constant 0 : index
    %get3A_37 = arith.constant 0 : index
    %get3A_38 = vector.load %arg3[%get3A_35, %get3A_36, %get3A_37] : memref<1x1x2000xf32, #tpu.memory_space<vmem>>, vector<1x1x2000xf32>
    %get3A_39 = vector.shape_cast %get3A_38 : vector<1x1x2000xf32> to vector<1x2000xf32>
    %erf3A = math.erf %mul3A_32 : vector<3x2000xf32>
    %add3A = arith.constant 1.000000e+00 : f32
    %add3A_40 = vector.broadcast %add3A : f32 to vector<3x2000xf32>
    %add3A_41 = arith.addf %add3A_40, %erf3A : vector<3x2000xf32>
    %mul3A_42 = arith.constant 5.000000e-01 : f32
    %mul3A_43 = vector.broadcast %mul3A_42 : f32 to vector<3x2000xf32>
    %mul3A_44 = arith.mulf %mul3A_43, %add3A_41 : vector<3x2000xf32>
    %mul3A_45 = arith.constant 1.000000e+00 : f32
    %mul3A_46 = vector.broadcast %mul3A_45 : f32 to vector<3x2000xf32>
    %mul3A_47 = arith.mulf %mul3A_46, %mul3A_34 : vector<3x2000xf32>
    %add3A_48 = arith.addf %mul3A_32, %mul3A_47 : vector<3x2000xf32>
    %erf3A_49 = math.erf %add3A_48 : vector<3x2000xf32>
    %add3A_50 = arith.constant 1.000000e+00 : f32
    %add3A_51 = vector.broadcast %add3A_50 : f32 to vector<3x2000xf32>
    %add3A_52 = arith.addf %add3A_51, %erf3A_49 : vector<3x2000xf32>
    %mul3A_53 = arith.constant 5.000000e-01 : f32
    %mul3A_54 = vector.broadcast %mul3A_53 : f32 to vector<3x2000xf32>
    %mul3A_55 = arith.mulf %mul3A_54, %add3A_52 : vector<3x2000xf32>
    %sub3A_56 = arith.subf %mul3A_55, %mul3A_44 : vector<3x2000xf32>
    %slice3A = vector.extract_strided_slice %sub3A_56 {offsets = [0, 0], sizes = [1, 2000], strides = [1, 1]} : vector<3x2000xf32> to vector<1x2000xf32>
    %mul3A_57 = arith.mulf %slice3A, %get3A_39 : vector<1x2000xf32>
    %slice3A_58 = vector.extract_strided_slice %sub3A_56 {offsets = [1, 0], sizes = [1, 2000], strides = [1, 1]} : vector<3x2000xf32> to vector<1x2000xf32>
    %slice3A_59 = vector.extract_strided_slice %sub3A_56 {offsets = [2, 0], sizes = [1, 2000], strides = [1, 1]} : vector<3x2000xf32> to vector<1x2000xf32>
    %mul3A_60 = arith.constant 2.000000e+00 : f32
    %mul3A_61 = vector.broadcast %mul3A_60 : f32 to vector<3x2000xf32>
    %mul3A_62 = arith.mulf %mul3A_61, %mul3A_34 : vector<3x2000xf32>
    %add3A_63 = arith.addf %mul3A_32, %mul3A_62 : vector<3x2000xf32>
    %erf3A_64 = math.erf %add3A_63 : vector<3x2000xf32>
    %add3A_65 = arith.constant 1.000000e+00 : f32
    %add3A_66 = vector.broadcast %add3A_65 : f32 to vector<3x2000xf32>
    %add3A_67 = arith.addf %add3A_66, %erf3A_64 : vector<3x2000xf32>
    %mul3A_68 = arith.constant 5.000000e-01 : f32
    %mul3A_69 = vector.broadcast %mul3A_68 : f32 to vector<3x2000xf32>
    %mul3A_70 = arith.mulf %mul3A_69, %add3A_67 : vector<3x2000xf32>
    %sub3A_71 = arith.subf %mul3A_70, %mul3A_55 : vector<3x2000xf32>
    %slice3A_72 = vector.extract_strided_slice %sub3A_71 {offsets = [0, 0], sizes = [1, 2000], strides = [1, 1]} : vector<3x2000xf32> to vector<1x2000xf32>
    %mul3A_73 = arith.mulf %slice3A_72, %get3A_39 : vector<1x2000xf32>
    %slice3A_74 = vector.extract_strided_slice %sub3A_71 {offsets = [1, 0], sizes = [1, 2000], strides = [1, 1]} : vector<3x2000xf32> to vector<1x2000xf32>
    %slice3A_75 = vector.extract_strided_slice %sub3A_71 {offsets = [2, 0], sizes = [1, 2000], strides = [1, 1]} : vector<3x2000xf32> to vector<1x2000xf32>
    %mul3A_76 = arith.constant 3.000000e+00 : f32
    %mul3A_77 = vector.broadcast %mul3A_76 : f32 to vector<3x2000xf32>
    %mul3A_78 = arith.mulf %mul3A_77, %mul3A_34 : vector<3x2000xf32>
    %add3A_79 = arith.addf %mul3A_32, %mul3A_78 : vector<3x2000xf32>
    %erf3A_80 = math.erf %add3A_79 : vector<3x2000xf32>
    %add3A_81 = arith.constant 1.000000e+00 : f32
    %add3A_82 = vector.broadcast %add3A_81 : f32 to vector<3x2000xf32>
    %add3A_83 = arith.addf %add3A_82, %erf3A_80 : vector<3x2000xf32>
    %mul3A_84 = arith.constant 5.000000e-01 : f32
    %mul3A_85 = vector.broadcast %mul3A_84 : f32 to vector<3x2000xf32>
    %mul3A_86 = arith.mulf %mul3A_85, %add3A_83 : vector<3x2000xf32>
    %sub3A_87 = arith.subf %mul3A_86, %mul3A_70 : vector<3x2000xf32>
    %slice3A_88 = vector.extract_strided_slice %sub3A_87 {offsets = [0, 0], sizes = [1, 2000], strides = [1, 1]} : vector<3x2000xf32> to vector<1x2000xf32>
    %mul3A_89 = arith.mulf %slice3A_88, %get3A_39 : vector<1x2000xf32>
    %slice3A_90 = vector.extract_strided_slice %sub3A_87 {offsets = [1, 0], sizes = [1, 2000], strides = [1, 1]} : vector<3x2000xf32> to vector<1x2000xf32>
    %slice3A_91 = vector.extract_strided_slice %sub3A_87 {offsets = [2, 0], sizes = [1, 2000], strides = [1, 1]} : vector<3x2000xf32> to vector<1x2000xf32>
    %mul3A_92 = arith.constant 4.000000e+00 : f32
    %mul3A_93 = vector.broadcast %mul3A_92 : f32 to vector<3x2000xf32>
    %mul3A_94 = arith.mulf %mul3A_93, %mul3A_34 : vector<3x2000xf32>
    %add3A_95 = arith.addf %mul3A_32, %mul3A_94 : vector<3x2000xf32>
    %erf3A_96 = math.erf %add3A_95 : vector<3x2000xf32>
    %add3A_97 = arith.constant 1.000000e+00 : f32
    %add3A_98 = vector.broadcast %add3A_97 : f32 to vector<3x2000xf32>
    %add3A_99 = arith.addf %add3A_98, %erf3A_96 : vector<3x2000xf32>
    %mul3A_100 = arith.constant 5.000000e-01 : f32
    %mul3A_101 = vector.broadcast %mul3A_100 : f32 to vector<3x2000xf32>
    %mul3A_102 = arith.mulf %mul3A_101, %add3A_99 : vector<3x2000xf32>
    %sub3A_103 = arith.subf %mul3A_102, %mul3A_86 : vector<3x2000xf32>
    %slice3A_104 = vector.extract_strided_slice %sub3A_103 {offsets = [0, 0], sizes = [1, 2000], strides = [1, 1]} : vector<3x2000xf32> to vector<1x2000xf32>
    %mul3A_105 = arith.mulf %slice3A_104, %get3A_39 : vector<1x2000xf32>
    %slice3A_106 = vector.extract_strided_slice %sub3A_103 {offsets = [1, 0], sizes = [1, 2000], strides = [1, 1]} : vector<3x2000xf32> to vector<1x2000xf32>
    %slice3A_107 = vector.extract_strided_slice %sub3A_103 {offsets = [2, 0], sizes = [1, 2000], strides = [1, 1]} : vector<3x2000xf32> to vector<1x2000xf32>
    %mul3A_108 = arith.constant 5.000000e+00 : f32
    %mul3A_109 = vector.broadcast %mul3A_108 : f32 to vector<3x2000xf32>
    %mul3A_110 = arith.mulf %mul3A_109, %mul3A_34 : vector<3x2000xf32>
    %add3A_111 = arith.addf %mul3A_32, %mul3A_110 : vector<3x2000xf32>
    %erf3A_112 = math.erf %add3A_111 : vector<3x2000xf32>
    %add3A_113 = arith.constant 1.000000e+00 : f32
    %add3A_114 = vector.broadcast %add3A_113 : f32 to vector<3x2000xf32>
    %add3A_115 = arith.addf %add3A_114, %erf3A_112 : vector<3x2000xf32>
    %mul3A_116 = arith.constant 5.000000e-01 : f32
    %mul3A_117 = vector.broadcast %mul3A_116 : f32 to vector<3x2000xf32>
    %mul3A_118 = arith.mulf %mul3A_117, %add3A_115 : vector<3x2000xf32>
    %sub3A_119 = arith.subf %mul3A_118, %mul3A_102 : vector<3x2000xf32>
    %slice3A_120 = vector.extract_strided_slice %sub3A_119 {offsets = [0, 0], sizes = [1, 2000], strides = [1, 1]} : vector<3x2000xf32> to vector<1x2000xf32>
    %mul3A_121 = arith.mulf %slice3A_120, %get3A_39 : vector<1x2000xf32>
    %slice3A_122 = vector.extract_strided_slice %sub3A_119 {offsets = [1, 0], sizes = [1, 2000], strides = [1, 1]} : vector<3x2000xf32> to vector<1x2000xf32>
    %slice3A_123 = vector.extract_strided_slice %sub3A_119 {offsets = [2, 0], sizes = [1, 2000], strides = [1, 1]} : vector<3x2000xf32> to vector<1x2000xf32>
    %mul3A_124 = arith.constant 6.000000e+00 : f32
    %mul3A_125 = vector.broadcast %mul3A_124 : f32 to vector<3x2000xf32>
    %mul3A_126 = arith.mulf %mul3A_125, %mul3A_34 : vector<3x2000xf32>
    %add3A_127 = arith.addf %mul3A_32, %mul3A_126 : vector<3x2000xf32>
    %erf3A_128 = math.erf %add3A_127 : vector<3x2000xf32>
    %add3A_129 = arith.constant 1.000000e+00 : f32
    %add3A_130 = vector.broadcast %add3A_129 : f32 to vector<3x2000xf32>
    %add3A_131 = arith.addf %add3A_130, %erf3A_128 : vector<3x2000xf32>
    %mul3A_132 = arith.constant 5.000000e-01 : f32
    %mul3A_133 = vector.broadcast %mul3A_132 : f32 to vector<3x2000xf32>
    %mul3A_134 = arith.mulf %mul3A_133, %add3A_131 : vector<3x2000xf32>
    %sub3A_135 = arith.subf %mul3A_134, %mul3A_118 : vector<3x2000xf32>
    %slice3A_136 = vector.extract_strided_slice %sub3A_135 {offsets = [0, 0], sizes = [1, 2000], strides = [1, 1]} : vector<3x2000xf32> to vector<1x2000xf32>
    %mul3A_137 = arith.mulf %slice3A_136, %get3A_39 : vector<1x2000xf32>
    %slice3A_138 = vector.extract_strided_slice %sub3A_135 {offsets = [1, 0], sizes = [1, 2000], strides = [1, 1]} : vector<3x2000xf32> to vector<1x2000xf32>
    %slice3A_139 = vector.extract_strided_slice %sub3A_135 {offsets = [2, 0], sizes = [1, 2000], strides = [1, 1]} : vector<3x2000xf32> to vector<1x2000xf32>
    %mul3A_140 = arith.constant 7.000000e+00 : f32
    %mul3A_141 = vector.broadcast %mul3A_140 : f32 to vector<3x2000xf32>
    %mul3A_142 = arith.mulf %mul3A_141, %mul3A_34 : vector<3x2000xf32>
    %add3A_143 = arith.addf %mul3A_32, %mul3A_142 : vector<3x2000xf32>
    %erf3A_144 = math.erf %add3A_143 : vector<3x2000xf32>
    %add3A_145 = arith.constant 1.000000e+00 : f32
    %add3A_146 = vector.broadcast %add3A_145 : f32 to vector<3x2000xf32>
    %add3A_147 = arith.addf %add3A_146, %erf3A_144 : vector<3x2000xf32>
    %mul3A_148 = arith.constant 5.000000e-01 : f32
    %mul3A_149 = vector.broadcast %mul3A_148 : f32 to vector<3x2000xf32>
    %mul3A_150 = arith.mulf %mul3A_149, %add3A_147 : vector<3x2000xf32>
    %sub3A_151 = arith.subf %mul3A_150, %mul3A_134 : vector<3x2000xf32>
    %slice3A_152 = vector.extract_strided_slice %sub3A_151 {offsets = [0, 0], sizes = [1, 2000], strides = [1, 1]} : vector<3x2000xf32> to vector<1x2000xf32>
    %mul3A_153 = arith.mulf %slice3A_152, %get3A_39 : vector<1x2000xf32>
    %slice3A_154 = vector.extract_strided_slice %sub3A_151 {offsets = [1, 0], sizes = [1, 2000], strides = [1, 1]} : vector<3x2000xf32> to vector<1x2000xf32>
    %slice3A_155 = vector.extract_strided_slice %sub3A_151 {offsets = [2, 0], sizes = [1, 2000], strides = [1, 1]} : vector<3x2000xf32> to vector<1x2000xf32>
    %mul3A_156 = arith.constant 8.000000e+00 : f32
    %mul3A_157 = vector.broadcast %mul3A_156 : f32 to vector<3x2000xf32>
    %mul3A_158 = arith.mulf %mul3A_157, %mul3A_34 : vector<3x2000xf32>
    %add3A_159 = arith.addf %mul3A_32, %mul3A_158 : vector<3x2000xf32>
    %erf3A_160 = math.erf %add3A_159 : vector<3x2000xf32>
    %add3A_161 = arith.constant 1.000000e+00 : f32
    %add3A_162 = vector.broadcast %add3A_161 : f32 to vector<3x2000xf32>
    %add3A_163 = arith.addf %add3A_162, %erf3A_160 : vector<3x2000xf32>
    %mul3A_164 = arith.constant 5.000000e-01 : f32
    %mul3A_165 = vector.broadcast %mul3A_164 : f32 to vector<3x2000xf32>
    %mul3A_166 = arith.mulf %mul3A_165, %add3A_163 : vector<3x2000xf32>
    %sub3A_167 = arith.subf %mul3A_166, %mul3A_150 : vector<3x2000xf32>
    %slice3A_168 = vector.extract_strided_slice %sub3A_167 {offsets = [0, 0], sizes = [1, 2000], strides = [1, 1]} : vector<3x2000xf32> to vector<1x2000xf32>
    %mul3A_169 = arith.mulf %slice3A_168, %get3A_39 : vector<1x2000xf32>
    %slice3A_170 = vector.extract_strided_slice %sub3A_167 {offsets = [1, 0], sizes = [1, 2000], strides = [1, 1]} : vector<3x2000xf32> to vector<1x2000xf32>
    %slice3A_171 = vector.extract_strided_slice %sub3A_167 {offsets = [2, 0], sizes = [1, 2000], strides = [1, 1]} : vector<3x2000xf32> to vector<1x2000xf32>
    %broadcast_in_dim3A_172 = arith.constant 0.000000e+00 : f32
    %broadcast_in_dim3A_173 = vector.broadcast %broadcast_in_dim3A_172 : f32 to vector<8x2000xf32>
    %concatenate3A = tpu.concatenate %mul3A_57, %mul3A_73, %mul3A_89, %mul3A_105, %mul3A_121, %mul3A_137, %mul3A_153, %mul3A_169, %slice3A_58, %slice3A_74, %slice3A_90, %slice3A_106, %slice3A_122, %slice3A_138, %slice3A_154, %slice3A_170, %slice3A_59, %slice3A_75, %slice3A_91, %slice3A_107, %slice3A_123, %slice3A_139, %slice3A_155, %slice3A_171, %broadcast_in_dim3A_173 in 0 : vector<1x2000xf32>, vector<1x2000xf32>, vector<1x2000xf32>, vector<1x2000xf32>, vector<1x2000xf32>, vector<1x2000xf32>, vector<1x2000xf32>, vector<1x2000xf32>, vector<1x2000xf32>, vector<1x2000xf32>, vector<1x2000xf32>, vector<1x2000xf32>, vector<1x2000xf32>, vector<1x2000xf32>, vector<1x2000xf32>, vector<1x2000xf32>, vector<1x2000xf32>, vector<1x2000xf32>, vector<1x2000xf32>, vector<1x2000xf32>, vector<1x2000xf32>, vector<1x2000xf32>, vector<1x2000xf32>, vector<1x2000xf32>, vector<8x2000xf32> -> vector<32x2000xf32>
    %iota3A_174 = tpu.iota {dimensions = array<i32: 0>} : vector<32x32xi32>
    %iota3A_175 = tpu.iota {dimensions = array<i32: 1>} : vector<32x32xi32>
    %eq3A_176 = arith.cmpi eq, %iota3A_174, %iota3A_175 : vector<32x32xi32>
    %convert_element_type3A = arith.extui %eq3A_176 : vector<32x32xi1> to vector<32x32xi32>
    %convert_element_type3A_177 = arith.sitofp %convert_element_type3A : vector<32x32xi32> to vector<32x32xf32>
    %dot_general3A = arith.constant dense<0.000000e+00> : vector<2000x32xf32>
    %dot_general3A_178 = tpu.matmul %concatenate3A, %convert_element_type3A_177, %dot_general3A {dimension_numbers = #tpu.dot_dimension_numbers<[0], [0], [1], [1], [0, 1, 1, 1], [], []>, transpose_lhs_hint = false} : vector<32x2000xf32>, vector<32x32xf32>, vector<2000x32xf32> -> vector<2000x32xf32>
    %swap3A = arith.constant 0 : index
    %swap3A_179 = arith.constant 0 : index
    %swap3A_180 = vector.load %arg5[%swap3A, %swap3A_179] : memref<2000x32xf32, #tpu.memory_space<vmem>>, vector<2000x32xf32>
    tpu.vector_store %arg5[%swap3A, %swap3A_179], %dot_general3A_178 {strides = array<i32>} : memref<2000x32xf32, #tpu.memory_space<vmem>>, vector<2000x32xf32>,
    %convert_element_type3A_181 = arith.fptosi %floor3A : vector<3x2000xf32> to vector<3x2000xi32>
    %swap3A_182 = arith.constant 0 : index
    %swap3A_183 = arith.constant 0 : index
    %swap3A_184 = arith.constant 0 : index
    %swap3A_185 = vector.load %arg6[%swap3A_182, %swap3A_183, %swap3A_184] : memref<1x3x2000xi32, #tpu.memory_space<vmem>>, vector<1x3x2000xi32>
    %swap3A_186 = vector.shape_cast %swap3A_185 : vector<1x3x2000xi32> to vector<3x2000xi32>
    %swap3A_187 = vector.shape_cast %convert_element_type3A_181 : vector<3x2000xi32> to vector<1x3x2000xi32>
    tpu.vector_store %arg6[%swap3A_182, %swap3A_183, %swap3A_184], %swap3A_187 {strides = array<i32>} : memref<1x3x2000xi32, #tpu.memory_space<vmem>>, vector<1x3x2000xi32>,
    return
  }
  func.func @transform_0(%arg0: i32) -> (i32, i32, i32) {
    %c0_i32 = arith.constant 0 : i32
    %c0_i32_0 = arith.constant 0 : i32
    %c0_i32_1 = arith.constant 0 : i32
    return %arg0, %c0_i32, %c0_i32_0 : i32, i32, i32
  }
  func.func @transform_1(%arg0: i32) -> (i32, i32, i32) {
    %c0_i32 = arith.constant 0 : i32
    %c0_i32_0 = arith.constant 0 : i32
    %c0_i32_1 = arith.constant 0 : i32
    return %arg0, %c0_i32, %c0_i32_0 : i32, i32, i32
  }
  func.func @transform_2(%arg0: i32) -> (i32, i32, i32) {
    %c0_i32 = arith.constant 0 : i32
    %c0_i32_0 = arith.constant 0 : i32
    %c0_i32_1 = arith.constant 0 : i32
    return %arg0, %c0_i32, %c0_i32_0 : i32, i32, i32
  }
  func.func @transform_3(%arg0: i32) -> i32 {
    %c0_i32 = arith.constant 0 : i32
    %c0_i32_0 = arith.constant 0 : i32
    return %c0_i32 : i32
  }
  func.func @transform_4(%arg0: i32) -> (i32, i32) {
    %c0_i32 = arith.constant 0 : i32
    %c0_i32_0 = arith.constant 0 : i32
    return %arg0, %c0_i32 : i32, i32
  }
  func.func @transform_5(%arg0: i32) -> (i32, i32, i32) {
    %c0_i32 = arith.constant 0 : i32
    %c0_i32_0 = arith.constant 0 : i32
    %c0_i32_1 = arith.constant 0 : i32
    return %arg0, %c0_i32, %c0_i32_0 : i32, i32, i32
  }
}

</mosaic_0001>

<sc_bundles>
// kernel: kernel.4.cloned.1.call-start
scs
__scs_entry_jumppad:
0x0: {  	(pc) =	sbr.rel $0x88, $3  }
0x1: {  	(tag) =	ssettag $0x0;
	lr =	simm.s32 $0x1  }
0x2: {  	[smem:$0x3F9C] =	sst lr;
	_ =	strace $0xD0000000  }
0x3: {  	_ = 	snop  }
0x4: {  	_ = 	snop  }
0x5: {  	_ = 	snop  }
0x6: {  	_ = 	snop  }
0x7: {  	_ = 	snop  }
__scs_overlays_trampoline_lowered:
0x8: {  	[smem:$0x3FAB] =	sst s0  }
0x9: {  	[smem:$0x3FAC] =	sst s1  }
0xa: {  	[smem:$0x3FAD] =	sst s2  }
0xb: {  	[smem:$0x3FAE] =	sst s3  }
0xc: {  	[smem:$0x3FAF] =	sst s4  }
0xd: {  	[smem:$0x3FB0] =	sst s5  }
0xe: {  	[smem:$0x3FB1] =	sst s6  }
0xf: {  	[smem:$0x3FB2] =	sst s7  }
0x10: {  	[smem:$0x3FB3] =	sst s8  }
0x11: {  	[smem:$0x3FB4] =	sst s9;
	s0 =	simm.s32 @!p0 $0x0  }
0x12: {  	s1 =	sld [smem:$0x3F9A];
	s0 =	simm.s32 @p0 $0x1  }
0x13: {  	[smem:$0x3FB5] =	sst s0;
	s0 =	simm.s32 @!p1 $0x0  }
0x14: {  	s2 =	sld [smem:$0x3F99];
	s0 =	simm.s32 @p1 $0x1  }
0x15: {  	[smem:$0x3FB6] =	sst s0;
	s0 =	simm.s32 @!p2 $0x0  }
0x16: {  	s3 =	sld [smem:$0x3FDB];
	s0 =	simm.s32 @p2 $0x1  }
0x17: {  	s4 =	simm.s32 $0x1BF5;
	[smem:$0x3FB8] =	sst s0  }
0x18: {  	s0 =	sld [smem:$0x3F9B];
	_ =	swait.ge [sflag:s4], $0x0  }
0x19: {  	s7 =	sld [smem:$0x3F9C]  }
0x1a: {  	s8 =	sadd.s32 $0xFFFFE003, lr  }
0x1b: {  	s9 =	sadd.s32 $0xFFFFFEF7, lr;
	s5 =	simm.s32 $0xFFFFFFFF;
	p2 =	slt.u32 s8, $0xFFFFF086  }
0x1c: {  	p1 =	slt.u32 s9, $0xF7A;
	s5 =	simm.s32 @!p2 $0x0  }
0x1d: {  	s5 =	simm.s32 @p1 $0x1;
	p0 =	seq.s32 s7, s2  }
0x1e: {  	s7 =	smul.u32 @!p0 $0xF7A, s2;
	p2 =	seq.s32 @!p0 s5, $0x0  }
0x1f: {  	s9 =	smul.u32 $0xF7A, s1;
	s8 =	simm.s32 @!p0 $0x1BF5;
	p2 =	por !p2, p0  }
0x20: {  	[sflag:s8] =	ssyncset.s32 @!p0 $0xFFFFF086;
	s6 =	sadd.s32 @!p0 s3, s7;
	s7 =	simm.s32 @!p0 $0x108  }
0x21: {  	s3 =	sadd.s32 s3, s9;
	s6 =	sadd.s32 @!p0 $0x88, s6;
	s7 =	simm.s32 @p2 $0x1082  }
0x22: {  	[simem:s7], [sflag:s8] =	dma.local @!p0 [hbm:s6], $0xF7A  }
0x23: {  	s9 =	sor.u32 $0xD0000000, s2;
	s6 =	simm.s32 $0x108;
	_ =	swait.ge @!p0 [sflag:s8], $0x0  }
0x24: {  	s3 =	sadd.s32 $0x88, s3;
	s6 =	simm.s32 @!p1 $0x1082;
	[sflag:s4] =	ssyncset.s32 $0xFFFFF086  }
0x25: {  	[simem:s6], [sflag:s4] =	dma.local [hbm:s3], $0xF7A  }
0x26: {  	[smem:$0x3F9C] =	sst s1;
	(tag) =	ssettag s2;
	_ =	strace s9  }
0x27: {  	s1 =	sld [smem:$0x3FAC]  }
0x28: {  	s2 =	sld [smem:$0x3FAD]  }
0x29: {  	s4 =	sld [smem:$0x3FAF]  }
0x2a: {  	p0 =	seq.s32 s5, $0x0;
	s5 =	sld [smem:$0x3FB0]  }
0x2b: {  	s6 =	sld [smem:$0x3FB1]  }
0x2c: {  	s7 =	sld [smem:$0x3FB2]  }
0x2d: {  	s3 =	simm.s32 $0x108;
	s8 =	sld [smem:$0x3FB3]  }
0x2e: {  	s3 =	simm.s32 @!p0 $0x1082;
	s9 =	sld [smem:$0x3FB4]  }
0x2f: {  	lr =	sadd.s32 s0, s3;
	s0 =	sld [smem:$0x3FAB]  }
0x30: {  	s3 =	sld [smem:$0x3FAE]  }
0x31: {  	[smem:$0x3FB7] =	sst s10  }
0x32: {  	s10 =	sld [smem:$0x3FB5];
	_ =	sdelay $0x3  }
0x33: {  	p0 =	seq.s32 s10, $0x1;
	s10 =	sld [smem:$0x3FB7];
	_ =	sdelay $0x3  }
0x34: {  	[smem:$0x3FB7] =	sst s10  }
0x35: {  	s10 =	sld [smem:$0x3FB6];
	_ =	sdelay $0x3  }
0x36: {  	p1 =	seq.s32 s10, $0x1;
	s10 =	sld [smem:$0x3FB7];
	_ =	sdelay $0x3  }
0x37: {  	[smem:$0x3FB7] =	sst s10  }
0x38: {  	s10 =	sld [smem:$0x3FB8]  }
0x39: {  	_ = 	snop;
	(pc) =	sbr.ind lr, $3  }
0x3a: {  	_ = 	snop  }
0x3b: {  	_ = 	snop  }
0x3c: {  	p2 =	seq.s32 s10, $0x1;
	s10 =	sld [smem:$0x3FB7]  }
0x3d: {  	_ =	shalt  }
0x3e: {  	_ =	shalt  }
0x3f: {  	_ =	shalt  }
0x40: {  	_ =	shalt  }
0x41: {  	_ =	shalt  }
0x42: {  	_ =	shalt  }
0x43: {  	_ =	shalt  }
0x44: {  	_ =	shalt  }
0x45: {  	_ =	shalt  }
0x46: {  	_ =	shalt  }
0x47: {  	_ =	shalt  }
0x48: {  	_ =	shalt  }
0x49: {  	_ =	shalt  }
0x4a: {  	_ =	shalt  }
0x4b: {  	_ =	shalt  }
0x4c: {  	_ =	shalt  }
0x4d: {  	_ =	shalt  }
0x4e: {  	_ =	shalt  }
0x4f: {  	_ =	shalt  }
0x50: {  	_ =	shalt  }
0x51: {  	_ =	shalt  }
0x52: {  	_ =	shalt  }
0x53: {  	_ =	shalt  }
0x54: {  	_ =	shalt  }
0x55: {  	_ =	shalt  }
0x56: {  	_ =	shalt  }
0x57: {  	_ =	shalt  }
0x58: {  	_ =	shalt  }
0x59: {  	_ =	shalt  }
0x5a: {  	_ =	shalt  }
0x5b: {  	_ =	shalt  }
0x5c: {  	_ =	shalt  }
0x5d: {  	_ =	shalt  }
0x5e: {  	_ =	shalt  }
0x5f: {  	_ =	shalt  }
0x60: {  	_ =	shalt  }
0x61: {  	_ =	shalt  }
0x62: {  	_ =	shalt  }
0x63: {  	_ =	shalt  }
0x64: {  	_ =	shalt  }
0x65: {  	_ =	shalt  }
0x66: {  	_ =	shalt  }
0x67: {  	_ =	shalt  }
0x68: {  	_ =	shalt  }
0x69: {  	_ =	shalt  }
0x6a: {  	_ =	shalt  }
0x6b: {  	_ =	shalt  }
0x6c: {  	_ =	shalt  }
0x6d: {  	_ =	shalt  }
0x6e: {  	_ =	shalt  }
0x6f: {  	_ =	shalt  }
0x70: {  	_ =	shalt  }
0x71: {  	_ =	shalt  }
0x72: {  	_ =	shalt  }
0x73: {  	_ =	shalt  }
0x74: {  	_ =	shalt  }
0x75: {  	_ =	shalt  }
0x76: {  	_ =	shalt  }
0x77: {  	_ =	shalt  }
0x78: {  	_ =	shalt  }
0x79: {  	_ =	shalt  }
0x7a: {  	_ =	shalt  }
0x7b: {  	_ =	shalt  }
0x7c: {  	_ =	shalt  }
0x7d: {  	_ =	shalt  }
0x7e: {  	_ =	shalt  }
0x7f: {  	_ =	shalt  }
0x80: {  	_ =	shalt  }
0x81: {  	_ =	shalt  }
0x82: {  	_ =	shalt  }
0x83: {  	_ =	shalt  }
0x84: {  	_ =	shalt  }
0x85: {  	_ =	shalt  }
0x86: {  	_ =	shalt  }
0x87: {  	_ =	shalt  }
.Lfunc_end0:
.L_simem_size_0:
called_computation_lowered:
.L_overlay_start_0:
0x88: {  	s2 =	sld [smem:$0x3FD9]  }
0x89: {  	s3 =	sld [smem:$0x3FFE];
	_ =	sdelay $0x1  }
0x8a: {  	s1 =	srdreg.scid  }
0x8b: {  	s0 =	sand.u32 $0x1, s1  }
0x8c: {  	s14 =	sshll.u32 s0, $0xA;
	s2 =	sadd.s32 s3, s2  }
0x8d: {  	s2 =	sadd.s32 s2, s14  }
0x8e: {  	[smem:$0x3FC3] =	sst s2  }
0x8f: {  	_ = 	snop  }
0x90: {  	s2 =	sld [smem:$0x3FD0];
	_ =	sdelay $0x2  }
0x91: {  	s15 =	simm.s32 $0xA;
	s4 =	simm.s32 $0x10  }
0x92: {  	[smem:s4], [sflag:s15] =	dma.local [hbm:s2], $0x1  }
0x93: {  	_ =	swait.eq [sflag:s15], $0x1  }
0x94: {  	[sflag:s15] =	ssyncset.done $0x0  }
0x95: {  	[sflag:s15] =	ssyncadd.s32 $0xFFFFFFFF  }
0x96: {  	s16 =	sld [smem:$0x10];
	(tm) =	ssettm $0x1  }
0x97: {  	s17 =	sld [smem:$0x3FFB];
	_ =	sdelay $0x3  }
0x98: {  	_ =	strace s17  }
0x99: {  	s3 =	sld [smem:$0x3FFC];
	_ =	sdelay $0x3  }
0x9a: {  	_ =	strace s3  }
0x9b: {  	s3 =	sld [smem:$0x3FFD];
	_ =	sdelay $0x3  }
0x9c: {  	_ =	strace s3  }
0x9d: {  	_ =	strace $0x8FFFFFFF  }
0x9e: {  	s18 =	sld [smem:$0x3FDB];
	_ =	sdelay $0x1  }
0x9f: {  	s19 =	simm.s32 $_scs_section_size  }
0xa0: {  	s5 =	simm.s32 $_size__tile_overlayer_lowered;
	s6 =	simm.s32 $_tile_overlayer_lowered  }
0xa1: {  	s22 =	simm.s32 $0x1BFF;
	s21 =	sshll.u32 s6, $0x1;
	s3 =	sadd.s32 s19, s18  }
0xa2: {  	s7 =	simm.s32 $0x0;
	s20 =	sshll.u32 s5, $0x1;
	s5 =	sadd.s32 s21, s3  }
0xa3: {  	[timem:s7], [sflag:s22] =	dma.local [hbm:s5], s20  }
0xa4: {  	_ =	swait.ge [sflag:s22], s20  }
0xa5: {  	s4 =	ssub.s32 $0x0, s20;
	[sflag:s22] =	ssyncset.done $0x0  }
0xa6: {  	[sflag:s22] =	ssyncadd.s32 s4;
	_ =	sdelay $0x1  }
0xa7: {  	s23 =	simm.s32 $0x1B8B  }
0xa8: {  	_ =	swait.ge [sflag:s23], $0x1  }
0xa9: {  	[sflag:s23] =	ssyncset.done $0x0  }
0xaa: {  	s25 =	simm.s32 $0x1B8E;
	s24 =	sld [smem:$0x3FFE];
	[sflag:s23] =	ssyncadd.s32 $0xFFFFFFFF  }
0xab: {  	s26 =	simm.s32 $execute0_lowered;
	[smem:$0x3FD2] =	sst s25  }
0xac: {  	s5 =	sshll.u32 s26, $0x1;
	_ =	strace $0x80000046;
	[dreg:$0x1] =	wrdreg $0xFFFFFFFF  }
0xad: {  	s28 =	simm.s32 $_size_execute0_lowered;
	s3 =	sadd.s32 s3, s5;
	[dreg:$0x0] =	wrdreg $0x0  }
0xae: {  	s5 =	sshll.u32 s28, $0x1;
	[dreg:$0x2] =	wrdreg s3  }
0xaf: {  	[dreg:$0x3] =	wrdreg s5  }
0xb0: {  	[dreg:$0x4] =	wrdreg $0xC0  }
0xb1: {  	_ =	task [dreg:s7], $0x5FFFF  }
0xb2: {  	[dreg:$0x1] =	wrdreg $0xFFFFFFFF  }
0xb3: {  	[dreg:$0x0] =	wrdreg $0x60  }
0xb4: {  	[dreg:$0x2] =	wrdreg s16  }
0xb5: {  	[dreg:$0x3] =	wrdreg s24  }
0xb6: {  	[dreg:$0x4] =	wrdreg $0x9  }
0xb7: {  	_ =	task.clear_ibuf [dreg:s7], $0x5FFFF;
	_ =	strace $0x90000046  }
0xb8: {  	s29 =	simm.s32 $0x9;
	_ =	strace $0x80000048  }
0xb9: {  	_ =	swait.ge [sflag:s29], $0x1  }
0xba: {  	[sflag:s29] =	ssyncadd.s32 $0xFFFFFFFF  }
0xbb: {  	_ =	strace $0x90000048  }
0xbc: {  	_ =	sfence  }
0xbd: {  	s30 =	sld [smem:$0x0];
	_ =	sdelay $0x2  }
0xbe: {  	s31 =	sshll.u32 s1, $0xD;
	s1 =	sshrl.u32 s1, $0x2  }
0xbf: {  	s3 =	sand.u32 $0x4000, s31;
	s1 =	sadd.s32 s1, s30  }
0xc0: {  	s0 =	sor.u32 s3, s0;
	s1 =	sshll.u32 s1, $0x11  }
0xc1: {  	s0 =	sor.u32 s1, s0  }
0xc2: {  	s0 =	sadd.s32 $0x8F2B, s0  }
0xc3: {  	[sflag:s0] =	ssyncadd.remote.s32 $0x1  }
0xc4: {  	_ =	sfence.sel $0xFFFF  }
0xc5: {  	[dreg:$0x0] =	wrdreg $0xFFFFFFFF;
	(pc) =	sbr.abs _section_cstart, $3  }
0xc6: {  	[dreg:$0x1] =	wrdreg $0xFFFFFFFF  }
0xc7: {  	_ =	task.clear_ibuf [dreg:s7], $0x2FFFF;
	_ =	strace $0x9FFFFFFF  }
0xc8: {  	(tm) =	ssettm $0x7FFFFFFF  }
0xc9: {  	_ =	shalt  }
tec
execute0_lowered:
.L_overlay_start_1:
0x0: {  	(tag) =	ssettag $0x1  }
0x1: {  	s2 =	rddreg [dreg:$0x0]  }
0x2: {  	s5 =	rddreg [dreg:$0x1]  }
0x3: {  	s0 =	rddreg [dreg:$0x2];
	s4 =	srdreg.scid  }
0x4: {  	s1 =	stileid.u32;
	s3 =	simm.s32 $0x0;
	s12 =	simm.s32 $0x1400  }
0x5: {  	s13 =	simm.s32 $0x3;
	s14 =	simm.s32 $0x2800;
	s15 =	simm.s32 $0x4  }
0x6: {  	s16 =	simm.s32 $0x7800;
	s6 =	sand.u32 $0x1, s4;
	s31 =	sshll.u32 s1, $0x1  }
0x7: {  	s17 =	simm.s32 $0x1;
	s18 =	simm.s32 $0x2;
	s4 =	sor.u32 s6, s31  }
0x8: {  	s19 =	simm.s32 $0x0;
	[smem:$0x7FF] =	sst s3;
	s7 =	smul.u32 $0x1400, s4  }
0x9: {  	s5 =	sadd.s32 $0xD000, s5;
	s6 =	ssub.s32 $0x2, s6;
	s8 =	smul.u32 $0x280, s4  }
.Ltmp0:
0xa: {  	v1 =	vlaneseq.u32;
	v5 =	vimm.s32 $0x0;
	v6 =	vimm.s32 $0x1;
	p0 =	sgt.u32 s1, $0x1;
	s9 =	sshrl.u32 s6, $0x1;
	(pc) =	sbr.rel .LBB2_1-.Ltmp0, $4  }
0xb: {  	v7 =	vimm.s32 $0x2;
	v8 =	vimm.s32 $0x3;
	v9 =	vimm.s32 $0x4;
	_ =	strace $0x80000047;
	s10 =	smul.u32 $0xA00, s4;
	s11 =	ssub.s32 s6, s9  }
0xc: {  	v10 =	vimm.s32 $0x5;
	v11 =	vimm.s32 $0x6;
	v4 =	vshrl.u32 v1, $0x3;
	s7 =	sshrl.u32 s7, $0x3;
	s6 =	sadd.s32 s2, s8;
	s8 =	sor.u32 $0x60, s4  }
0xd: {  	v12 =	vimm.s32 $0x7;
	v0 =	vand.u32 $0x7, v1;
	v1 =	vor.u32 $0x8, v4;
	s10 =	sadd.s32 s10, s5;
	s11 =	smax.u32 s11, $0x1;
	s7 =	sadd.s32 s2, s7  }
0xe: {  	v2 =	vor.u32 $0xA, v4;
	v3 =	vor.u32 $0xC, v4;
	v4 =	vor.u32 $0xE, v4;
	s9 =	sadd.s32 $0x186000, s6;
	s10 =	sadd.s32 $0x618000, s10;
	s7 =	sadd.s32 $0x5000, s7  }
.LBB2_12:
0xf: {  	s19 =	sadd.s32 $0x1, s19  }
0x10: {  	_ =	swait.ge [sflag:s17], $0x5000;
	p1 =	sne.s32 s19, s11  }
.Ltmp1:
0x11: {  	[sflag:s17] =	ssyncset.done $0x0;
	(pc) =	sbr.rel @!p1 .LBB2_13-.Ltmp1, $4  }
0x12: {  	[sflag:s17] =	ssyncadd.s32 $0xFFFFB000  }
0x13: {  	_ =	swait.ge [sflag:s18], $0x5000  }
0x14: {  	[sflag:s18] =	ssyncset.done $0x0  }
0x15: {  	[sflag:s18] =	ssyncadd.s32 $0xFFFFB000  }
.LBB2_1:
0x16: {  	[tilespmem:s3], [sflag:$0x3] =	stream.linear.gather [hbm4b:s6+s3], $0x1400, $0x38;
	[tilespmem:$0xC800] =	vst v63  }
0x17: {  	s20 =	simm.s32 $0x0  }
0x18: {  	[tilespmem:s12], [sflag:$0x4] =	stream.linear.gather [hbm4b:s7+s3], $0x1400, $0x38;
	[tilespmem:$0xC800] =	vst v63  }
.LBB2_2:
0x19: {  	p1 =	seq.s32 s20, $0x0  }
0x1a: {  	s21 =	simm.s32 @!p1 $0x1  }
0x1b: {  	_ =	swait.ge @!p1 [sflag:s21], $0x5000  }
0x1c: {  	[sflag:s21] =	ssyncset.done @!p1 $0x0  }
0x1d: {  	[sflag:s21] =	ssyncadd.s32 @!p1 $0xFFFFB000;
	s21 =	simm.s32 @!p1 $0x2  }
0x1e: {  	_ =	swait.ge @!p1 [sflag:s21], $0x5000  }
0x1f: {  	[sflag:s21] =	ssyncset.done @!p1 $0x0  }
0x20: {  	[sflag:s21] =	ssyncadd.s32 @!p1 $0xFFFFB000  }
0x21: {  	_ =	swait.ge [sflag:s13], $0x1400  }
0x22: {  	[sflag:s13] =	ssyncset.done $0x0  }
0x23: {  	s21 =	simm.s32 $0x0;
	[sflag:s13] =	ssyncadd.s32 $0xFFFFEC00  }
.LBB2_3:
0x24: {  	s22 =	sshll.u32 s21, $0x9  }
0x25: {  	s23 =	sshra.s32 s22, $0x2  }
0x26: {  	v13 =	vld [tilespmem:s23+$0x0]  }
0x27: {  	v14 =	vld [tilespmem:s23+$0x10];
	_ =	sdelay $0x4  }
0x28: {  	v14 =	vperm.xlane v14, v0;
	v15 =	vperm.xlane v13, v1  }
0x29: {  	v16 =	vperm.xlane v13, v2;
	v17 =	vperm.xlane v13, v3  }
0x2a: {  	v18 =	vperm.xlane v13, v5;
	v15 =	vmul.f32 v15, v14  }
0x2b: {  	v19 =	vperm.xlane v13, v4;
	v16 =	vmul.f32 v16, v14  }
0x2c: {  	v17 =	vmul.f32 v17, v14;
	v20 =	vmul.f32 v18, v15  }
0x2d: {  	s22 =	sand.u32 $0x3FFFFE00, s22;
	v14 =	vmul.f32 v19, v14;
	v38 =	vmul.f32 v18, v16  }
0x2e: {  	v21 =	vperm.xlane v13, v6;
	v39 =	vmul.f32 v18, v17;
	[tilespmem:s22+$0x2800] =	vst v20  }
0x2f: {  	v18 =	vmul.f32 v14, v18;
	[tilespmem:s22+$0x2810] =	vst v38  }
0x30: {  	v40 =	vmul.f32 v21, v15;
	[tilespmem:s22+$0x2820] =	vst v39  }
0x31: {  	v41 =	vmul.f32 v21, v16;
	[tilespmem:s22+$0x2830] =	vst v18  }
0x32: {  	v43 =	vperm.xlane v13, v7;
	v42 =	vmul.f32 v21, v17;
	[tilespmem:s22+$0x2840] =	vst v40  }
0x33: {  	v44 =	vmul.f32 v21, v14;
	[tilespmem:s22+$0x2850] =	vst v41  }
0x34: {  	v45 =	vmul.f32 v43, v15;
	[tilespmem:s22+$0x2860] =	vst v42  }
0x35: {  	v46 =	vmul.f32 v43, v16;
	[tilespmem:s22+$0x2870] =	vst v44  }
0x36: {  	v48 =	vperm.xlane v13, v8;
	v47 =	vmul.f32 v43, v17;
	[tilespmem:s22+$0x2C00] =	vst v45  }
0x37: {  	v49 =	vmul.f32 v43, v14;
	[tilespmem:s22+$0x2C10] =	vst v46  }
0x38: {  	v50 =	vmul.f32 v48, v15;
	[tilespmem:s22+$0x2C20] =	vst v47  }
0x39: {  	v51 =	vmul.f32 v48, v16;
	[tilespmem:s22+$0x2C30] =	vst v49  }
0x3a: {  	v53 =	vperm.xlane v13, v9;
	v52 =	vmul.f32 v48, v17;
	[tilespmem:s22+$0x2C40] =	vst v50  }
0x3b: {  	v54 =	vmul.f32 v48, v14;
	[tilespmem:s22+$0x2C50] =	vst v51  }
0x3c: {  	v55 =	vmul.f32 v53, v15;
	[tilespmem:s22+$0x2C60] =	vst v52  }
0x3d: {  	v56 =	vmul.f32 v53, v16;
	[tilespmem:s22+$0x2C70] =	vst v54  }
0x3e: {  	v58 =	vperm.xlane v13, v10;
	v57 =	vmul.f32 v53, v17;
	[tilespmem:s22+$0x3000] =	vst v55  }
0x3f: {  	v59 =	vmul.f32 v53, v14;
	[tilespmem:s22+$0x3010] =	vst v56  }
0x40: {  	v23 =	vld [tilespmem:s23+$0x90];
	v60 =	vmul.f32 v58, v15;
	[tilespmem:s22+$0x3020] =	vst v57  }
0x41: {  	v22 =	vld [tilespmem:s23+$0x80];
	v61 =	vmul.f32 v58, v16;
	[tilespmem:s22+$0x3030] =	vst v59  }
0x42: {  	v62 =	vperm.xlane v13, v11;
	v63 =	vmul.f32 v58, v17;
	[tilespmem:s22+$0x3040] =	vst v60  }
0x43: {  	v24 =	vmul.f32 v58, v14;
	[tilespmem:s22+$0x3050] =	vst v61  }
0x44: {  	v13 =	vperm.xlane v13, v12;
	v25 =	vmul.f32 v62, v15;
	[tilespmem:s22+$0x3060] =	vst v63  }
0x45: {  	v28 =	vperm.xlane v23, v0;
	v26 =	vmul.f32 v62, v16;
	[tilespmem:s22+$0x3070] =	vst v24  }
0x46: {  	v29 =	vperm.xlane v22, v1;
	v27 =	vmul.f32 v62, v17;
	[tilespmem:s22+$0x3400] =	vst v25  }
0x47: {  	v30 =	vperm.xlane v22, v2;
	v15 =	vmul.f32 v13, v15;
	[tilespmem:s22+$0x3410] =	vst v26  }
0x48: {  	v31 =	vperm.xlane v22, v5;
	v16 =	vmul.f32 v13, v16;
	[tilespmem:s22+$0x3420] =	vst v27  }
0x49: {  	v32 =	vmul.f32 v30, v28;
	v17 =	vmul.f32 v13, v17;
	[tilespmem:s22+$0x3440] =	vst v15  }
0x4a: {  	v33 =	vperm.xlane v22, v4;
	v13 =	vmul.f32 v13, v14;
	[tilespmem:s22+$0x3450] =	vst v16  }
0x4b: {  	v37 =	vperm.xlane v22, v6;
	v35 =	vmul.f32 v31, v32;
	[tilespmem:s22+$0x3460] =	vst v17  }
0x4c: {  	v20 =	vmul.f32 v62, v14;
	v14 =	vmul.f32 v29, v28;
	[tilespmem:s22+$0x3470] =	vst v13  }
0x4d: {  	v13 =	vmul.f32 v33, v28;
	[tilespmem:s22+$0x2890] =	vst v35;
	v40 =	vmul.f32 v37, v32  }
0x4e: {  	[tilespmem:s22+$0x3430] =	vst v20;
	v34 =	vmul.f32 v31, v14  }
0x4f: {  	v38 =	vmul.f32 v13, v31;
	[tilespmem:s22+$0x28D0] =	vst v40  }
0x50: {  	v42 =	vperm.xlane v22, v7;
	v39 =	vmul.f32 v37, v14;
	[tilespmem:s22+$0x2880] =	vst v34  }
0x51: {  	v43 =	vmul.f32 v37, v13;
	[tilespmem:s22+$0x28B0] =	vst v38  }
0x52: {  	v44 =	vmul.f32 v42, v14;
	[tilespmem:s22+$0x28C0] =	vst v39  }
0x53: {  	v47 =	vperm.xlane v22, v8;
	v45 =	vmul.f32 v42, v32;
	[tilespmem:s22+$0x28F0] =	vst v43  }
0x54: {  	v48 =	vmul.f32 v42, v13;
	[tilespmem:s22+$0x2C80] =	vst v44  }
0x55: {  	v49 =	vmul.f32 v47, v14;
	[tilespmem:s22+$0x2C90] =	vst v45  }
0x56: {  	v52 =	vperm.xlane v22, v9;
	v50 =	vmul.f32 v47, v32;
	[tilespmem:s22+$0x2CB0] =	vst v48  }
0x57: {  	v53 =	vmul.f32 v47, v13;
	[tilespmem:s22+$0x2CC0] =	vst v49  }
0x58: {  	v54 =	vmul.f32 v52, v14;
	[tilespmem:s22+$0x2CD0] =	vst v50  }
0x59: {  	v57 =	vperm.xlane v22, v10;
	v55 =	vmul.f32 v52, v32;
	[tilespmem:s22+$0x2CF0] =	vst v53  }
0x5a: {  	v58 =	vmul.f32 v52, v13;
	[tilespmem:s22+$0x3080] =	vst v54  }
0x5b: {  	v59 =	vmul.f32 v57, v14;
	[tilespmem:s22+$0x3090] =	vst v55  }
0x5c: {  	v61 =	vperm.xlane v22, v11;
	v60 =	vmul.f32 v57, v32;
	[tilespmem:s22+$0x30B0] =	vst v58  }
0x5d: {  	v25 =	vmul.f32 v57, v13;
	[tilespmem:s22+$0x30C0] =	vst v59  }
0x5e: {  	v15 =	vperm.xlane v22, v3;
	v26 =	vmul.f32 v61, v14;
	[tilespmem:s22+$0x30D0] =	vst v60  }
0x5f: {  	v22 =	vperm.xlane v22, v12;
	v27 =	vmul.f32 v61, v32;
	[tilespmem:s22+$0x30F0] =	vst v25  }
0x60: {  	v20 =	vmul.f32 v61, v13;
	[tilespmem:s22+$0x3480] =	vst v26  }
0x61: {  	v14 =	vmul.f32 v22, v14;
	[tilespmem:s22+$0x3490] =	vst v27  }
0x62: {  	v62 =	vld [tilespmem:s23+$0x100];
	v15 =	vmul.f32 v15, v28;
	v16 =	vmul.f32 v22, v32;
	[tilespmem:s22+$0x34B0] =	vst v20  }
0x63: {  	v24 =	vld [tilespmem:s23+$0x110];
	v13 =	vmul.f32 v22, v13;
	[tilespmem:s22+$0x34C0] =	vst v14  }
0x64: {  	v36 =	vmul.f32 v31, v15;
	v41 =	vmul.f32 v37, v15;
	[tilespmem:s22+$0x34D0] =	vst v16  }
0x65: {  	v46 =	vmul.f32 v42, v15;
	v51 =	vmul.f32 v47, v15;
	[tilespmem:s22+$0x34F0] =	vst v13  }
0x66: {  	v56 =	vmul.f32 v52, v15;
	v63 =	vmul.f32 v57, v15;
	[tilespmem:s22+$0x28A0] =	vst v36  }
0x67: {  	v28 =	vmul.f32 v61, v15;
	v15 =	vmul.f32 v22, v15;
	[tilespmem:s22+$0x28E0] =	vst v41  }
0x68: {  	v29 =	vperm.xlane v24, v0;
	v30 =	vperm.xlane v62, v1;
	[tilespmem:s22+$0x2CA0] =	vst v46  }
0x69: {  	v32 =	vperm.xlane v62, v2;
	v33 =	vperm.xlane v62, v5;
	[tilespmem:s22+$0x2CE0] =	vst v51  }
0x6a: {  	v35 =	vperm.xlane v62, v4;
	[tilespmem:s22+$0x30A0] =	vst v56;
	v31 =	vmul.f32 v30, v29  }
0x6b: {  	v14 =	vperm.xlane v62, v3;
	[tilespmem:s22+$0x30E0] =	vst v63;
	v34 =	vmul.f32 v32, v29  }
0x6c: {  	[tilespmem:s22+$0x34E0] =	vst v15;
	v13 =	vmul.f32 v35, v29;
	v15 =	vmul.f32 v33, v31  }
0x6d: {  	v37 =	vperm.xlane v62, v6;
	[tilespmem:s22+$0x34A0] =	vst v28;
	v36 =	vmul.f32 v33, v34  }
0x6e: {  	v14 =	vmul.f32 v14, v29;
	v38 =	vmul.f32 v13, v33;
	[tilespmem:s22+$0x2900] =	vst v15  }
0x6f: {  	v39 =	vmul.f32 v37, v34;
	[tilespmem:s22+$0x2910] =	vst v36  }
0x70: {  	v15 =	vmul.f32 v33, v14;
	[tilespmem:s22+$0x2930] =	vst v38  }
0x71: {  	v40 =	vperm.xlane v62, v7;
	v41 =	vmul.f32 v37, v13;
	[tilespmem:s22+$0x2950] =	vst v39  }
0x72: {  	[tilespmem:s22+$0x2920] =	vst v15;
	v15 =	vmul.f32 v37, v31  }
0x73: {  	v42 =	vmul.f32 v40, v34;
	[tilespmem:s22+$0x2970] =	vst v41  }
0x74: {  	[tilespmem:s22+$0x2940] =	vst v15;
	v15 =	vmul.f32 v37, v14  }
0x75: {  	v43 =	vperm.xlane v62, v8;
	v44 =	vmul.f32 v40, v13;
	[tilespmem:s22+$0x2D10] =	vst v42  }
0x76: {  	[tilespmem:s22+$0x2960] =	vst v15;
	v15 =	vmul.f32 v40, v31  }
0x77: {  	v45 =	vmul.f32 v43, v34;
	[tilespmem:s22+$0x2D30] =	vst v44  }
0x78: {  	[tilespmem:s22+$0x2D00] =	vst v15;
	v15 =	vmul.f32 v40, v14  }
0x79: {  	v46 =	vperm.xlane v62, v9;
	v47 =	vmul.f32 v43, v13;
	[tilespmem:s22+$0x2D50] =	vst v45  }
0x7a: {  	[tilespmem:s22+$0x2D20] =	vst v15;
	v15 =	vmul.f32 v43, v31  }
0x7b: {  	v48 =	vmul.f32 v46, v34;
	[tilespmem:s22+$0x2D70] =	vst v47  }
0x7c: {  	[tilespmem:s22+$0x2D40] =	vst v15;
	v15 =	vmul.f32 v43, v14  }
0x7d: {  	v49 =	vperm.xlane v62, v10;
	v50 =	vmul.f32 v46, v13;
	[tilespmem:s22+$0x3110] =	vst v48  }
0x7e: {  	[tilespmem:s22+$0x2D60] =	vst v15;
	v15 =	vmul.f32 v46, v31  }
0x7f: {  	v51 =	vmul.f32 v49, v34;
	[tilespmem:s22+$0x3130] =	vst v50  }
0x80: {  	[tilespmem:s22+$0x3100] =	vst v15;
	v15 =	vmul.f32 v46, v14  }
0x81: {  	v53 =	vld [tilespmem:s23+$0x180];
	v52 =	vperm.xlane v62, v11;
	v55 =	vmul.f32 v49, v13;
	[tilespmem:s22+$0x3150] =	vst v51  }
0x82: {  	v21 =	vperm.xlane v62, v12;
	[tilespmem:s22+$0x3120] =	vst v15;
	v15 =	vmul.f32 v49, v31  }
0x83: {  	v54 =	vld [tilespmem:s23+$0x190];
	v56 =	vmul.f32 v52, v31;
	v57 =	vmul.f32 v52, v14;
	[tilespmem:s22+$0x3170] =	vst v55  }
0x84: {  	v20 =	vmul.f32 v52, v13;
	[tilespmem:s22+$0x3140] =	vst v15;
	v15 =	vmul.f32 v49, v14  }
0x85: {  	v18 =	vmul.f32 v21, v31;
	v16 =	vmul.f32 v21, v34;
	[tilespmem:s22+$0x3500] =	vst v56  }
0x86: {  	v58 =	vperm.xlane v53, v1;
	[tilespmem:s22+$0x3160] =	vst v15;
	v15 =	vmul.f32 v52, v34  }
0x87: {  	v13 =	vmul.f32 v21, v13;
	v60 =	vperm.xlane v53, v2;
	[tilespmem:s22+$0x3520] =	vst v57  }
0x88: {  	v61 =	vperm.xlane v53, v3;
	[tilespmem:s22+$0x3510] =	vst v15;
	v15 =	vperm.xlane v54, v0  }
0x89: {  	v62 =	vperm.xlane v53, v5;
	v24 =	vperm.xlane v53, v4;
	[tilespmem:s22+$0x3530] =	vst v20  }
0x8a: {  	[tilespmem:s22+$0x3540] =	vst v18;
	v14 =	vmul.f32 v21, v14;
	v59 =	vmul.f32 v58, v15  }
0x8b: {  	v27 =	vperm.xlane v53, v6;
	[tilespmem:s22+$0x3550] =	vst v16;
	v63 =	vmul.f32 v60, v15  }
0x8c: {  	[tilespmem:s22+$0x3560] =	vst v14;
	v14 =	vmul.f32 v61, v15;
	v25 =	vmul.f32 v62, v59  }
0x8d: {  	[tilespmem:s22+$0x3570] =	vst v13;
	v13 =	vmul.f32 v24, v15;
	v15 =	vmul.f32 v62, v63  }
0x8e: {  	v26 =	vmul.f32 v62, v14;
	[tilespmem:s22+$0x2980] =	vst v25  }
0x8f: {  	v30 =	vperm.xlane v53, v7;
	v28 =	vmul.f32 v27, v59;
	[tilespmem:s22+$0x2990] =	vst v15  }
0x90: {  	v29 =	vmul.f32 v27, v14;
	[tilespmem:s22+$0x29A0] =	vst v26  }
0x91: {  	v33 =	vperm.xlane v53, v8;
	v31 =	vmul.f32 v30, v59;
	[tilespmem:s22+$0x29C0] =	vst v28  }
0x92: {  	v32 =	vmul.f32 v30, v14;
	[tilespmem:s22+$0x29E0] =	vst v29  }
0x93: {  	v36 =	vperm.xlane v53, v9;
	v34 =	vmul.f32 v33, v59;
	[tilespmem:s22+$0x2D80] =	vst v31  }
0x94: {  	v35 =	vmul.f32 v33, v14;
	[tilespmem:s22+$0x2DA0] =	vst v32  }
0x95: {  	v39 =	vperm.xlane v53, v10;
	v37 =	vmul.f32 v36, v59;
	[tilespmem:s22+$0x2DC0] =	vst v34  }
0x96: {  	v38 =	vmul.f32 v36, v14;
	[tilespmem:s22+$0x2DE0] =	vst v35  }
0x97: {  	v41 =	vperm.xlane v53, v11;
	v40 =	vmul.f32 v39, v59;
	[tilespmem:s22+$0x3180] =	vst v37  }
0x98: {  	v43 =	vld [tilespmem:s23+$0x210];
	v42 =	vmul.f32 v39, v14;
	[tilespmem:s22+$0x31A0] =	vst v38  }
0x99: {  	v21 =	vld [tilespmem:s23+$0x200];
	v44 =	vmul.f32 v41, v59;
	[tilespmem:s22+$0x31C0] =	vst v40  }
0x9a: {  	v45 =	vmul.f32 v41, v63;
	[tilespmem:s22+$0x31E0] =	vst v42  }
0x9b: {  	v15 =	vmul.f32 v13, v62;
	[tilespmem:s22+$0x3580] =	vst v44  }
0x9c: {  	v22 =	vperm.xlane v53, v12;
	v20 =	vmul.f32 v41, v13;
	[tilespmem:s22+$0x3590] =	vst v45  }
0x9d: {  	v46 =	vperm.xlane v43, v0;
	[tilespmem:s22+$0x29B0] =	vst v15;
	v15 =	vmul.f32 v27, v63  }
0x9e: {  	v48 =	vperm.xlane v21, v2;
	v17 =	vmul.f32 v22, v59;
	[tilespmem:s22+$0x35B0] =	vst v20  }
0x9f: {  	v50 =	vperm.xlane v21, v5;
	[tilespmem:s22+$0x29D0] =	vst v15;
	v15 =	vmul.f32 v27, v13  }
0xa0: {  	v51 =	vmul.f32 v48, v46;
	v16 =	vmul.f32 v22, v63;
	[tilespmem:s22+$0x35C0] =	vst v17  }
0xa1: {  	v47 =	vperm.xlane v21, v1;
	[tilespmem:s22+$0x29F0] =	vst v15;
	v15 =	vmul.f32 v30, v63  }
0xa2: {  	v56 =	vperm.xlane v21, v6;
	v54 =	vmul.f32 v50, v51;
	[tilespmem:s22+$0x35D0] =	vst v16  }
0xa3: {  	v49 =	vperm.xlane v21, v3;
	[tilespmem:s22+$0x2D90] =	vst v15;
	v15 =	vmul.f32 v30, v13  }
0xa4: {  	v59 =	vmul.f32 v56, v51;
	v29 =	vperm.xlane v21, v9;
	[tilespmem:s22+$0x2A10] =	vst v54  }
0xa5: {  	v52 =	vperm.xlane v21, v4;
	[tilespmem:s22+$0x2DB0] =	vst v15;
	v15 =	vmul.f32 v33, v63  }
0xa6: {  	v34 =	vperm.xlane v21, v10;
	[tilespmem:s22+$0x2A50] =	vst v59;
	v32 =	vmul.f32 v29, v51  }
0xa7: {  	v61 =	vperm.xlane v21, v7;
	[tilespmem:s22+$0x2DD0] =	vst v15;
	v15 =	vmul.f32 v33, v13  }
0xa8: {  	v38 =	vperm.xlane v21, v11;
	v37 =	vmul.f32 v34, v51;
	[tilespmem:s22+$0x3210] =	vst v32  }
0xa9: {  	v24 =	vperm.xlane v21, v8;
	[tilespmem:s22+$0x2DF0] =	vst v15;
	v15 =	vmul.f32 v36, v63  }
0xaa: {  	v21 =	vperm.xlane v21, v12;
	v44 =	vmul.f32 v38, v51;
	[tilespmem:s22+$0x3250] =	vst v37  }
0xab: {  	[tilespmem:s22+$0x3190] =	vst v15;
	v15 =	vmul.f32 v36, v13  }
0xac: {  	v16 =	vmul.f32 v21, v51;
	[tilespmem:s22+$0x3610] =	vst v44  }
0xad: {  	[tilespmem:s22+$0x31B0] =	vst v15;
	v15 =	vmul.f32 v39, v63  }
0xae: {  	v27 =	vmul.f32 v24, v51;
	[tilespmem:s22+$0x3650] =	vst v16  }
0xaf: {  	[tilespmem:s22+$0x31D0] =	vst v15;
	v15 =	vmul.f32 v39, v13  }
0xb0: {  	[tilespmem:s22+$0x2E50] =	vst v27;
	v13 =	vmul.f32 v22, v13  }
0xb1: {  	[tilespmem:s22+$0x31F0] =	vst v15;
	v15 =	vmul.f32 v41, v14  }
0xb2: {  	v14 =	vmul.f32 v22, v14;
	[tilespmem:s22+$0x35F0] =	vst v13;
	v13 =	vmul.f32 v52, v46  }
0xb3: {  	v22 =	vmul.f32 v61, v51;
	[tilespmem:s22+$0x35A0] =	vst v15  }
0xb4: {  	[tilespmem:s22+$0x35E0] =	vst v14;
	v57 =	vmul.f32 v13, v50  }
0xb5: {  	v62 =	vmul.f32 v56, v13;
	[tilespmem:s22+$0x2E10] =	vst v22  }
0xb6: {  	v25 =	vmul.f32 v61, v13;
	[tilespmem:s22+$0x2A30] =	vst v57  }
0xb7: {  	v30 =	vmul.f32 v24, v13;
	[tilespmem:s22+$0x2A70] =	vst v62  }
0xb8: {  	v35 =	vmul.f32 v29, v13;
	[tilespmem:s22+$0x2E30] =	vst v25  }
0xb9: {  	v42 =	vmul.f32 v34, v13;
	[tilespmem:s22+$0x2E70] =	vst v30  }
0xba: {  	v15 =	vmul.f32 v47, v46;
	v20 =	vmul.f32 v38, v13;
	[tilespmem:s22+$0x3230] =	vst v35  }
0xbb: {  	v14 =	vmul.f32 v49, v46;
	v13 =	vmul.f32 v21, v13;
	[tilespmem:s22+$0x3270] =	vst v42  }
0xbc: {  	v53 =	vmul.f32 v50, v15;
	[tilespmem:s22+$0x3630] =	vst v20  }
0xbd: {  	v55 =	vmul.f32 v50, v14;
	[tilespmem:s22+$0x3670] =	vst v13  }
0xbe: {  	v39 =	vld [tilespmem:s23+$0x280];
	v58 =	vmul.f32 v56, v15;
	[tilespmem:s22+$0x2A00] =	vst v53  }
0xbf: {  	v60 =	vmul.f32 v56, v14;
	[tilespmem:s22+$0x2A20] =	vst v55  }
0xc0: {  	v63 =	vmul.f32 v61, v15;
	[tilespmem:s22+$0x2A40] =	vst v58  }
0xc1: {  	v23 =	vmul.f32 v61, v14;
	[tilespmem:s22+$0x2A60] =	vst v60  }
0xc2: {  	v26 =	vmul.f32 v24, v15;
	[tilespmem:s22+$0x2E00] =	vst v63  }
0xc3: {  	v41 =	vld [tilespmem:s23+$0x290];
	v47 =	vperm.xlane v39, v1;
	v28 =	vmul.f32 v24, v14;
	[tilespmem:s22+$0x2E20] =	vst v23  }
0xc4: {  	v49 =	vperm.xlane v39, v2;
	v31 =	vmul.f32 v29, v15;
	[tilespmem:s22+$0x2E40] =	vst v26  }
0xc5: {  	v52 =	vperm.xlane v39, v4;
	v33 =	vmul.f32 v29, v14;
	[tilespmem:s22+$0x2E60] =	vst v28  }
0xc6: {  	v36 =	vmul.f32 v34, v15;
	v40 =	vmul.f32 v34, v14;
	[tilespmem:s22+$0x3200] =	vst v31  }
0xc7: {  	v43 =	vmul.f32 v38, v15;
	v45 =	vmul.f32 v38, v14;
	[tilespmem:s22+$0x3220] =	vst v33  }
0xc8: {  	v15 =	vmul.f32 v21, v15;
	v46 =	vperm.xlane v41, v0;
	[tilespmem:s22+$0x3240] =	vst v36  }
0xc9: {  	v14 =	vmul.f32 v21, v14;
	v50 =	vperm.xlane v39, v5;
	[tilespmem:s22+$0x3260] =	vst v40  }
0xca: {  	[tilespmem:s22+$0x3640] =	vst v15;
	v15 =	vperm.xlane v39, v3;
	v48 =	vmul.f32 v47, v46  }
0xcb: {  	[tilespmem:s22+$0x3600] =	vst v43;
	v51 =	vmul.f32 v49, v46;
	v13 =	vmul.f32 v52, v46  }
0xcc: {  	[tilespmem:s22+$0x3660] =	vst v14;
	v14 =	vmul.f32 v15, v46;
	v15 =	vmul.f32 v50, v48  }
0xcd: {  	v54 =	vperm.xlane v39, v6;
	[tilespmem:s22+$0x3620] =	vst v45;
	v53 =	vmul.f32 v50, v51  }
0xce: {  	v55 =	vmul.f32 v13, v50;
	[tilespmem:s22+$0x2A80] =	vst v15  }
0xcf: {  	v56 =	vmul.f32 v54, v51;
	[tilespmem:s22+$0x2A90] =	vst v53  }
0xd0: {  	v15 =	vmul.f32 v50, v14;
	[tilespmem:s22+$0x2AB0] =	vst v55  }
0xd1: {  	v57 =	vperm.xlane v39, v7;
	v58 =	vmul.f32 v54, v13;
	[tilespmem:s22+$0x2AD0] =	vst v56  }
0xd2: {  	[tilespmem:s22+$0x2AA0] =	vst v15;
	v15 =	vmul.f32 v54, v48  }
0xd3: {  	v59 =	vmul.f32 v57, v51;
	[tilespmem:s22+$0x2AF0] =	vst v58  }
0xd4: {  	[tilespmem:s22+$0x2AC0] =	vst v15;
	v15 =	vmul.f32 v54, v14  }
0xd5: {  	v60 =	vperm.xlane v39, v8;
	v61 =	vmul.f32 v57, v13;
	[tilespmem:s22+$0x2E90] =	vst v59  }
0xd6: {  	[tilespmem:s22+$0x2AE0] =	vst v15;
	v15 =	vmul.f32 v57, v48  }
0xd7: {  	v62 =	vmul.f32 v60, v51;
	[tilespmem:s22+$0x2EB0] =	vst v61  }
0xd8: {  	[tilespmem:s22+$0x2E80] =	vst v15;
	v15 =	vmul.f32 v57, v14  }
0xd9: {  	v63 =	vperm.xlane v39, v9;
	v24 =	vmul.f32 v60, v13;
	[tilespmem:s22+$0x2ED0] =	vst v62  }
0xda: {  	[tilespmem:s22+$0x2EA0] =	vst v15;
	v15 =	vmul.f32 v60, v48  }
0xdb: {  	v25 =	vmul.f32 v63, v51;
	[tilespmem:s22+$0x2EF0] =	vst v24  }
0xdc: {  	[tilespmem:s22+$0x2EC0] =	vst v15;
	v15 =	vmul.f32 v60, v14  }
0xdd: {  	v26 =	vperm.xlane v39, v10;
	v27 =	vmul.f32 v63, v13;
	[tilespmem:s22+$0x3290] =	vst v25  }
0xde: {  	[tilespmem:s22+$0x2EE0] =	vst v15;
	v15 =	vmul.f32 v63, v48  }
0xdf: {  	v28 =	vmul.f32 v26, v51;
	[tilespmem:s22+$0x32B0] =	vst v27  }
0xe0: {  	v30 =	vld [tilespmem:s23+$0x300];
	[tilespmem:s22+$0x3280] =	vst v15;
	v15 =	vmul.f32 v63, v14  }
0xe1: {  	v29 =	vperm.xlane v39, v11;
	v32 =	vmul.f32 v26, v13;
	[tilespmem:s22+$0x32D0] =	vst v28  }
0xe2: {  	v22 =	vperm.xlane v39, v12;
	[tilespmem:s22+$0x32A0] =	vst v15;
	v15 =	vmul.f32 v26, v48  }
0xe3: {  	v31 =	vld [tilespmem:s23+$0x310];
	v33 =	vmul.f32 v29, v48;
	v20 =	vmul.f32 v29, v13;
	[tilespmem:s22+$0x32F0] =	vst v32  }
0xe4: {  	v18 =	vmul.f32 v22, v48;
	[tilespmem:s22+$0x32C0] =	vst v15;
	v15 =	vmul.f32 v26, v14  }
0xe5: {  	v16 =	vmul.f32 v22, v51;
	v35 =	vperm.xlane v30, v1;
	[tilespmem:s22+$0x3680] =	vst v33  }
0xe6: {  	v13 =	vmul.f32 v22, v13;
	[tilespmem:s22+$0x32E0] =	vst v15;
	v15 =	vmul.f32 v29, v51  }
0xe7: {  	v37 =	vperm.xlane v30, v2;
	v38 =	vperm.xlane v30, v3;
	[tilespmem:s22+$0x36B0] =	vst v20  }
0xe8: {  	v39 =	vperm.xlane v30, v5;
	[tilespmem:s22+$0x3690] =	vst v15;
	v15 =	vperm.xlane v31, v0  }
0xe9: {  	v41 =	vperm.xlane v30, v4;
	v34 =	vmul.f32 v29, v14;
	[tilespmem:s22+$0x36C0] =	vst v18  }
0xea: {  	[tilespmem:s22+$0x36D0] =	vst v16;
	v14 =	vmul.f32 v22, v14;
	v36 =	vmul.f32 v35, v15  }
0xeb: {  	v44 =	vperm.xlane v30, v6;
	[tilespmem:s22+$0x36F0] =	vst v13;
	v40 =	vmul.f32 v37, v15  }
0xec: {  	[tilespmem:s22+$0x36E0] =	vst v14;
	v14 =	vmul.f32 v38, v15;
	v42 =	vmul.f32 v39, v36  }
0xed: {  	[tilespmem:s22+$0x36A0] =	vst v34;
	v13 =	vmul.f32 v41, v15;
	v15 =	vmul.f32 v39, v40  }
0xee: {  	v43 =	vmul.f32 v39, v14;
	[tilespmem:s22+$0x2B00] =	vst v42  }
0xef: {  	v47 =	vperm.xlane v30, v7;
	v45 =	vmul.f32 v44, v36;
	[tilespmem:s22+$0x2B10] =	vst v15  }
0xf0: {  	v46 =	vmul.f32 v44, v14;
	[tilespmem:s22+$0x2B20] =	vst v43  }
0xf1: {  	v50 =	vperm.xlane v30, v8;
	v48 =	vmul.f32 v47, v36;
	[tilespmem:s22+$0x2B40] =	vst v45  }
0xf2: {  	v49 =	vmul.f32 v47, v14;
	[tilespmem:s22+$0x2B60] =	vst v46  }
0xf3: {  	v53 =	vperm.xlane v30, v9;
	v51 =	vmul.f32 v50, v36;
	[tilespmem:s22+$0x2F00] =	vst v48  }
0xf4: {  	v52 =	vmul.f32 v50, v14;
	[tilespmem:s22+$0x2F20] =	vst v49  }
0xf5: {  	v56 =	vperm.xlane v30, v10;
	v54 =	vmul.f32 v53, v36;
	[tilespmem:s22+$0x2F40] =	vst v51  }
0xf6: {  	v55 =	vmul.f32 v53, v14;
	[tilespmem:s22+$0x2F60] =	vst v52  }
0xf7: {  	v58 =	vperm.xlane v30, v11;
	v57 =	vmul.f32 v56, v36;
	[tilespmem:s22+$0x3300] =	vst v54  }
0xf8: {  	v60 =	vld [tilespmem:s23+$0x390];
	v59 =	vmul.f32 v56, v14;
	[tilespmem:s22+$0x3320] =	vst v55  }
0xf9: {  	v22 =	vld [tilespmem:s23+$0x380];
	v61 =	vmul.f32 v58, v36;
	[tilespmem:s22+$0x3340] =	vst v57  }
0xfa: {  	v62 =	vmul.f32 v58, v40;
	[tilespmem:s22+$0x3360] =	vst v59  }
0xfb: {  	v15 =	vmul.f32 v13, v39;
	[tilespmem:s22+$0x3700] =	vst v61  }
0xfc: {  	v21 =	vperm.xlane v30, v12;
	v20 =	vmul.f32 v58, v13;
	[tilespmem:s22+$0x3710] =	vst v62  }
0xfd: {  	v63 =	vperm.xlane v60, v0;
	[tilespmem:s22+$0x2B30] =	vst v15;
	v15 =	vmul.f32 v44, v40  }
0xfe: {  	v24 =	vperm.xlane v22, v2;
	v17 =	vmul.f32 v21, v36;
	[tilespmem:s22+$0x3730] =	vst v20  }
0xff: {  	v26 =	vperm.xlane v22, v5;
	[tilespmem:s22+$0x2B50] =	vst v15;
	v15 =	vmul.f32 v44, v13  }
0x100: {  	v27 =	vmul.f32 v24, v63;
	v16 =	vmul.f32 v21, v40;
	[tilespmem:s22+$0x3740] =	vst v17  }
0x101: {  	[tilespmem:s22+$0x2B70] =	vst v15;
	v15 =	vmul.f32 v47, v40  }
0x102: {  	v32 =	vperm.xlane v22, v6;
	v30 =	vmul.f32 v26, v27;
	[tilespmem:s22+$0x3750] =	vst v16  }
0x103: {  	[tilespmem:s22+$0x2F10] =	vst v15;
	v15 =	vmul.f32 v47, v13  }
0x104: {  	v35 =	vmul.f32 v32, v27;
	v42 =	vperm.xlane v22, v8;
	[tilespmem:s22+$0x2B90] =	vst v30  }
0x105: {  	[tilespmem:s22+$0x2F30] =	vst v15;
	v15 =	vmul.f32 v50, v40  }
0x106: {  	v52 =	vperm.xlane v22, v10;
	[tilespmem:s22+$0x2BD0] =	vst v35;
	v45 =	vmul.f32 v42, v27  }
0x107: {  	[tilespmem:s22+$0x2F50] =	vst v15;
	v15 =	vmul.f32 v50, v13  }
0x108: {  	v57 =	vperm.xlane v22, v11;
	v55 =	vmul.f32 v52, v27;
	[tilespmem:s22+$0x2FD0] =	vst v45  }
0x109: {  	[tilespmem:s22+$0x2F70] =	vst v15;
	v15 =	vmul.f32 v53, v40  }
0x10a: {  	v62 =	vperm.xlane v22, v12;
	v60 =	vmul.f32 v57, v27;
	[tilespmem:s22+$0x33D0] =	vst v55  }
0x10b: {  	[tilespmem:s22+$0x3310] =	vst v15;
	v15 =	vmul.f32 v53, v13  }
0x10c: {  	v16 =	vmul.f32 v62, v27;
	[tilespmem:s22+$0x3790] =	vst v60;
	v47 =	vperm.xlane v22, v9  }
0x10d: {  	[tilespmem:s22+$0x3330] =	vst v15;
	v15 =	vmul.f32 v56, v40  }
0x10e: {  	[tilespmem:s22+$0x37D0] =	vst v16;
	v50 =	vmul.f32 v47, v27  }
0x10f: {  	v37 =	vperm.xlane v22, v7;
	[tilespmem:s22+$0x3350] =	vst v15;
	v15 =	vmul.f32 v56, v13  }
0x110: {  	v28 =	vperm.xlane v22, v4;
	[tilespmem:s22+$0x3390] =	vst v50;
	v13 =	vmul.f32 v21, v13  }
0x111: {  	v40 =	vmul.f32 v37, v27;
	[tilespmem:s22+$0x3370] =	vst v15  }
0x112: {  	v15 =	vmul.f32 v58, v14;
	[tilespmem:s22+$0x3770] =	vst v13;
	v13 =	vmul.f32 v28, v63  }
0x113: {  	[tilespmem:s22+$0x2F90] =	vst v40;
	v14 =	vmul.f32 v21, v14  }
0x114: {  	[tilespmem:s22+$0x3720] =	vst v15;
	v33 =	vmul.f32 v13, v26  }
0x115: {  	[tilespmem:s22+$0x3760] =	vst v14;
	v38 =	vmul.f32 v32, v13  }
0x116: {  	v43 =	vmul.f32 v37, v13;
	[tilespmem:s22+$0x2BB0] =	vst v33  }
0x117: {  	v23 =	vperm.xlane v22, v1;
	v48 =	vmul.f32 v42, v13;
	[tilespmem:s22+$0x2BF0] =	vst v38  }
0x118: {  	v25 =	vperm.xlane v22, v3;
	v53 =	vmul.f32 v47, v13;
	[tilespmem:s22+$0x2FB0] =	vst v43  }
0x119: {  	v15 =	vmul.f32 v23, v63;
	v58 =	vmul.f32 v52, v13;
	[tilespmem:s22+$0x2FF0] =	vst v48  }
0x11a: {  	v14 =	vmul.f32 v25, v63;
	v63 =	vmul.f32 v57, v13;
	[tilespmem:s22+$0x33B0] =	vst v53  }
0x11b: {  	v13 =	vmul.f32 v62, v13;
	[tilespmem:s22+$0x33F0] =	vst v58  }
0x11c: {  	v29 =	vmul.f32 v26, v15;
	[tilespmem:s22+$0x37B0] =	vst v63  }
0x11d: {  	v31 =	vmul.f32 v26, v14;
	[tilespmem:s22+$0x37F0] =	vst v13  }
0x11e: {  	v34 =	vmul.f32 v32, v15;
	[tilespmem:s22+$0x2B80] =	vst v29  }
0x11f: {  	v36 =	vmul.f32 v32, v14;
	[tilespmem:s22+$0x2BA0] =	vst v31  }
0x120: {  	v39 =	vmul.f32 v37, v15;
	[tilespmem:s22+$0x2BC0] =	vst v34  }
0x121: {  	v41 =	vmul.f32 v37, v14;
	[tilespmem:s22+$0x2BE0] =	vst v36  }
0x122: {  	v44 =	vmul.f32 v42, v15;
	[tilespmem:s22+$0x2F80] =	vst v39  }
0x123: {  	v46 =	vmul.f32 v42, v14;
	[tilespmem:s22+$0x2FA0] =	vst v41  }
0x124: {  	v49 =	vmul.f32 v47, v15;
	[tilespmem:s22+$0x2FC0] =	vst v44  }
0x125: {  	v51 =	vmul.f32 v47, v14;
	[tilespmem:s22+$0x2FE0] =	vst v46  }
0x126: {  	v54 =	vmul.f32 v52, v15;
	[tilespmem:s22+$0x3380] =	vst v49  }
0x127: {  	v56 =	vmul.f32 v52, v14;
	[tilespmem:s22+$0x33A0] =	vst v51  }
0x128: {  	p1 =	slt.u32 s21, $0x20;
	v59 =	vmul.f32 v57, v15;
	[tilespmem:s22+$0x33C0] =	vst v54  }
.Ltmp2:
0x129: {  	v61 =	vmul.f32 v57, v14;
	[tilespmem:s22+$0x33E0] =	vst v56;
	(pc) =	sbr.rel @p1 .LBB2_3-.Ltmp2, $4  }
0x12a: {  	v15 =	vmul.f32 v62, v15;
	[tilespmem:s22+$0x3780] =	vst v59  }
0x12b: {  	v14 =	vmul.f32 v62, v14;
	[tilespmem:s22+$0x37A0] =	vst v61  }
0x12c: {  	[tilespmem:s22+$0x37C0] =	vst v15  }
0x12d: {  	s21 =	sadd.s32 $0x8, s21;
	[tilespmem:s22+$0x37E0] =	vst v14  }
0x12e: {  	s21 =	sshll.u32 s20, $0x6;
	s23 =	sshll.u32 s20, $0x1  }
0x12f: {  	p1 =	seq.s32 s20, $0x26;
	s22 =	sor.u32 s4, s21;
	s23 =	sadd.s32 $0x2, s23  }
0x130: {  	s24 =	smul.u32 $0xA00, s22;
	s25 =	sshll.u32 @!p1 s23, $0x5  }
0x131: {  	s25 =	sor.u32 @!p1 s4, s25  }
0x132: {  	p2 =	sne.s32 @!p0 s23, $0x4E;
	s24 =	sadd.s32 s5, s24;
	s25 =	smul.u32 @!p1 $0x280, s25  }
0x133: {  	[hbm4b:s24+s3] =	stream.linear.scatter [tilespmem:s14], [sflag:$0x1], $0x5000, $0x38;
	[tilespmem:$0xC800] =	vst v63  }
0x134: {  	p2 =	por p2, p0;
	s24 =	sadd.s32 @!p1 s2, s25;
	s25 =	simm.s32 @!p1 $0x0  }
0x135: {  	[tilespmem:s25], [sflag:$0x3] =	stream.linear.gather @!p1 [hbm4b:s24+s25], $0x1400, $0x38;
	[tilespmem:$0xC800] =	vst v63  }
0x136: {  	s23 =	simm.s32 @!p2 $0x0  }
0x137: {  	[tilespmem:s23], [sflag:$0x3] =	stream.linear.gather @!p2 [hbm4b:s9+s23], $0x1400, $0x38;
	[tilespmem:$0xC800] =	vst v63  }
0x138: {  	_ =	swait.ge [sflag:s15], $0x1400  }
0x139: {  	[sflag:s15] =	ssyncset.done $0x0  }
0x13a: {  	s23 =	simm.s32 $0x0;
	[sflag:s15] =	ssyncadd.s32 $0xFFFFEC00  }
.LBB2_5:
0x13b: {  	s24 =	sshll.u32 s23, $0x9  }
0x13c: {  	s25 =	sshra.s32 s24, $0x2  }
0x13d: {  	v13 =	vld [tilespmem:s25+$0x1400]  }
0x13e: {  	v14 =	vld [tilespmem:s25+$0x1410];
	_ =	sdelay $0x4  }
0x13f: {  	v14 =	vperm.xlane v14, v0;
	v15 =	vperm.xlane v13, v1  }
0x140: {  	v16 =	vperm.xlane v13, v2;
	v17 =	vperm.xlane v13, v3  }
0x141: {  	v18 =	vperm.xlane v13, v5;
	v15 =	vmul.f32 v15, v14  }
0x142: {  	v19 =	vperm.xlane v13, v4;
	v16 =	vmul.f32 v16, v14  }
0x143: {  	v17 =	vmul.f32 v17, v14;
	v20 =	vmul.f32 v18, v15  }
0x144: {  	s24 =	sand.u32 $0x3FFFFE00, s24;
	v14 =	vmul.f32 v19, v14;
	v38 =	vmul.f32 v18, v16  }
0x145: {  	v21 =	vperm.xlane v13, v6;
	v39 =	vmul.f32 v18, v17;
	[tilespmem:s24+$0x7800] =	vst v20  }
0x146: {  	v18 =	vmul.f32 v14, v18;
	[tilespmem:s24+$0x7810] =	vst v38  }
0x147: {  	v40 =	vmul.f32 v21, v15;
	[tilespmem:s24+$0x7820] =	vst v39  }
0x148: {  	v41 =	vmul.f32 v21, v16;
	[tilespmem:s24+$0x7830] =	vst v18  }
0x149: {  	v43 =	vperm.xlane v13, v7;
	v42 =	vmul.f32 v21, v17;
	[tilespmem:s24+$0x7840] =	vst v40  }
0x14a: {  	v44 =	vmul.f32 v21, v14;
	[tilespmem:s24+$0x7850] =	vst v41  }
0x14b: {  	v45 =	vmul.f32 v43, v15;
	[tilespmem:s24+$0x7860] =	vst v42  }
0x14c: {  	v46 =	vmul.f32 v43, v16;
	[tilespmem:s24+$0x7870] =	vst v44  }
0x14d: {  	v48 =	vperm.xlane v13, v8;
	v47 =	vmul.f32 v43, v17;
	[tilespmem:s24+$0x7C00] =	vst v45  }
0x14e: {  	v49 =	vmul.f32 v43, v14;
	[tilespmem:s24+$0x7C10] =	vst v46  }
0x14f: {  	v50 =	vmul.f32 v48, v15;
	[tilespmem:s24+$0x7C20] =	vst v47  }
0x150: {  	v51 =	vmul.f32 v48, v16;
	[tilespmem:s24+$0x7C30] =	vst v49  }
0x151: {  	v53 =	vperm.xlane v13, v9;
	v52 =	vmul.f32 v48, v17;
	[tilespmem:s24+$0x7C40] =	vst v50  }
0x152: {  	v54 =	vmul.f32 v48, v14;
	[tilespmem:s24+$0x7C50] =	vst v51  }
0x153: {  	v55 =	vmul.f32 v53, v15;
	[tilespmem:s24+$0x7C60] =	vst v52  }
0x154: {  	v56 =	vmul.f32 v53, v16;
	[tilespmem:s24+$0x7C70] =	vst v54  }
0x155: {  	v58 =	vperm.xlane v13, v10;
	v57 =	vmul.f32 v53, v17;
	[tilespmem:s24+$0x8000] =	vst v55  }
0x156: {  	v59 =	vmul.f32 v53, v14;
	[tilespmem:s24+$0x8010] =	vst v56  }
0x157: {  	v23 =	vld [tilespmem:s25+$0x1490];
	v60 =	vmul.f32 v58, v15;
	[tilespmem:s24+$0x8020] =	vst v57  }
0x158: {  	v22 =	vld [tilespmem:s25+$0x1480];
	v61 =	vmul.f32 v58, v16;
	[tilespmem:s24+$0x8030] =	vst v59  }
0x159: {  	v62 =	vperm.xlane v13, v11;
	v63 =	vmul.f32 v58, v17;
	[tilespmem:s24+$0x8040] =	vst v60  }
0x15a: {  	v24 =	vmul.f32 v58, v14;
	[tilespmem:s24+$0x8050] =	vst v61  }
0x15b: {  	v13 =	vperm.xlane v13, v12;
	v25 =	vmul.f32 v62, v15;
	[tilespmem:s24+$0x8060] =	vst v63  }
0x15c: {  	v28 =	vperm.xlane v23, v0;
	v26 =	vmul.f32 v62, v16;
	[tilespmem:s24+$0x8070] =	vst v24  }
0x15d: {  	v29 =	vperm.xlane v22, v1;
	v27 =	vmul.f32 v62, v17;
	[tilespmem:s24+$0x8400] =	vst v25  }
0x15e: {  	v30 =	vperm.xlane v22, v2;
	v15 =	vmul.f32 v13, v15;
	[tilespmem:s24+$0x8410] =	vst v26  }
0x15f: {  	v31 =	vperm.xlane v22, v5;
	v16 =	vmul.f32 v13, v16;
	[tilespmem:s24+$0x8420] =	vst v27  }
0x160: {  	v32 =	vmul.f32 v30, v28;
	v17 =	vmul.f32 v13, v17;
	[tilespmem:s24+$0x8440] =	vst v15  }
0x161: {  	v33 =	vperm.xlane v22, v4;
	v13 =	vmul.f32 v13, v14;
	[tilespmem:s24+$0x8450] =	vst v16  }
0x162: {  	v37 =	vperm.xlane v22, v6;
	v35 =	vmul.f32 v31, v32;
	[tilespmem:s24+$0x8460] =	vst v17  }
0x163: {  	v20 =	vmul.f32 v62, v14;
	v14 =	vmul.f32 v29, v28;
	[tilespmem:s24+$0x8470] =	vst v13  }
0x164: {  	v13 =	vmul.f32 v33, v28;
	[tilespmem:s24+$0x7890] =	vst v35;
	v40 =	vmul.f32 v37, v32  }
0x165: {  	[tilespmem:s24+$0x8430] =	vst v20;
	v34 =	vmul.f32 v31, v14  }
0x166: {  	v38 =	vmul.f32 v13, v31;
	[tilespmem:s24+$0x78D0] =	vst v40  }
0x167: {  	v42 =	vperm.xlane v22, v7;
	v39 =	vmul.f32 v37, v14;
	[tilespmem:s24+$0x7880] =	vst v34  }
0x168: {  	v43 =	vmul.f32 v37, v13;
	[tilespmem:s24+$0x78B0] =	vst v38  }
0x169: {  	v44 =	vmul.f32 v42, v14;
	[tilespmem:s24+$0x78C0] =	vst v39  }
0x16a: {  	v47 =	vperm.xlane v22, v8;
	v45 =	vmul.f32 v42, v32;
	[tilespmem:s24+$0x78F0] =	vst v43  }
0x16b: {  	v48 =	vmul.f32 v42, v13;
	[tilespmem:s24+$0x7C80] =	vst v44  }
0x16c: {  	v49 =	vmul.f32 v47, v14;
	[tilespmem:s24+$0x7C90] =	vst v45  }
0x16d: {  	v52 =	vperm.xlane v22, v9;
	v50 =	vmul.f32 v47, v32;
	[tilespmem:s24+$0x7CB0] =	vst v48  }
0x16e: {  	v53 =	vmul.f32 v47, v13;
	[tilespmem:s24+$0x7CC0] =	vst v49  }
0x16f: {  	v54 =	vmul.f32 v52, v14;
	[tilespmem:s24+$0x7CD0] =	vst v50  }
0x170: {  	v57 =	vperm.xlane v22, v10;
	v55 =	vmul.f32 v52, v32;
	[tilespmem:s24+$0x7CF0] =	vst v53  }
0x171: {  	v58 =	vmul.f32 v52, v13;
	[tilespmem:s24+$0x8080] =	vst v54  }
0x172: {  	v59 =	vmul.f32 v57, v14;
	[tilespmem:s24+$0x8090] =	vst v55  }
0x173: {  	v61 =	vperm.xlane v22, v11;
	v60 =	vmul.f32 v57, v32;
	[tilespmem:s24+$0x80B0] =	vst v58  }
0x174: {  	v25 =	vmul.f32 v57, v13;
	[tilespmem:s24+$0x80C0] =	vst v59  }
0x175: {  	v15 =	vperm.xlane v22, v3;
	v26 =	vmul.f32 v61, v14;
	[tilespmem:s24+$0x80D0] =	vst v60  }
0x176: {  	v22 =	vperm.xlane v22, v12;
	v27 =	vmul.f32 v61, v32;
	[tilespmem:s24+$0x80F0] =	vst v25  }
0x177: {  	v20 =	vmul.f32 v61, v13;
	[tilespmem:s24+$0x8480] =	vst v26  }
0x178: {  	v14 =	vmul.f32 v22, v14;
	[tilespmem:s24+$0x8490] =	vst v27  }
0x179: {  	v62 =	vld [tilespmem:s25+$0x1500];
	v15 =	vmul.f32 v15, v28;
	v16 =	vmul.f32 v22, v32;
	[tilespmem:s24+$0x84B0] =	vst v20  }
0x17a: {  	v24 =	vld [tilespmem:s25+$0x1510];
	v13 =	vmul.f32 v22, v13;
	[tilespmem:s24+$0x84C0] =	vst v14  }
0x17b: {  	v36 =	vmul.f32 v31, v15;
	v41 =	vmul.f32 v37, v15;
	[tilespmem:s24+$0x84D0] =	vst v16  }
0x17c: {  	v46 =	vmul.f32 v42, v15;
	v51 =	vmul.f32 v47, v15;
	[tilespmem:s24+$0x84F0] =	vst v13  }
0x17d: {  	v56 =	vmul.f32 v52, v15;
	v63 =	vmul.f32 v57, v15;
	[tilespmem:s24+$0x78A0] =	vst v36  }
0x17e: {  	v28 =	vmul.f32 v61, v15;
	v15 =	vmul.f32 v22, v15;
	[tilespmem:s24+$0x78E0] =	vst v41  }
0x17f: {  	v29 =	vperm.xlane v24, v0;
	v30 =	vperm.xlane v62, v1;
	[tilespmem:s24+$0x7CA0] =	vst v46  }
0x180: {  	v32 =	vperm.xlane v62, v2;
	v33 =	vperm.xlane v62, v5;
	[tilespmem:s24+$0x7CE0] =	vst v51  }
0x181: {  	v35 =	vperm.xlane v62, v4;
	[tilespmem:s24+$0x80A0] =	vst v56;
	v31 =	vmul.f32 v30, v29  }
0x182: {  	v14 =	vperm.xlane v62, v3;
	[tilespmem:s24+$0x80E0] =	vst v63;
	v34 =	vmul.f32 v32, v29  }
0x183: {  	[tilespmem:s24+$0x84E0] =	vst v15;
	v13 =	vmul.f32 v35, v29;
	v15 =	vmul.f32 v33, v31  }
0x184: {  	v37 =	vperm.xlane v62, v6;
	[tilespmem:s24+$0x84A0] =	vst v28;
	v36 =	vmul.f32 v33, v34  }
0x185: {  	v14 =	vmul.f32 v14, v29;
	v38 =	vmul.f32 v13, v33;
	[tilespmem:s24+$0x7900] =	vst v15  }
0x186: {  	v39 =	vmul.f32 v37, v34;
	[tilespmem:s24+$0x7910] =	vst v36  }
0x187: {  	v15 =	vmul.f32 v33, v14;
	[tilespmem:s24+$0x7930] =	vst v38  }
0x188: {  	v40 =	vperm.xlane v62, v7;
	v41 =	vmul.f32 v37, v13;
	[tilespmem:s24+$0x7950] =	vst v39  }
0x189: {  	[tilespmem:s24+$0x7920] =	vst v15;
	v15 =	vmul.f32 v37, v31  }
0x18a: {  	v42 =	vmul.f32 v40, v34;
	[tilespmem:s24+$0x7970] =	vst v41  }
0x18b: {  	[tilespmem:s24+$0x7940] =	vst v15;
	v15 =	vmul.f32 v37, v14  }
0x18c: {  	v43 =	vperm.xlane v62, v8;
	v44 =	vmul.f32 v40, v13;
	[tilespmem:s24+$0x7D10] =	vst v42  }
0x18d: {  	[tilespmem:s24+$0x7960] =	vst v15;
	v15 =	vmul.f32 v40, v31  }
0x18e: {  	v45 =	vmul.f32 v43, v34;
	[tilespmem:s24+$0x7D30] =	vst v44  }
0x18f: {  	[tilespmem:s24+$0x7D00] =	vst v15;
	v15 =	vmul.f32 v40, v14  }
0x190: {  	v46 =	vperm.xlane v62, v9;
	v47 =	vmul.f32 v43, v13;
	[tilespmem:s24+$0x7D50] =	vst v45  }
0x191: {  	[tilespmem:s24+$0x7D20] =	vst v15;
	v15 =	vmul.f32 v43, v31  }
0x192: {  	v48 =	vmul.f32 v46, v34;
	[tilespmem:s24+$0x7D70] =	vst v47  }
0x193: {  	[tilespmem:s24+$0x7D40] =	vst v15;
	v15 =	vmul.f32 v43, v14  }
0x194: {  	v49 =	vperm.xlane v62, v10;
	v50 =	vmul.f32 v46, v13;
	[tilespmem:s24+$0x8110] =	vst v48  }
0x195: {  	[tilespmem:s24+$0x7D60] =	vst v15;
	v15 =	vmul.f32 v46, v31  }
0x196: {  	v51 =	vmul.f32 v49, v34;
	[tilespmem:s24+$0x8130] =	vst v50  }
0x197: {  	[tilespmem:s24+$0x8100] =	vst v15;
	v15 =	vmul.f32 v46, v14  }
0x198: {  	v53 =	vld [tilespmem:s25+$0x1580];
	v52 =	vperm.xlane v62, v11;
	v55 =	vmul.f32 v49, v13;
	[tilespmem:s24+$0x8150] =	vst v51  }
0x199: {  	v21 =	vperm.xlane v62, v12;
	[tilespmem:s24+$0x8120] =	vst v15;
	v15 =	vmul.f32 v49, v31  }
0x19a: {  	v54 =	vld [tilespmem:s25+$0x1590];
	v56 =	vmul.f32 v52, v31;
	v57 =	vmul.f32 v52, v14;
	[tilespmem:s24+$0x8170] =	vst v55  }
0x19b: {  	v20 =	vmul.f32 v52, v13;
	[tilespmem:s24+$0x8140] =	vst v15;
	v15 =	vmul.f32 v49, v14  }
0x19c: {  	v18 =	vmul.f32 v21, v31;
	v16 =	vmul.f32 v21, v34;
	[tilespmem:s24+$0x8500] =	vst v56  }
0x19d: {  	v58 =	vperm.xlane v53, v1;
	[tilespmem:s24+$0x8160] =	vst v15;
	v15 =	vmul.f32 v52, v34  }
0x19e: {  	v13 =	vmul.f32 v21, v13;
	v60 =	vperm.xlane v53, v2;
	[tilespmem:s24+$0x8520] =	vst v57  }
0x19f: {  	v61 =	vperm.xlane v53, v3;
	[tilespmem:s24+$0x8510] =	vst v15;
	v15 =	vperm.xlane v54, v0  }
0x1a0: {  	v62 =	vperm.xlane v53, v5;
	v24 =	vperm.xlane v53, v4;
	[tilespmem:s24+$0x8530] =	vst v20  }
0x1a1: {  	[tilespmem:s24+$0x8540] =	vst v18;
	v14 =	vmul.f32 v21, v14;
	v59 =	vmul.f32 v58, v15  }
0x1a2: {  	v27 =	vperm.xlane v53, v6;
	[tilespmem:s24+$0x8550] =	vst v16;
	v63 =	vmul.f32 v60, v15  }
0x1a3: {  	[tilespmem:s24+$0x8560] =	vst v14;
	v14 =	vmul.f32 v61, v15;
	v25 =	vmul.f32 v62, v59  }
0x1a4: {  	[tilespmem:s24+$0x8570] =	vst v13;
	v13 =	vmul.f32 v24, v15;
	v15 =	vmul.f32 v62, v63  }
0x1a5: {  	v26 =	vmul.f32 v62, v14;
	[tilespmem:s24+$0x7980] =	vst v25  }
0x1a6: {  	v30 =	vperm.xlane v53, v7;
	v28 =	vmul.f32 v27, v59;
	[tilespmem:s24+$0x7990] =	vst v15  }
0x1a7: {  	v29 =	vmul.f32 v27, v14;
	[tilespmem:s24+$0x79A0] =	vst v26  }
0x1a8: {  	v33 =	vperm.xlane v53, v8;
	v31 =	vmul.f32 v30, v59;
	[tilespmem:s24+$0x79C0] =	vst v28  }
0x1a9: {  	v32 =	vmul.f32 v30, v14;
	[tilespmem:s24+$0x79E0] =	vst v29  }
0x1aa: {  	v36 =	vperm.xlane v53, v9;
	v34 =	vmul.f32 v33, v59;
	[tilespmem:s24+$0x7D80] =	vst v31  }
0x1ab: {  	v35 =	vmul.f32 v33, v14;
	[tilespmem:s24+$0x7DA0] =	vst v32  }
0x1ac: {  	v39 =	vperm.xlane v53, v10;
	v37 =	vmul.f32 v36, v59;
	[tilespmem:s24+$0x7DC0] =	vst v34  }
0x1ad: {  	v38 =	vmul.f32 v36, v14;
	[tilespmem:s24+$0x7DE0] =	vst v35  }
0x1ae: {  	v41 =	vperm.xlane v53, v11;
	v40 =	vmul.f32 v39, v59;
	[tilespmem:s24+$0x8180] =	vst v37  }
0x1af: {  	v43 =	vld [tilespmem:s25+$0x1610];
	v42 =	vmul.f32 v39, v14;
	[tilespmem:s24+$0x81A0] =	vst v38  }
0x1b0: {  	v21 =	vld [tilespmem:s25+$0x1600];
	v44 =	vmul.f32 v41, v59;
	[tilespmem:s24+$0x81C0] =	vst v40  }
0x1b1: {  	v45 =	vmul.f32 v41, v63;
	[tilespmem:s24+$0x81E0] =	vst v42  }
0x1b2: {  	v15 =	vmul.f32 v13, v62;
	[tilespmem:s24+$0x8580] =	vst v44  }
0x1b3: {  	v22 =	vperm.xlane v53, v12;
	v20 =	vmul.f32 v41, v13;
	[tilespmem:s24+$0x8590] =	vst v45  }
0x1b4: {  	v46 =	vperm.xlane v43, v0;
	[tilespmem:s24+$0x79B0] =	vst v15;
	v15 =	vmul.f32 v27, v63  }
0x1b5: {  	v48 =	vperm.xlane v21, v2;
	v17 =	vmul.f32 v22, v59;
	[tilespmem:s24+$0x85B0] =	vst v20  }
0x1b6: {  	v50 =	vperm.xlane v21, v5;
	[tilespmem:s24+$0x79D0] =	vst v15;
	v15 =	vmul.f32 v27, v13  }
0x1b7: {  	v51 =	vmul.f32 v48, v46;
	v16 =	vmul.f32 v22, v63;
	[tilespmem:s24+$0x85C0] =	vst v17  }
0x1b8: {  	v47 =	vperm.xlane v21, v1;
	[tilespmem:s24+$0x79F0] =	vst v15;
	v15 =	vmul.f32 v30, v63  }
0x1b9: {  	v56 =	vperm.xlane v21, v6;
	v54 =	vmul.f32 v50, v51;
	[tilespmem:s24+$0x85D0] =	vst v16  }
0x1ba: {  	v49 =	vperm.xlane v21, v3;
	[tilespmem:s24+$0x7D90] =	vst v15;
	v15 =	vmul.f32 v30, v13  }
0x1bb: {  	v59 =	vmul.f32 v56, v51;
	v29 =	vperm.xlane v21, v9;
	[tilespmem:s24+$0x7A10] =	vst v54  }
0x1bc: {  	v52 =	vperm.xlane v21, v4;
	[tilespmem:s24+$0x7DB0] =	vst v15;
	v15 =	vmul.f32 v33, v63  }
0x1bd: {  	v34 =	vperm.xlane v21, v10;
	[tilespmem:s24+$0x7A50] =	vst v59;
	v32 =	vmul.f32 v29, v51  }
0x1be: {  	v61 =	vperm.xlane v21, v7;
	[tilespmem:s24+$0x7DD0] =	vst v15;
	v15 =	vmul.f32 v33, v13  }
0x1bf: {  	v38 =	vperm.xlane v21, v11;
	v37 =	vmul.f32 v34, v51;
	[tilespmem:s24+$0x8210] =	vst v32  }
0x1c0: {  	v24 =	vperm.xlane v21, v8;
	[tilespmem:s24+$0x7DF0] =	vst v15;
	v15 =	vmul.f32 v36, v63  }
0x1c1: {  	v21 =	vperm.xlane v21, v12;
	v44 =	vmul.f32 v38, v51;
	[tilespmem:s24+$0x8250] =	vst v37  }
0x1c2: {  	[tilespmem:s24+$0x8190] =	vst v15;
	v15 =	vmul.f32 v36, v13  }
0x1c3: {  	v16 =	vmul.f32 v21, v51;
	[tilespmem:s24+$0x8610] =	vst v44  }
0x1c4: {  	[tilespmem:s24+$0x81B0] =	vst v15;
	v15 =	vmul.f32 v39, v63  }
0x1c5: {  	v27 =	vmul.f32 v24, v51;
	[tilespmem:s24+$0x8650] =	vst v16  }
0x1c6: {  	[tilespmem:s24+$0x81D0] =	vst v15;
	v15 =	vmul.f32 v39, v13  }
0x1c7: {  	[tilespmem:s24+$0x7E50] =	vst v27;
	v13 =	vmul.f32 v22, v13  }
0x1c8: {  	[tilespmem:s24+$0x81F0] =	vst v15;
	v15 =	vmul.f32 v41, v14  }
0x1c9: {  	v14 =	vmul.f32 v22, v14;
	[tilespmem:s24+$0x85F0] =	vst v13;
	v13 =	vmul.f32 v52, v46  }
0x1ca: {  	v22 =	vmul.f32 v61, v51;
	[tilespmem:s24+$0x85A0] =	vst v15  }
0x1cb: {  	[tilespmem:s24+$0x85E0] =	vst v14;
	v57 =	vmul.f32 v13, v50  }
0x1cc: {  	v62 =	vmul.f32 v56, v13;
	[tilespmem:s24+$0x7E10] =	vst v22  }
0x1cd: {  	v25 =	vmul.f32 v61, v13;
	[tilespmem:s24+$0x7A30] =	vst v57  }
0x1ce: {  	v30 =	vmul.f32 v24, v13;
	[tilespmem:s24+$0x7A70] =	vst v62  }
0x1cf: {  	v35 =	vmul.f32 v29, v13;
	[tilespmem:s24+$0x7E30] =	vst v25  }
0x1d0: {  	v42 =	vmul.f32 v34, v13;
	[tilespmem:s24+$0x7E70] =	vst v30  }
0x1d1: {  	v15 =	vmul.f32 v47, v46;
	v20 =	vmul.f32 v38, v13;
	[tilespmem:s24+$0x8230] =	vst v35  }
0x1d2: {  	v14 =	vmul.f32 v49, v46;
	v13 =	vmul.f32 v21, v13;
	[tilespmem:s24+$0x8270] =	vst v42  }
0x1d3: {  	v53 =	vmul.f32 v50, v15;
	[tilespmem:s24+$0x8630] =	vst v20  }
0x1d4: {  	v55 =	vmul.f32 v50, v14;
	[tilespmem:s24+$0x8670] =	vst v13  }
0x1d5: {  	v39 =	vld [tilespmem:s25+$0x1680];
	v58 =	vmul.f32 v56, v15;
	[tilespmem:s24+$0x7A00] =	vst v53  }
0x1d6: {  	v60 =	vmul.f32 v56, v14;
	[tilespmem:s24+$0x7A20] =	vst v55  }
0x1d7: {  	v63 =	vmul.f32 v61, v15;
	[tilespmem:s24+$0x7A40] =	vst v58  }
0x1d8: {  	v23 =	vmul.f32 v61, v14;
	[tilespmem:s24+$0x7A60] =	vst v60  }
0x1d9: {  	v26 =	vmul.f32 v24, v15;
	[tilespmem:s24+$0x7E00] =	vst v63  }
0x1da: {  	v41 =	vld [tilespmem:s25+$0x1690];
	v47 =	vperm.xlane v39, v1;
	v28 =	vmul.f32 v24, v14;
	[tilespmem:s24+$0x7E20] =	vst v23  }
0x1db: {  	v49 =	vperm.xlane v39, v2;
	v31 =	vmul.f32 v29, v15;
	[tilespmem:s24+$0x7E40] =	vst v26  }
0x1dc: {  	v52 =	vperm.xlane v39, v4;
	v33 =	vmul.f32 v29, v14;
	[tilespmem:s24+$0x7E60] =	vst v28  }
0x1dd: {  	v36 =	vmul.f32 v34, v15;
	v40 =	vmul.f32 v34, v14;
	[tilespmem:s24+$0x8200] =	vst v31  }
0x1de: {  	v43 =	vmul.f32 v38, v15;
	v45 =	vmul.f32 v38, v14;
	[tilespmem:s24+$0x8220] =	vst v33  }
0x1df: {  	v15 =	vmul.f32 v21, v15;
	v46 =	vperm.xlane v41, v0;
	[tilespmem:s24+$0x8240] =	vst v36  }
0x1e0: {  	v14 =	vmul.f32 v21, v14;
	v50 =	vperm.xlane v39, v5;
	[tilespmem:s24+$0x8260] =	vst v40  }
0x1e1: {  	[tilespmem:s24+$0x8640] =	vst v15;
	v15 =	vperm.xlane v39, v3;
	v48 =	vmul.f32 v47, v46  }
0x1e2: {  	[tilespmem:s24+$0x8600] =	vst v43;
	v51 =	vmul.f32 v49, v46;
	v13 =	vmul.f32 v52, v46  }
0x1e3: {  	[tilespmem:s24+$0x8660] =	vst v14;
	v14 =	vmul.f32 v15, v46;
	v15 =	vmul.f32 v50, v48  }
0x1e4: {  	v54 =	vperm.xlane v39, v6;
	[tilespmem:s24+$0x8620] =	vst v45;
	v53 =	vmul.f32 v50, v51  }
0x1e5: {  	v55 =	vmul.f32 v13, v50;
	[tilespmem:s24+$0x7A80] =	vst v15  }
0x1e6: {  	v56 =	vmul.f32 v54, v51;
	[tilespmem:s24+$0x7A90] =	vst v53  }
0x1e7: {  	v15 =	vmul.f32 v50, v14;
	[tilespmem:s24+$0x7AB0] =	vst v55  }
0x1e8: {  	v57 =	vperm.xlane v39, v7;
	v58 =	vmul.f32 v54, v13;
	[tilespmem:s24+$0x7AD0] =	vst v56  }
0x1e9: {  	[tilespmem:s24+$0x7AA0] =	vst v15;
	v15 =	vmul.f32 v54, v48  }
0x1ea: {  	v59 =	vmul.f32 v57, v51;
	[tilespmem:s24+$0x7AF0] =	vst v58  }
0x1eb: {  	[tilespmem:s24+$0x7AC0] =	vst v15;
	v15 =	vmul.f32 v54, v14  }
0x1ec: {  	v60 =	vperm.xlane v39, v8;
	v61 =	vmul.f32 v57, v13;
	[tilespmem:s24+$0x7E90] =	vst v59  }
0x1ed: {  	[tilespmem:s24+$0x7AE0] =	vst v15;
	v15 =	vmul.f32 v57, v48  }
0x1ee: {  	v62 =	vmul.f32 v60, v51;
	[tilespmem:s24+$0x7EB0] =	vst v61  }
0x1ef: {  	[tilespmem:s24+$0x7E80] =	vst v15;
	v15 =	vmul.f32 v57, v14  }
0x1f0: {  	v63 =	vperm.xlane v39, v9;
	v24 =	vmul.f32 v60, v13;
	[tilespmem:s24+$0x7ED0] =	vst v62  }
0x1f1: {  	[tilespmem:s24+$0x7EA0] =	vst v15;
	v15 =	vmul.f32 v60, v48  }
0x1f2: {  	v25 =	vmul.f32 v63, v51;
	[tilespmem:s24+$0x7EF0] =	vst v24  }
0x1f3: {  	[tilespmem:s24+$0x7EC0] =	vst v15;
	v15 =	vmul.f32 v60, v14  }
0x1f4: {  	v26 =	vperm.xlane v39, v10;
	v27 =	vmul.f32 v63, v13;
	[tilespmem:s24+$0x8290] =	vst v25  }
0x1f5: {  	[tilespmem:s24+$0x7EE0] =	vst v15;
	v15 =	vmul.f32 v63, v48  }
0x1f6: {  	v28 =	vmul.f32 v26, v51;
	[tilespmem:s24+$0x82B0] =	vst v27  }
0x1f7: {  	v30 =	vld [tilespmem:s25+$0x1700];
	[tilespmem:s24+$0x8280] =	vst v15;
	v15 =	vmul.f32 v63, v14  }
0x1f8: {  	v29 =	vperm.xlane v39, v11;
	v32 =	vmul.f32 v26, v13;
	[tilespmem:s24+$0x82D0] =	vst v28  }
0x1f9: {  	v22 =	vperm.xlane v39, v12;
	[tilespmem:s24+$0x82A0] =	vst v15;
	v15 =	vmul.f32 v26, v48  }
0x1fa: {  	v31 =	vld [tilespmem:s25+$0x1710];
	v33 =	vmul.f32 v29, v48;
	v20 =	vmul.f32 v29, v13;
	[tilespmem:s24+$0x82F0] =	vst v32  }
0x1fb: {  	v18 =	vmul.f32 v22, v48;
	[tilespmem:s24+$0x82C0] =	vst v15;
	v15 =	vmul.f32 v26, v14  }
0x1fc: {  	v16 =	vmul.f32 v22, v51;
	v35 =	vperm.xlane v30, v1;
	[tilespmem:s24+$0x8680] =	vst v33  }
0x1fd: {  	v13 =	vmul.f32 v22, v13;
	[tilespmem:s24+$0x82E0] =	vst v15;
	v15 =	vmul.f32 v29, v51  }
0x1fe: {  	v37 =	vperm.xlane v30, v2;
	v38 =	vperm.xlane v30, v3;
	[tilespmem:s24+$0x86B0] =	vst v20  }
0x1ff: {  	v39 =	vperm.xlane v30, v5;
	[tilespmem:s24+$0x8690] =	vst v15;
	v15 =	vperm.xlane v31, v0  }
0x200: {  	v41 =	vperm.xlane v30, v4;
	v34 =	vmul.f32 v29, v14;
	[tilespmem:s24+$0x86C0] =	vst v18  }
0x201: {  	[tilespmem:s24+$0x86D0] =	vst v16;
	v14 =	vmul.f32 v22, v14;
	v36 =	vmul.f32 v35, v15  }
0x202: {  	v44 =	vperm.xlane v30, v6;
	[tilespmem:s24+$0x86F0] =	vst v13;
	v40 =	vmul.f32 v37, v15  }
0x203: {  	[tilespmem:s24+$0x86E0] =	vst v14;
	v14 =	vmul.f32 v38, v15;
	v42 =	vmul.f32 v39, v36  }
0x204: {  	[tilespmem:s24+$0x86A0] =	vst v34;
	v13 =	vmul.f32 v41, v15;
	v15 =	vmul.f32 v39, v40  }
0x205: {  	v43 =	vmul.f32 v39, v14;
	[tilespmem:s24+$0x7B00] =	vst v42  }
0x206: {  	v47 =	vperm.xlane v30, v7;
	v45 =	vmul.f32 v44, v36;
	[tilespmem:s24+$0x7B10] =	vst v15  }
0x207: {  	v46 =	vmul.f32 v44, v14;
	[tilespmem:s24+$0x7B20] =	vst v43  }
0x208: {  	v50 =	vperm.xlane v30, v8;
	v48 =	vmul.f32 v47, v36;
	[tilespmem:s24+$0x7B40] =	vst v45  }
0x209: {  	v49 =	vmul.f32 v47, v14;
	[tilespmem:s24+$0x7B60] =	vst v46  }
0x20a: {  	v53 =	vperm.xlane v30, v9;
	v51 =	vmul.f32 v50, v36;
	[tilespmem:s24+$0x7F00] =	vst v48  }
0x20b: {  	v52 =	vmul.f32 v50, v14;
	[tilespmem:s24+$0x7F20] =	vst v49  }
0x20c: {  	v56 =	vperm.xlane v30, v10;
	v54 =	vmul.f32 v53, v36;
	[tilespmem:s24+$0x7F40] =	vst v51  }
0x20d: {  	v55 =	vmul.f32 v53, v14;
	[tilespmem:s24+$0x7F60] =	vst v52  }
0x20e: {  	v58 =	vperm.xlane v30, v11;
	v57 =	vmul.f32 v56, v36;
	[tilespmem:s24+$0x8300] =	vst v54  }
0x20f: {  	v60 =	vld [tilespmem:s25+$0x1790];
	v59 =	vmul.f32 v56, v14;
	[tilespmem:s24+$0x8320] =	vst v55  }
0x210: {  	v22 =	vld [tilespmem:s25+$0x1780];
	v61 =	vmul.f32 v58, v36;
	[tilespmem:s24+$0x8340] =	vst v57  }
0x211: {  	v62 =	vmul.f32 v58, v40;
	[tilespmem:s24+$0x8360] =	vst v59  }
0x212: {  	v15 =	vmul.f32 v13, v39;
	[tilespmem:s24+$0x8700] =	vst v61  }
0x213: {  	v21 =	vperm.xlane v30, v12;
	v20 =	vmul.f32 v58, v13;
	[tilespmem:s24+$0x8710] =	vst v62  }
0x214: {  	v63 =	vperm.xlane v60, v0;
	[tilespmem:s24+$0x7B30] =	vst v15;
	v15 =	vmul.f32 v44, v40  }
0x215: {  	v24 =	vperm.xlane v22, v2;
	v17 =	vmul.f32 v21, v36;
	[tilespmem:s24+$0x8730] =	vst v20  }
0x216: {  	v26 =	vperm.xlane v22, v5;
	[tilespmem:s24+$0x7B50] =	vst v15;
	v15 =	vmul.f32 v44, v13  }
0x217: {  	v27 =	vmul.f32 v24, v63;
	v16 =	vmul.f32 v21, v40;
	[tilespmem:s24+$0x8740] =	vst v17  }
0x218: {  	[tilespmem:s24+$0x7B70] =	vst v15;
	v15 =	vmul.f32 v47, v40  }
0x219: {  	v32 =	vperm.xlane v22, v6;
	v30 =	vmul.f32 v26, v27;
	[tilespmem:s24+$0x8750] =	vst v16  }
0x21a: {  	[tilespmem:s24+$0x7F10] =	vst v15;
	v15 =	vmul.f32 v47, v13  }
0x21b: {  	v35 =	vmul.f32 v32, v27;
	v42 =	vperm.xlane v22, v8;
	[tilespmem:s24+$0x7B90] =	vst v30  }
0x21c: {  	[tilespmem:s24+$0x7F30] =	vst v15;
	v15 =	vmul.f32 v50, v40  }
0x21d: {  	v52 =	vperm.xlane v22, v10;
	[tilespmem:s24+$0x7BD0] =	vst v35;
	v45 =	vmul.f32 v42, v27  }
0x21e: {  	[tilespmem:s24+$0x7F50] =	vst v15;
	v15 =	vmul.f32 v50, v13  }
0x21f: {  	v57 =	vperm.xlane v22, v11;
	v55 =	vmul.f32 v52, v27;
	[tilespmem:s24+$0x7FD0] =	vst v45  }
0x220: {  	[tilespmem:s24+$0x7F70] =	vst v15;
	v15 =	vmul.f32 v53, v40  }
0x221: {  	v62 =	vperm.xlane v22, v12;
	v60 =	vmul.f32 v57, v27;
	[tilespmem:s24+$0x83D0] =	vst v55  }
0x222: {  	[tilespmem:s24+$0x8310] =	vst v15;
	v15 =	vmul.f32 v53, v13  }
0x223: {  	v16 =	vmul.f32 v62, v27;
	[tilespmem:s24+$0x8790] =	vst v60;
	v47 =	vperm.xlane v22, v9  }
0x224: {  	[tilespmem:s24+$0x8330] =	vst v15;
	v15 =	vmul.f32 v56, v40  }
0x225: {  	[tilespmem:s24+$0x87D0] =	vst v16;
	v50 =	vmul.f32 v47, v27  }
0x226: {  	v37 =	vperm.xlane v22, v7;
	[tilespmem:s24+$0x8350] =	vst v15;
	v15 =	vmul.f32 v56, v13  }
0x227: {  	v28 =	vperm.xlane v22, v4;
	[tilespmem:s24+$0x8390] =	vst v50;
	v13 =	vmul.f32 v21, v13  }
0x228: {  	v40 =	vmul.f32 v37, v27;
	[tilespmem:s24+$0x8370] =	vst v15  }
0x229: {  	v15 =	vmul.f32 v58, v14;
	[tilespmem:s24+$0x8770] =	vst v13;
	v13 =	vmul.f32 v28, v63  }
0x22a: {  	[tilespmem:s24+$0x7F90] =	vst v40;
	v14 =	vmul.f32 v21, v14  }
0x22b: {  	[tilespmem:s24+$0x8720] =	vst v15;
	v33 =	vmul.f32 v13, v26  }
0x22c: {  	[tilespmem:s24+$0x8760] =	vst v14;
	v38 =	vmul.f32 v32, v13  }
0x22d: {  	v43 =	vmul.f32 v37, v13;
	[tilespmem:s24+$0x7BB0] =	vst v33  }
0x22e: {  	v23 =	vperm.xlane v22, v1;
	v48 =	vmul.f32 v42, v13;
	[tilespmem:s24+$0x7BF0] =	vst v38  }
0x22f: {  	v25 =	vperm.xlane v22, v3;
	v53 =	vmul.f32 v47, v13;
	[tilespmem:s24+$0x7FB0] =	vst v43  }
0x230: {  	v15 =	vmul.f32 v23, v63;
	v58 =	vmul.f32 v52, v13;
	[tilespmem:s24+$0x7FF0] =	vst v48  }
0x231: {  	v14 =	vmul.f32 v25, v63;
	v63 =	vmul.f32 v57, v13;
	[tilespmem:s24+$0x83B0] =	vst v53  }
0x232: {  	v13 =	vmul.f32 v62, v13;
	[tilespmem:s24+$0x83F0] =	vst v58  }
0x233: {  	v29 =	vmul.f32 v26, v15;
	[tilespmem:s24+$0x87B0] =	vst v63  }
0x234: {  	v31 =	vmul.f32 v26, v14;
	[tilespmem:s24+$0x87F0] =	vst v13  }
0x235: {  	v34 =	vmul.f32 v32, v15;
	[tilespmem:s24+$0x7B80] =	vst v29  }
0x236: {  	v36 =	vmul.f32 v32, v14;
	[tilespmem:s24+$0x7BA0] =	vst v31  }
0x237: {  	v39 =	vmul.f32 v37, v15;
	[tilespmem:s24+$0x7BC0] =	vst v34  }
0x238: {  	v41 =	vmul.f32 v37, v14;
	[tilespmem:s24+$0x7BE0] =	vst v36  }
0x239: {  	v44 =	vmul.f32 v42, v15;
	[tilespmem:s24+$0x7F80] =	vst v39  }
0x23a: {  	v46 =	vmul.f32 v42, v14;
	[tilespmem:s24+$0x7FA0] =	vst v41  }
0x23b: {  	v49 =	vmul.f32 v47, v15;
	[tilespmem:s24+$0x7FC0] =	vst v44  }
0x23c: {  	v51 =	vmul.f32 v47, v14;
	[tilespmem:s24+$0x7FE0] =	vst v46  }
0x23d: {  	v54 =	vmul.f32 v52, v15;
	[tilespmem:s24+$0x8380] =	vst v49  }
0x23e: {  	v56 =	vmul.f32 v52, v14;
	[tilespmem:s24+$0x83A0] =	vst v51  }
0x23f: {  	p2 =	slt.u32 s23, $0x20;
	v59 =	vmul.f32 v57, v15;
	[tilespmem:s24+$0x83C0] =	vst v54  }
.Ltmp3:
0x240: {  	v61 =	vmul.f32 v57, v14;
	[tilespmem:s24+$0x83E0] =	vst v56;
	(pc) =	sbr.rel @p2 .LBB2_5-.Ltmp3, $4  }
0x241: {  	v15 =	vmul.f32 v62, v15;
	[tilespmem:s24+$0x8780] =	vst v59  }
0x242: {  	v14 =	vmul.f32 v62, v14;
	[tilespmem:s24+$0x87A0] =	vst v61  }
0x243: {  	[tilespmem:s24+$0x87C0] =	vst v15  }
0x244: {  	s23 =	sadd.s32 $0x8, s23;
	[tilespmem:s24+$0x87E0] =	vst v14  }
0x245: {  	s22 =	smul.u32 $0x5000, s22  }
.Ltmp4:
0x246: {  	_ = 	snop;
	(pc) =	sbr.rel @p1 .LBB2_8-.Ltmp4, $4  }
0x247: {  	s22 =	sshrl.u32 s22, $0x3  }
0x248: {  	s22 =	sadd.s32 s5, s22  }
0x249: {  	s22 =	sadd.s32 $0x14000, s22  }
0x24a: {  	[hbm4b:s22+s3] =	stream.linear.scatter [tilespmem:s16], [sflag:$0x2], $0x5000, $0x38;
	[tilespmem:$0xC800] =	vst v63  }
.Ltmp5:
0x24b: {  	s21 =	sadd.s32 s8, s21;
	(pc) =	sbr.rel .LBB2_2-.Ltmp5, $3  }
0x24c: {  	s21 =	smul.u32 $0x280, s21;
	_ =	sdelay $0x1  }
0x24d: {  	s20 =	sadd.s32 $0x1, s20;
	s21 =	sadd.s32 s2, s21  }
0x24e: {  	[tilespmem:s12], [sflag:$0x4] =	stream.linear.gather [hbm4b:s21+s3], $0x1400, $0x38;
	[tilespmem:$0xC800] =	vst v63  }
.LBB2_8:
.Ltmp6:
0x24f: {  	(pc) =	sbr.rel @p0 .LBB2_12-.Ltmp6, $1  }
0x250: {  	_ =	sdelay $0x3  }
0x251: {  	_ =	swait.ge [sflag:s17], $0x5000  }
0x252: {  	[sflag:s17] =	ssyncset.done $0x0  }
0x253: {  	[sflag:s17] =	ssyncadd.s32 $0xFFFFB000  }
0x254: {  	_ =	swait.ge [sflag:s13], $0x1400  }
0x255: {  	[sflag:s13] =	ssyncset.done $0x0  }
0x256: {  	s20 =	simm.s32 $0x0;
	[sflag:s13] =	ssyncadd.s32 $0xFFFFEC00  }
.LBB2_10:
0x257: {  	s21 =	sshll.u32 s20, $0x9  }
0x258: {  	s22 =	sshra.s32 s21, $0x2  }
0x259: {  	v13 =	vld [tilespmem:s22+$0x0]  }
0x25a: {  	v14 =	vld [tilespmem:s22+$0x10];
	_ =	sdelay $0x4  }
0x25b: {  	v14 =	vperm.xlane v14, v0;
	v15 =	vperm.xlane v13, v1  }
0x25c: {  	v16 =	vperm.xlane v13, v2;
	v17 =	vperm.xlane v13, v3  }
0x25d: {  	v18 =	vperm.xlane v13, v5;
	v15 =	vmul.f32 v15, v14  }
0x25e: {  	v19 =	vperm.xlane v13, v4;
	v16 =	vmul.f32 v16, v14  }
0x25f: {  	v17 =	vmul.f32 v17, v14;
	v20 =	vmul.f32 v18, v15  }
0x260: {  	s21 =	sand.u32 $0x3FFFFE00, s21;
	v14 =	vmul.f32 v19, v14;
	v38 =	vmul.f32 v18, v16  }
0x261: {  	v21 =	vperm.xlane v13, v6;
	v39 =	vmul.f32 v18, v17;
	[tilespmem:s21+$0x2800] =	vst v20  }
0x262: {  	v18 =	vmul.f32 v14, v18;
	[tilespmem:s21+$0x2810] =	vst v38  }
0x263: {  	v40 =	vmul.f32 v21, v15;
	[tilespmem:s21+$0x2820] =	vst v39  }
0x264: {  	v41 =	vmul.f32 v21, v16;
	[tilespmem:s21+$0x2830] =	vst v18  }
0x265: {  	v43 =	vperm.xlane v13, v7;
	v42 =	vmul.f32 v21, v17;
	[tilespmem:s21+$0x2840] =	vst v40  }
0x266: {  	v44 =	vmul.f32 v21, v14;
	[tilespmem:s21+$0x2850] =	vst v41  }
0x267: {  	v45 =	vmul.f32 v43, v15;
	[tilespmem:s21+$0x2860] =	vst v42  }
0x268: {  	v46 =	vmul.f32 v43, v16;
	[tilespmem:s21+$0x2870] =	vst v44  }
0x269: {  	v48 =	vperm.xlane v13, v8;
	v47 =	vmul.f32 v43, v17;
	[tilespmem:s21+$0x2C00] =	vst v45  }
0x26a: {  	v49 =	vmul.f32 v43, v14;
	[tilespmem:s21+$0x2C10] =	vst v46  }
0x26b: {  	v50 =	vmul.f32 v48, v15;
	[tilespmem:s21+$0x2C20] =	vst v47  }
0x26c: {  	v51 =	vmul.f32 v48, v16;
	[tilespmem:s21+$0x2C30] =	vst v49  }
0x26d: {  	v53 =	vperm.xlane v13, v9;
	v52 =	vmul.f32 v48, v17;
	[tilespmem:s21+$0x2C40] =	vst v50  }
0x26e: {  	v54 =	vmul.f32 v48, v14;
	[tilespmem:s21+$0x2C50] =	vst v51  }
0x26f: {  	v55 =	vmul.f32 v53, v15;
	[tilespmem:s21+$0x2C60] =	vst v52  }
0x270: {  	v56 =	vmul.f32 v53, v16;
	[tilespmem:s21+$0x2C70] =	vst v54  }
0x271: {  	v58 =	vperm.xlane v13, v10;
	v57 =	vmul.f32 v53, v17;
	[tilespmem:s21+$0x3000] =	vst v55  }
0x272: {  	v59 =	vmul.f32 v53, v14;
	[tilespmem:s21+$0x3010] =	vst v56  }
0x273: {  	v23 =	vld [tilespmem:s22+$0x90];
	v60 =	vmul.f32 v58, v15;
	[tilespmem:s21+$0x3020] =	vst v57  }
0x274: {  	v22 =	vld [tilespmem:s22+$0x80];
	v61 =	vmul.f32 v58, v16;
	[tilespmem:s21+$0x3030] =	vst v59  }
0x275: {  	v62 =	vperm.xlane v13, v11;
	v63 =	vmul.f32 v58, v17;
	[tilespmem:s21+$0x3040] =	vst v60  }
0x276: {  	v24 =	vmul.f32 v58, v14;
	[tilespmem:s21+$0x3050] =	vst v61  }
0x277: {  	v13 =	vperm.xlane v13, v12;
	v25 =	vmul.f32 v62, v15;
	[tilespmem:s21+$0x3060] =	vst v63  }
0x278: {  	v28 =	vperm.xlane v23, v0;
	v26 =	vmul.f32 v62, v16;
	[tilespmem:s21+$0x3070] =	vst v24  }
0x279: {  	v29 =	vperm.xlane v22, v1;
	v27 =	vmul.f32 v62, v17;
	[tilespmem:s21+$0x3400] =	vst v25  }
0x27a: {  	v30 =	vperm.xlane v22, v2;
	v15 =	vmul.f32 v13, v15;
	[tilespmem:s21+$0x3410] =	vst v26  }
0x27b: {  	v31 =	vperm.xlane v22, v5;
	v16 =	vmul.f32 v13, v16;
	[tilespmem:s21+$0x3420] =	vst v27  }
0x27c: {  	v32 =	vmul.f32 v30, v28;
	v17 =	vmul.f32 v13, v17;
	[tilespmem:s21+$0x3440] =	vst v15  }
0x27d: {  	v33 =	vperm.xlane v22, v4;
	v13 =	vmul.f32 v13, v14;
	[tilespmem:s21+$0x3450] =	vst v16  }
0x27e: {  	v37 =	vperm.xlane v22, v6;
	v35 =	vmul.f32 v31, v32;
	[tilespmem:s21+$0x3460] =	vst v17  }
0x27f: {  	v20 =	vmul.f32 v62, v14;
	v14 =	vmul.f32 v29, v28;
	[tilespmem:s21+$0x3470] =	vst v13  }
0x280: {  	v13 =	vmul.f32 v33, v28;
	[tilespmem:s21+$0x2890] =	vst v35;
	v40 =	vmul.f32 v37, v32  }
0x281: {  	[tilespmem:s21+$0x3430] =	vst v20;
	v34 =	vmul.f32 v31, v14  }
0x282: {  	v38 =	vmul.f32 v13, v31;
	[tilespmem:s21+$0x28D0] =	vst v40  }
0x283: {  	v42 =	vperm.xlane v22, v7;
	v39 =	vmul.f32 v37, v14;
	[tilespmem:s21+$0x2880] =	vst v34  }
0x284: {  	v43 =	vmul.f32 v37, v13;
	[tilespmem:s21+$0x28B0] =	vst v38  }
0x285: {  	v44 =	vmul.f32 v42, v14;
	[tilespmem:s21+$0x28C0] =	vst v39  }
0x286: {  	v47 =	vperm.xlane v22, v8;
	v45 =	vmul.f32 v42, v32;
	[tilespmem:s21+$0x28F0] =	vst v43  }
0x287: {  	v48 =	vmul.f32 v42, v13;
	[tilespmem:s21+$0x2C80] =	vst v44  }
0x288: {  	v49 =	vmul.f32 v47, v14;
	[tilespmem:s21+$0x2C90] =	vst v45  }
0x289: {  	v52 =	vperm.xlane v22, v9;
	v50 =	vmul.f32 v47, v32;
	[tilespmem:s21+$0x2CB0] =	vst v48  }
0x28a: {  	v53 =	vmul.f32 v47, v13;
	[tilespmem:s21+$0x2CC0] =	vst v49  }
0x28b: {  	v54 =	vmul.f32 v52, v14;
	[tilespmem:s21+$0x2CD0] =	vst v50  }
0x28c: {  	v57 =	vperm.xlane v22, v10;
	v55 =	vmul.f32 v52, v32;
	[tilespmem:s21+$0x2CF0] =	vst v53  }
0x28d: {  	v58 =	vmul.f32 v52, v13;
	[tilespmem:s21+$0x3080] =	vst v54  }
0x28e: {  	v59 =	vmul.f32 v57, v14;
	[tilespmem:s21+$0x3090] =	vst v55  }
0x28f: {  	v61 =	vperm.xlane v22, v11;
	v60 =	vmul.f32 v57, v32;
	[tilespmem:s21+$0x30B0] =	vst v58  }
0x290: {  	v25 =	vmul.f32 v57, v13;
	[tilespmem:s21+$0x30C0] =	vst v59  }
0x291: {  	v15 =	vperm.xlane v22, v3;
	v26 =	vmul.f32 v61, v14;
	[tilespmem:s21+$0x30D0] =	vst v60  }
0x292: {  	v22 =	vperm.xlane v22, v12;
	v27 =	vmul.f32 v61, v32;
	[tilespmem:s21+$0x30F0] =	vst v25  }
0x293: {  	v20 =	vmul.f32 v61, v13;
	[tilespmem:s21+$0x3480] =	vst v26  }
0x294: {  	v14 =	vmul.f32 v22, v14;
	[tilespmem:s21+$0x3490] =	vst v27  }
0x295: {  	v62 =	vld [tilespmem:s22+$0x100];
	v15 =	vmul.f32 v15, v28;
	v16 =	vmul.f32 v22, v32;
	[tilespmem:s21+$0x34B0] =	vst v20  }
0x296: {  	v24 =	vld [tilespmem:s22+$0x110];
	v13 =	vmul.f32 v22, v13;
	[tilespmem:s21+$0x34C0] =	vst v14  }
0x297: {  	v36 =	vmul.f32 v31, v15;
	v41 =	vmul.f32 v37, v15;
	[tilespmem:s21+$0x34D0] =	vst v16  }
0x298: {  	v46 =	vmul.f32 v42, v15;
	v51 =	vmul.f32 v47, v15;
	[tilespmem:s21+$0x34F0] =	vst v13  }
0x299: {  	v56 =	vmul.f32 v52, v15;
	v63 =	vmul.f32 v57, v15;
	[tilespmem:s21+$0x28A0] =	vst v36  }
0x29a: {  	v28 =	vmul.f32 v61, v15;
	v15 =	vmul.f32 v22, v15;
	[tilespmem:s21+$0x28E0] =	vst v41  }
0x29b: {  	v29 =	vperm.xlane v24, v0;
	v30 =	vperm.xlane v62, v1;
	[tilespmem:s21+$0x2CA0] =	vst v46  }
0x29c: {  	v32 =	vperm.xlane v62, v2;
	v33 =	vperm.xlane v62, v5;
	[tilespmem:s21+$0x2CE0] =	vst v51  }
0x29d: {  	v35 =	vperm.xlane v62, v4;
	[tilespmem:s21+$0x30A0] =	vst v56;
	v31 =	vmul.f32 v30, v29  }
0x29e: {  	v14 =	vperm.xlane v62, v3;
	[tilespmem:s21+$0x30E0] =	vst v63;
	v34 =	vmul.f32 v32, v29  }
0x29f: {  	[tilespmem:s21+$0x34E0] =	vst v15;
	v13 =	vmul.f32 v35, v29;
	v15 =	vmul.f32 v33, v31  }
0x2a0: {  	v37 =	vperm.xlane v62, v6;
	[tilespmem:s21+$0x34A0] =	vst v28;
	v36 =	vmul.f32 v33, v34  }
0x2a1: {  	v14 =	vmul.f32 v14, v29;
	v38 =	vmul.f32 v13, v33;
	[tilespmem:s21+$0x2900] =	vst v15  }
0x2a2: {  	v39 =	vmul.f32 v37, v34;
	[tilespmem:s21+$0x2910] =	vst v36  }
0x2a3: {  	v15 =	vmul.f32 v33, v14;
	[tilespmem:s21+$0x2930] =	vst v38  }
0x2a4: {  	v40 =	vperm.xlane v62, v7;
	v41 =	vmul.f32 v37, v13;
	[tilespmem:s21+$0x2950] =	vst v39  }
0x2a5: {  	[tilespmem:s21+$0x2920] =	vst v15;
	v15 =	vmul.f32 v37, v31  }
0x2a6: {  	v42 =	vmul.f32 v40, v34;
	[tilespmem:s21+$0x2970] =	vst v41  }
0x2a7: {  	[tilespmem:s21+$0x2940] =	vst v15;
	v15 =	vmul.f32 v37, v14  }
0x2a8: {  	v43 =	vperm.xlane v62, v8;
	v44 =	vmul.f32 v40, v13;
	[tilespmem:s21+$0x2D10] =	vst v42  }
0x2a9: {  	[tilespmem:s21+$0x2960] =	vst v15;
	v15 =	vmul.f32 v40, v31  }
0x2aa: {  	v45 =	vmul.f32 v43, v34;
	[tilespmem:s21+$0x2D30] =	vst v44  }
0x2ab: {  	[tilespmem:s21+$0x2D00] =	vst v15;
	v15 =	vmul.f32 v40, v14  }
0x2ac: {  	v46 =	vperm.xlane v62, v9;
	v47 =	vmul.f32 v43, v13;
	[tilespmem:s21+$0x2D50] =	vst v45  }
0x2ad: {  	[tilespmem:s21+$0x2D20] =	vst v15;
	v15 =	vmul.f32 v43, v31  }
0x2ae: {  	v48 =	vmul.f32 v46, v34;
	[tilespmem:s21+$0x2D70] =	vst v47  }
0x2af: {  	[tilespmem:s21+$0x2D40] =	vst v15;
	v15 =	vmul.f32 v43, v14  }
0x2b0: {  	v49 =	vperm.xlane v62, v10;
	v50 =	vmul.f32 v46, v13;
	[tilespmem:s21+$0x3110] =	vst v48  }
0x2b1: {  	[tilespmem:s21+$0x2D60] =	vst v15;
	v15 =	vmul.f32 v46, v31  }
0x2b2: {  	v51 =	vmul.f32 v49, v34;
	[tilespmem:s21+$0x3130] =	vst v50  }
0x2b3: {  	[tilespmem:s21+$0x3100] =	vst v15;
	v15 =	vmul.f32 v46, v14  }
0x2b4: {  	v53 =	vld [tilespmem:s22+$0x180];
	v52 =	vperm.xlane v62, v11;
	v55 =	vmul.f32 v49, v13;
	[tilespmem:s21+$0x3150] =	vst v51  }
0x2b5: {  	v21 =	vperm.xlane v62, v12;
	[tilespmem:s21+$0x3120] =	vst v15;
	v15 =	vmul.f32 v49, v31  }
0x2b6: {  	v54 =	vld [tilespmem:s22+$0x190];
	v56 =	vmul.f32 v52, v31;
	v57 =	vmul.f32 v52, v14;
	[tilespmem:s21+$0x3170] =	vst v55  }
0x2b7: {  	v20 =	vmul.f32 v52, v13;
	[tilespmem:s21+$0x3140] =	vst v15;
	v15 =	vmul.f32 v49, v14  }
0x2b8: {  	v18 =	vmul.f32 v21, v31;
	v16 =	vmul.f32 v21, v34;
	[tilespmem:s21+$0x3500] =	vst v56  }
0x2b9: {  	v58 =	vperm.xlane v53, v1;
	[tilespmem:s21+$0x3160] =	vst v15;
	v15 =	vmul.f32 v52, v34  }
0x2ba: {  	v13 =	vmul.f32 v21, v13;
	v60 =	vperm.xlane v53, v2;
	[tilespmem:s21+$0x3520] =	vst v57  }
0x2bb: {  	v61 =	vperm.xlane v53, v3;
	[tilespmem:s21+$0x3510] =	vst v15;
	v15 =	vperm.xlane v54, v0  }
0x2bc: {  	v62 =	vperm.xlane v53, v5;
	v24 =	vperm.xlane v53, v4;
	[tilespmem:s21+$0x3530] =	vst v20  }
0x2bd: {  	[tilespmem:s21+$0x3540] =	vst v18;
	v14 =	vmul.f32 v21, v14;
	v59 =	vmul.f32 v58, v15  }
0x2be: {  	v27 =	vperm.xlane v53, v6;
	[tilespmem:s21+$0x3550] =	vst v16;
	v63 =	vmul.f32 v60, v15  }
0x2bf: {  	[tilespmem:s21+$0x3560] =	vst v14;
	v14 =	vmul.f32 v61, v15;
	v25 =	vmul.f32 v62, v59  }
0x2c0: {  	[tilespmem:s21+$0x3570] =	vst v13;
	v13 =	vmul.f32 v24, v15;
	v15 =	vmul.f32 v62, v63  }
0x2c1: {  	v26 =	vmul.f32 v62, v14;
	[tilespmem:s21+$0x2980] =	vst v25  }
0x2c2: {  	v30 =	vperm.xlane v53, v7;
	v28 =	vmul.f32 v27, v59;
	[tilespmem:s21+$0x2990] =	vst v15  }
0x2c3: {  	v29 =	vmul.f32 v27, v14;
	[tilespmem:s21+$0x29A0] =	vst v26  }
0x2c4: {  	v33 =	vperm.xlane v53, v8;
	v31 =	vmul.f32 v30, v59;
	[tilespmem:s21+$0x29C0] =	vst v28  }
0x2c5: {  	v32 =	vmul.f32 v30, v14;
	[tilespmem:s21+$0x29E0] =	vst v29  }
0x2c6: {  	v36 =	vperm.xlane v53, v9;
	v34 =	vmul.f32 v33, v59;
	[tilespmem:s21+$0x2D80] =	vst v31  }
0x2c7: {  	v35 =	vmul.f32 v33, v14;
	[tilespmem:s21+$0x2DA0] =	vst v32  }
0x2c8: {  	v39 =	vperm.xlane v53, v10;
	v37 =	vmul.f32 v36, v59;
	[tilespmem:s21+$0x2DC0] =	vst v34  }
0x2c9: {  	v38 =	vmul.f32 v36, v14;
	[tilespmem:s21+$0x2DE0] =	vst v35  }
0x2ca: {  	v41 =	vperm.xlane v53, v11;
	v40 =	vmul.f32 v39, v59;
	[tilespmem:s21+$0x3180] =	vst v37  }
0x2cb: {  	v43 =	vld [tilespmem:s22+$0x210];
	v42 =	vmul.f32 v39, v14;
	[tilespmem:s21+$0x31A0] =	vst v38  }
0x2cc: {  	v21 =	vld [tilespmem:s22+$0x200];
	v44 =	vmul.f32 v41, v59;
	[tilespmem:s21+$0x31C0] =	vst v40  }
0x2cd: {  	v45 =	vmul.f32 v41, v63;
	[tilespmem:s21+$0x31E0] =	vst v42  }
0x2ce: {  	v15 =	vmul.f32 v13, v62;
	[tilespmem:s21+$0x3580] =	vst v44  }
0x2cf: {  	v22 =	vperm.xlane v53, v12;
	v20 =	vmul.f32 v41, v13;
	[tilespmem:s21+$0x3590] =	vst v45  }
0x2d0: {  	v46 =	vperm.xlane v43, v0;
	[tilespmem:s21+$0x29B0] =	vst v15;
	v15 =	vmul.f32 v27, v63  }
0x2d1: {  	v48 =	vperm.xlane v21, v2;
	v17 =	vmul.f32 v22, v59;
	[tilespmem:s21+$0x35B0] =	vst v20  }
0x2d2: {  	v50 =	vperm.xlane v21, v5;
	[tilespmem:s21+$0x29D0] =	vst v15;
	v15 =	vmul.f32 v27, v13  }
0x2d3: {  	v51 =	vmul.f32 v48, v46;
	v16 =	vmul.f32 v22, v63;
	[tilespmem:s21+$0x35C0] =	vst v17  }
0x2d4: {  	v47 =	vperm.xlane v21, v1;
	[tilespmem:s21+$0x29F0] =	vst v15;
	v15 =	vmul.f32 v30, v63  }
0x2d5: {  	v56 =	vperm.xlane v21, v6;
	v54 =	vmul.f32 v50, v51;
	[tilespmem:s21+$0x35D0] =	vst v16  }
0x2d6: {  	v49 =	vperm.xlane v21, v3;
	[tilespmem:s21+$0x2D90] =	vst v15;
	v15 =	vmul.f32 v30, v13  }
0x2d7: {  	v59 =	vmul.f32 v56, v51;
	v29 =	vperm.xlane v21, v9;
	[tilespmem:s21+$0x2A10] =	vst v54  }
0x2d8: {  	v52 =	vperm.xlane v21, v4;
	[tilespmem:s21+$0x2DB0] =	vst v15;
	v15 =	vmul.f32 v33, v63  }
0x2d9: {  	v34 =	vperm.xlane v21, v10;
	[tilespmem:s21+$0x2A50] =	vst v59;
	v32 =	vmul.f32 v29, v51  }
0x2da: {  	v61 =	vperm.xlane v21, v7;
	[tilespmem:s21+$0x2DD0] =	vst v15;
	v15 =	vmul.f32 v33, v13  }
0x2db: {  	v38 =	vperm.xlane v21, v11;
	v37 =	vmul.f32 v34, v51;
	[tilespmem:s21+$0x3210] =	vst v32  }
0x2dc: {  	v24 =	vperm.xlane v21, v8;
	[tilespmem:s21+$0x2DF0] =	vst v15;
	v15 =	vmul.f32 v36, v63  }
0x2dd: {  	v21 =	vperm.xlane v21, v12;
	v44 =	vmul.f32 v38, v51;
	[tilespmem:s21+$0x3250] =	vst v37  }
0x2de: {  	[tilespmem:s21+$0x3190] =	vst v15;
	v15 =	vmul.f32 v36, v13  }
0x2df: {  	v16 =	vmul.f32 v21, v51;
	[tilespmem:s21+$0x3610] =	vst v44  }
0x2e0: {  	[tilespmem:s21+$0x31B0] =	vst v15;
	v15 =	vmul.f32 v39, v63  }
0x2e1: {  	v27 =	vmul.f32 v24, v51;
	[tilespmem:s21+$0x3650] =	vst v16  }
0x2e2: {  	[tilespmem:s21+$0x31D0] =	vst v15;
	v15 =	vmul.f32 v39, v13  }
0x2e3: {  	[tilespmem:s21+$0x2E50] =	vst v27;
	v13 =	vmul.f32 v22, v13  }
0x2e4: {  	[tilespmem:s21+$0x31F0] =	vst v15;
	v15 =	vmul.f32 v41, v14  }
0x2e5: {  	v14 =	vmul.f32 v22, v14;
	[tilespmem:s21+$0x35F0] =	vst v13;
	v13 =	vmul.f32 v52, v46  }
0x2e6: {  	v22 =	vmul.f32 v61, v51;
	[tilespmem:s21+$0x35A0] =	vst v15  }
0x2e7: {  	[tilespmem:s21+$0x35E0] =	vst v14;
	v57 =	vmul.f32 v13, v50  }
0x2e8: {  	v62 =	vmul.f32 v56, v13;
	[tilespmem:s21+$0x2E10] =	vst v22  }
0x2e9: {  	v25 =	vmul.f32 v61, v13;
	[tilespmem:s21+$0x2A30] =	vst v57  }
0x2ea: {  	v30 =	vmul.f32 v24, v13;
	[tilespmem:s21+$0x2A70] =	vst v62  }
0x2eb: {  	v35 =	vmul.f32 v29, v13;
	[tilespmem:s21+$0x2E30] =	vst v25  }
0x2ec: {  	v42 =	vmul.f32 v34, v13;
	[tilespmem:s21+$0x2E70] =	vst v30  }
0x2ed: {  	v15 =	vmul.f32 v47, v46;
	v20 =	vmul.f32 v38, v13;
	[tilespmem:s21+$0x3230] =	vst v35  }
0x2ee: {  	v14 =	vmul.f32 v49, v46;
	v13 =	vmul.f32 v21, v13;
	[tilespmem:s21+$0x3270] =	vst v42  }
0x2ef: {  	v53 =	vmul.f32 v50, v15;
	[tilespmem:s21+$0x3630] =	vst v20  }
0x2f0: {  	v55 =	vmul.f32 v50, v14;
	[tilespmem:s21+$0x3670] =	vst v13  }
0x2f1: {  	v39 =	vld [tilespmem:s22+$0x280];
	v58 =	vmul.f32 v56, v15;
	[tilespmem:s21+$0x2A00] =	vst v53  }
0x2f2: {  	v60 =	vmul.f32 v56, v14;
	[tilespmem:s21+$0x2A20] =	vst v55  }
0x2f3: {  	v63 =	vmul.f32 v61, v15;
	[tilespmem:s21+$0x2A40] =	vst v58  }
0x2f4: {  	v23 =	vmul.f32 v61, v14;
	[tilespmem:s21+$0x2A60] =	vst v60  }
0x2f5: {  	v26 =	vmul.f32 v24, v15;
	[tilespmem:s21+$0x2E00] =	vst v63  }
0x2f6: {  	v41 =	vld [tilespmem:s22+$0x290];
	v47 =	vperm.xlane v39, v1;
	v28 =	vmul.f32 v24, v14;
	[tilespmem:s21+$0x2E20] =	vst v23  }
0x2f7: {  	v49 =	vperm.xlane v39, v2;
	v31 =	vmul.f32 v29, v15;
	[tilespmem:s21+$0x2E40] =	vst v26  }
0x2f8: {  	v52 =	vperm.xlane v39, v4;
	v33 =	vmul.f32 v29, v14;
	[tilespmem:s21+$0x2E60] =	vst v28  }
0x2f9: {  	v36 =	vmul.f32 v34, v15;
	v40 =	vmul.f32 v34, v14;
	[tilespmem:s21+$0x3200] =	vst v31  }
0x2fa: {  	v43 =	vmul.f32 v38, v15;
	v45 =	vmul.f32 v38, v14;
	[tilespmem:s21+$0x3220] =	vst v33  }
0x2fb: {  	v15 =	vmul.f32 v21, v15;
	v46 =	vperm.xlane v41, v0;
	[tilespmem:s21+$0x3240] =	vst v36  }
0x2fc: {  	v14 =	vmul.f32 v21, v14;
	v50 =	vperm.xlane v39, v5;
	[tilespmem:s21+$0x3260] =	vst v40  }
0x2fd: {  	[tilespmem:s21+$0x3640] =	vst v15;
	v15 =	vperm.xlane v39, v3;
	v48 =	vmul.f32 v47, v46  }
0x2fe: {  	[tilespmem:s21+$0x3600] =	vst v43;
	v51 =	vmul.f32 v49, v46;
	v13 =	vmul.f32 v52, v46  }
0x2ff: {  	[tilespmem:s21+$0x3660] =	vst v14;
	v14 =	vmul.f32 v15, v46;
	v15 =	vmul.f32 v50, v48  }
0x300: {  	v54 =	vperm.xlane v39, v6;
	[tilespmem:s21+$0x3620] =	vst v45;
	v53 =	vmul.f32 v50, v51  }
0x301: {  	v55 =	vmul.f32 v13, v50;
	[tilespmem:s21+$0x2A80] =	vst v15  }
0x302: {  	v56 =	vmul.f32 v54, v51;
	[tilespmem:s21+$0x2A90] =	vst v53  }
0x303: {  	v15 =	vmul.f32 v50, v14;
	[tilespmem:s21+$0x2AB0] =	vst v55  }
0x304: {  	v57 =	vperm.xlane v39, v7;
	v58 =	vmul.f32 v54, v13;
	[tilespmem:s21+$0x2AD0] =	vst v56  }
0x305: {  	[tilespmem:s21+$0x2AA0] =	vst v15;
	v15 =	vmul.f32 v54, v48  }
0x306: {  	v59 =	vmul.f32 v57, v51;
	[tilespmem:s21+$0x2AF0] =	vst v58  }
0x307: {  	[tilespmem:s21+$0x2AC0] =	vst v15;
	v15 =	vmul.f32 v54, v14  }
0x308: {  	v60 =	vperm.xlane v39, v8;
	v61 =	vmul.f32 v57, v13;
	[tilespmem:s21+$0x2E90] =	vst v59  }
0x309: {  	[tilespmem:s21+$0x2AE0] =	vst v15;
	v15 =	vmul.f32 v57, v48  }
0x30a: {  	v62 =	vmul.f32 v60, v51;
	[tilespmem:s21+$0x2EB0] =	vst v61  }
0x30b: {  	[tilespmem:s21+$0x2E80] =	vst v15;
	v15 =	vmul.f32 v57, v14  }
0x30c: {  	v63 =	vperm.xlane v39, v9;
	v24 =	vmul.f32 v60, v13;
	[tilespmem:s21+$0x2ED0] =	vst v62  }
0x30d: {  	[tilespmem:s21+$0x2EA0] =	vst v15;
	v15 =	vmul.f32 v60, v48  }
0x30e: {  	v25 =	vmul.f32 v63, v51;
	[tilespmem:s21+$0x2EF0] =	vst v24  }
0x30f: {  	[tilespmem:s21+$0x2EC0] =	vst v15;
	v15 =	vmul.f32 v60, v14  }
0x310: {  	v26 =	vperm.xlane v39, v10;
	v27 =	vmul.f32 v63, v13;
	[tilespmem:s21+$0x3290] =	vst v25  }
0x311: {  	[tilespmem:s21+$0x2EE0] =	vst v15;
	v15 =	vmul.f32 v63, v48  }
0x312: {  	v28 =	vmul.f32 v26, v51;
	[tilespmem:s21+$0x32B0] =	vst v27  }
0x313: {  	v30 =	vld [tilespmem:s22+$0x300];
	[tilespmem:s21+$0x3280] =	vst v15;
	v15 =	vmul.f32 v63, v14  }
0x314: {  	v29 =	vperm.xlane v39, v11;
	v32 =	vmul.f32 v26, v13;
	[tilespmem:s21+$0x32D0] =	vst v28  }
0x315: {  	v22 =	vperm.xlane v39, v12;
	[tilespmem:s21+$0x32A0] =	vst v15;
	v15 =	vmul.f32 v26, v48  }
0x316: {  	v31 =	vld [tilespmem:s22+$0x310];
	v33 =	vmul.f32 v29, v48;
	v20 =	vmul.f32 v29, v13;
	[tilespmem:s21+$0x32F0] =	vst v32  }
0x317: {  	v18 =	vmul.f32 v22, v48;
	[tilespmem:s21+$0x32C0] =	vst v15;
	v15 =	vmul.f32 v26, v14  }
0x318: {  	v16 =	vmul.f32 v22, v51;
	v35 =	vperm.xlane v30, v1;
	[tilespmem:s21+$0x3680] =	vst v33  }
0x319: {  	v13 =	vmul.f32 v22, v13;
	[tilespmem:s21+$0x32E0] =	vst v15;
	v15 =	vmul.f32 v29, v51  }
0x31a: {  	v37 =	vperm.xlane v30, v2;
	v38 =	vperm.xlane v30, v3;
	[tilespmem:s21+$0x36B0] =	vst v20  }
0x31b: {  	v39 =	vperm.xlane v30, v5;
	[tilespmem:s21+$0x3690] =	vst v15;
	v15 =	vperm.xlane v31, v0  }
0x31c: {  	v41 =	vperm.xlane v30, v4;
	v34 =	vmul.f32 v29, v14;
	[tilespmem:s21+$0x36C0] =	vst v18  }
0x31d: {  	[tilespmem:s21+$0x36D0] =	vst v16;
	v14 =	vmul.f32 v22, v14;
	v36 =	vmul.f32 v35, v15  }
0x31e: {  	v44 =	vperm.xlane v30, v6;
	[tilespmem:s21+$0x36F0] =	vst v13;
	v40 =	vmul.f32 v37, v15  }
0x31f: {  	[tilespmem:s21+$0x36E0] =	vst v14;
	v14 =	vmul.f32 v38, v15;
	v42 =	vmul.f32 v39, v36  }
0x320: {  	[tilespmem:s21+$0x36A0] =	vst v34;
	v13 =	vmul.f32 v41, v15;
	v15 =	vmul.f32 v39, v40  }
0x321: {  	v43 =	vmul.f32 v39, v14;
	[tilespmem:s21+$0x2B00] =	vst v42  }
0x322: {  	v47 =	vperm.xlane v30, v7;
	v45 =	vmul.f32 v44, v36;
	[tilespmem:s21+$0x2B10] =	vst v15  }
0x323: {  	v46 =	vmul.f32 v44, v14;
	[tilespmem:s21+$0x2B20] =	vst v43  }
0x324: {  	v50 =	vperm.xlane v30, v8;
	v48 =	vmul.f32 v47, v36;
	[tilespmem:s21+$0x2B40] =	vst v45  }
0x325: {  	v49 =	vmul.f32 v47, v14;
	[tilespmem:s21+$0x2B60] =	vst v46  }
0x326: {  	v53 =	vperm.xlane v30, v9;
	v51 =	vmul.f32 v50, v36;
	[tilespmem:s21+$0x2F00] =	vst v48  }
0x327: {  	v52 =	vmul.f32 v50, v14;
	[tilespmem:s21+$0x2F20] =	vst v49  }
0x328: {  	v56 =	vperm.xlane v30, v10;
	v54 =	vmul.f32 v53, v36;
	[tilespmem:s21+$0x2F40] =	vst v51  }
0x329: {  	v55 =	vmul.f32 v53, v14;
	[tilespmem:s21+$0x2F60] =	vst v52  }
0x32a: {  	v58 =	vperm.xlane v30, v11;
	v57 =	vmul.f32 v56, v36;
	[tilespmem:s21+$0x3300] =	vst v54  }
0x32b: {  	v60 =	vld [tilespmem:s22+$0x390];
	v59 =	vmul.f32 v56, v14;
	[tilespmem:s21+$0x3320] =	vst v55  }
0x32c: {  	v22 =	vld [tilespmem:s22+$0x380];
	v61 =	vmul.f32 v58, v36;
	[tilespmem:s21+$0x3340] =	vst v57  }
0x32d: {  	v62 =	vmul.f32 v58, v40;
	[tilespmem:s21+$0x3360] =	vst v59  }
0x32e: {  	v15 =	vmul.f32 v13, v39;
	[tilespmem:s21+$0x3700] =	vst v61  }
0x32f: {  	v21 =	vperm.xlane v30, v12;
	v20 =	vmul.f32 v58, v13;
	[tilespmem:s21+$0x3710] =	vst v62  }
0x330: {  	v63 =	vperm.xlane v60, v0;
	[tilespmem:s21+$0x2B30] =	vst v15;
	v15 =	vmul.f32 v44, v40  }
0x331: {  	v24 =	vperm.xlane v22, v2;
	v17 =	vmul.f32 v21, v36;
	[tilespmem:s21+$0x3730] =	vst v20  }
0x332: {  	v26 =	vperm.xlane v22, v5;
	[tilespmem:s21+$0x2B50] =	vst v15;
	v15 =	vmul.f32 v44, v13  }
0x333: {  	v27 =	vmul.f32 v24, v63;
	v16 =	vmul.f32 v21, v40;
	[tilespmem:s21+$0x3740] =	vst v17  }
0x334: {  	[tilespmem:s21+$0x2B70] =	vst v15;
	v15 =	vmul.f32 v47, v40  }
0x335: {  	v32 =	vperm.xlane v22, v6;
	v30 =	vmul.f32 v26, v27;
	[tilespmem:s21+$0x3750] =	vst v16  }
0x336: {  	[tilespmem:s21+$0x2F10] =	vst v15;
	v15 =	vmul.f32 v47, v13  }
0x337: {  	v35 =	vmul.f32 v32, v27;
	v42 =	vperm.xlane v22, v8;
	[tilespmem:s21+$0x2B90] =	vst v30  }
0x338: {  	[tilespmem:s21+$0x2F30] =	vst v15;
	v15 =	vmul.f32 v50, v40  }
0x339: {  	v52 =	vperm.xlane v22, v10;
	[tilespmem:s21+$0x2BD0] =	vst v35;
	v45 =	vmul.f32 v42, v27  }
0x33a: {  	[tilespmem:s21+$0x2F50] =	vst v15;
	v15 =	vmul.f32 v50, v13  }
0x33b: {  	v57 =	vperm.xlane v22, v11;
	v55 =	vmul.f32 v52, v27;
	[tilespmem:s21+$0x2FD0] =	vst v45  }
0x33c: {  	[tilespmem:s21+$0x2F70] =	vst v15;
	v15 =	vmul.f32 v53, v40  }
0x33d: {  	v62 =	vperm.xlane v22, v12;
	v60 =	vmul.f32 v57, v27;
	[tilespmem:s21+$0x33D0] =	vst v55  }
0x33e: {  	[tilespmem:s21+$0x3310] =	vst v15;
	v15 =	vmul.f32 v53, v13  }
0x33f: {  	v16 =	vmul.f32 v62, v27;
	[tilespmem:s21+$0x3790] =	vst v60;
	v47 =	vperm.xlane v22, v9  }
0x340: {  	[tilespmem:s21+$0x3330] =	vst v15;
	v15 =	vmul.f32 v56, v40  }
0x341: {  	[tilespmem:s21+$0x37D0] =	vst v16;
	v50 =	vmul.f32 v47, v27  }
0x342: {  	v37 =	vperm.xlane v22, v7;
	[tilespmem:s21+$0x3350] =	vst v15;
	v15 =	vmul.f32 v56, v13  }
0x343: {  	v28 =	vperm.xlane v22, v4;
	[tilespmem:s21+$0x3390] =	vst v50;
	v13 =	vmul.f32 v21, v13  }
0x344: {  	v40 =	vmul.f32 v37, v27;
	[tilespmem:s21+$0x3370] =	vst v15  }
0x345: {  	v15 =	vmul.f32 v58, v14;
	[tilespmem:s21+$0x3770] =	vst v13;
	v13 =	vmul.f32 v28, v63  }
0x346: {  	[tilespmem:s21+$0x2F90] =	vst v40;
	v14 =	vmul.f32 v21, v14  }
0x347: {  	[tilespmem:s21+$0x3720] =	vst v15;
	v33 =	vmul.f32 v13, v26  }
0x348: {  	[tilespmem:s21+$0x3760] =	vst v14;
	v38 =	vmul.f32 v32, v13  }
0x349: {  	v43 =	vmul.f32 v37, v13;
	[tilespmem:s21+$0x2BB0] =	vst v33  }
0x34a: {  	v23 =	vperm.xlane v22, v1;
	v48 =	vmul.f32 v42, v13;
	[tilespmem:s21+$0x2BF0] =	vst v38  }
0x34b: {  	v25 =	vperm.xlane v22, v3;
	v53 =	vmul.f32 v47, v13;
	[tilespmem:s21+$0x2FB0] =	vst v43  }
0x34c: {  	v15 =	vmul.f32 v23, v63;
	v58 =	vmul.f32 v52, v13;
	[tilespmem:s21+$0x2FF0] =	vst v48  }
0x34d: {  	v14 =	vmul.f32 v25, v63;
	v63 =	vmul.f32 v57, v13;
	[tilespmem:s21+$0x33B0] =	vst v53  }
0x34e: {  	v13 =	vmul.f32 v62, v13;
	[tilespmem:s21+$0x33F0] =	vst v58  }
0x34f: {  	v29 =	vmul.f32 v26, v15;
	[tilespmem:s21+$0x37B0] =	vst v63  }
0x350: {  	v31 =	vmul.f32 v26, v14;
	[tilespmem:s21+$0x37F0] =	vst v13  }
0x351: {  	v34 =	vmul.f32 v32, v15;
	[tilespmem:s21+$0x2B80] =	vst v29  }
0x352: {  	v36 =	vmul.f32 v32, v14;
	[tilespmem:s21+$0x2BA0] =	vst v31  }
0x353: {  	v39 =	vmul.f32 v37, v15;
	[tilespmem:s21+$0x2BC0] =	vst v34  }
0x354: {  	v41 =	vmul.f32 v37, v14;
	[tilespmem:s21+$0x2BE0] =	vst v36  }
0x355: {  	v44 =	vmul.f32 v42, v15;
	[tilespmem:s21+$0x2F80] =	vst v39  }
0x356: {  	v46 =	vmul.f32 v42, v14;
	[tilespmem:s21+$0x2FA0] =	vst v41  }
0x357: {  	v49 =	vmul.f32 v47, v15;
	[tilespmem:s21+$0x2FC0] =	vst v44  }
0x358: {  	v51 =	vmul.f32 v47, v14;
	[tilespmem:s21+$0x2FE0] =	vst v46  }
0x359: {  	v54 =	vmul.f32 v52, v15;
	[tilespmem:s21+$0x3380] =	vst v49  }
0x35a: {  	v56 =	vmul.f32 v52, v14;
	[tilespmem:s21+$0x33A0] =	vst v51  }
0x35b: {  	p1 =	slt.u32 s20, $0x20;
	v59 =	vmul.f32 v57, v15;
	[tilespmem:s21+$0x33C0] =	vst v54  }
.Ltmp7:
0x35c: {  	v61 =	vmul.f32 v57, v14;
	[tilespmem:s21+$0x33E0] =	vst v56;
	(pc) =	sbr.rel @p1 .LBB2_10-.Ltmp7, $4  }
0x35d: {  	v15 =	vmul.f32 v62, v15;
	[tilespmem:s21+$0x3780] =	vst v59  }
0x35e: {  	v14 =	vmul.f32 v62, v14;
	[tilespmem:s21+$0x37A0] =	vst v61  }
0x35f: {  	[tilespmem:s21+$0x37C0] =	vst v15  }
0x360: {  	s20 =	sadd.s32 $0x8, s20;
	[tilespmem:s21+$0x37E0] =	vst v14  }
.Ltmp8:
0x361: {  	(pc) =	sbr.rel .LBB2_12-.Ltmp8, $2  }
0x362: {  	_ =	sdelay $0x2  }
0x363: {  	[hbm4b:s10+s3] =	stream.linear.scatter [tilespmem:s14], [sflag:$0x1], $0x5000, $0x38;
	[tilespmem:$0xC800] =	vst v63  }
.LBB2_13:
0x364: {  	_ =	sfence.sel $0x180000  }
0x365: {  	[bflag:$0x0] =	sbarrier.arrive $0xFFFF  }
0x366: {  	p0 =	sne.s32 s1, $0x0;
	_ =	strace $0x90000047  }
0x367: {  	s0 =	sadd.s32 @!p0 $0x100000, s0;
	[bflag:$0x2] =	sbarrier.arrive $0xFFFF  }
0x368: {  	[sflag:s0] =	ssyncadd.tile.s32 @!p0 $0x1;
	_ =	shalt  }
.Lfunc_end2:
_tile_overlayer_lowered:
.L_overlay_start_2:
0x369: {  	(tag) =	ssettag $0x2  }
0x36a: {  	s0 =	rddreg [dreg:$0x0];
	s2 =	stileid.u32  }
0x36b: {  	s1 =	rddreg [dreg:$0x1];
	p0 =	sne.s32 s2, $0x0  }
0x36c: {  	s3 =	rddreg [dreg:$0x2];
	[bflag:$0x3] =	sbarrier.arrive $0xFFFF;
	s2 =	simm.s32 @!p0 $0x1C05  }
0x36d: {  	[timem:s3], [sflag:s2] =	dma.local @!p0 [hbm:s0], s1  }
0x36e: {  	s0 =	simm.s32 @!p0 $0x5  }
0x36f: {  	_ =	swait.ge @!p0 [sflag:s0], s1  }
0x370: {  	s1 =	ssub.s32 @!p0 $0x0, s1;
	[sflag:s0] =	ssyncset.done @!p0 $0x0  }
0x371: {  	[sflag:s0] =	ssyncadd.s32 @!p0 s1  }
0x372: {  	[bflag:$0x3] =	sbarrier.arrive $0xFFFF  }
0x373: {  	_ =	shalt  }

</sc_bundles>
